<compile_context>
chip_gen: v7x
topology: tpu7x:2x2x1
jax: 0.10.2.dev20260603
libtpu: 0.0.44.dev20260713+nightly
codegen_flags: <defaults>
</compile_context>

<pallas_src>
import functools
import math

import jax
import jax.numpy as jnp
from jax import lax
from jax.experimental import pallas as pl
from jax.experimental.pallas import tpu as pltpu
from jax.experimental.pallas import tpu_sc as plsc

_NUM_BUCKETS = 32
_NUM_HEADS = 16
_MAX_DIST = 128
_SEQ = 2048
_NDIAG = 2 * _SEQ - 1
_BROWS = 33
_BTAB = _BROWS * 128
_VROW = 4112
_HALF_ROWS = _SEQ // 2


def _bucket_tc_body(delta_ref, out_ref):
    flat = lax.broadcasted_iota(jnp.int32, (_BTAB,), 0)
    rel = flat - (_SEQ - 1) + delta_ref[0]
    half = _NUM_BUCKETS // 2
    buckets = (rel > 0).astype(jnp.int32) * half
    arel = jnp.abs(rel)
    max_exact = half // 2
    large = max_exact + (
        jnp.log(arel.astype(jnp.float32) / max_exact)
        / math.log(_MAX_DIST / max_exact)
        * (half - max_exact)
    ).astype(jnp.int32)
    large = jnp.minimum(large, half - 1)
    out_ref[...] = buckets + jnp.where(arel < max_exact, arel, large)


_bucket_tc = pl.pallas_call(
    _bucket_tc_body,
    out_shape=jax.ShapeDtypeStruct((_BTAB,), jnp.int32),
    in_specs=[pl.BlockSpec(memory_space=pltpu.SMEM)],
    out_specs=pl.BlockSpec(memory_space=pltpu.VMEM),
)


def _sc_materialize_body(
    btab_hbm, emb_hbm, out_hbm, btab_v, emb_v, vtab0,
    stage0, stage1, stage2, sem0, sem1, sem2
):
    stages = (stage0, stage1, stage2)
    sems = (sem0, sem1, sem2)
    cid = lax.axis_index("c")
    sid = lax.axis_index("s")
    wid = sid * 2 + cid
    head = wid // 2
    half = wid - head * 2
    c0 = pltpu.async_copy(btab_hbm, btab_v, sem0)
    c1 = pltpu.async_copy(emb_hbm, emb_v, sem1)
    c0.wait()
    c1.wait()
    iota = lax.iota(jnp.int32, 16)
    hvec = jnp.zeros((16,), jnp.int32) + head
    row0 = half * _HALF_ROWS

    @plsc.parallel_loop(0, _VROW // 16, unroll=4)
    def _build(k):
        bidx = btab_v[pl.ds(k * 16, 16)]
        vtab0[pl.ds(k * 16, 16)] = plsc.load_gather(emb_v, [bidx, hvec])

    nbuf = len(stages)
    rows_blk = 16

    def one_block(k, buf, wait):
        i0 = row0 + k * rows_blk
        stage = stages[buf]

        @pl.when(wait)
        def _wait_prev():
            pltpu.make_async_copy(
                stage, out_hbm.at[pl.ds(0, rows_blk)], sems[buf]
            ).wait()

        start0 = _SEQ - 1 - i0

        @plsc.parallel_loop(0, _SEQ // 16, unroll=8)
        def _fill(c):
            c16 = c * 16
            idx0 = start0 + c16 + iota
            for r in range(rows_blk):
                stage[r, pl.ds(c16, 16)] = plsc.load_gather(vtab0, [idx0 - r])

        pltpu.async_copy(
            stage, out_hbm.at[pl.ds(head * _SEQ + i0, rows_blk)], sems[buf]
        )

    nblocks = _HALF_ROWS // rows_blk

    def block(bk, carry):
        for buf in range(nbuf):
            one_block(bk * nbuf + buf, buf, bk > 0)
        return carry

    lax.fori_loop(0, nblocks // nbuf, block, 0)
    for rem in range(nblocks - (nblocks // nbuf) * nbuf):
        one_block(nblocks - nblocks % nbuf + rem, rem, True)
    for buf in range(nbuf):
        pltpu.make_async_copy(
            stages[buf], out_hbm.at[pl.ds(0, rows_blk)], sems[buf]
        ).wait()


@functools.cache
def _sc_materialize():
    return pl.kernel(
        _sc_materialize_body,
        out_type=jax.ShapeDtypeStruct((_NUM_HEADS * _SEQ, _SEQ), jnp.float32),
        mesh=plsc.VectorSubcoreMesh(core_axis_name="c", subcore_axis_name="s"),
        compiler_params=pltpu.CompilerParams(needs_layout_passes=False),
        scratch_types=[
            pltpu.VMEM((_BTAB,), jnp.int32),
            pltpu.VMEM((_NUM_BUCKETS, _NUM_HEADS), jnp.float32),
            pltpu.VMEM((_VROW,), jnp.float32),
            pltpu.VMEM((16, _SEQ), jnp.float32),
            pltpu.VMEM((16, _SEQ), jnp.float32),
            pltpu.VMEM((16, _SEQ), jnp.float32),
            pltpu.SemaphoreType.DMA,
            pltpu.SemaphoreType.DMA,
            pltpu.SemaphoreType.DMA,
        ],
    )


def kernel(lq, lk, embedding):
    delta = jnp.reshape(jnp.asarray(lk - lq, dtype=jnp.int32), (1,))
    btab = _bucket_tc(delta)
    out = _sc_materialize()(btab, embedding.astype(jnp.float32))
    return out.reshape(1, _NUM_HEADS, _SEQ, _SEQ)

# --- scband reference (transcript-rebuilt; emitter-appended) ---
"""Pipeline reference for scband-t5-relative-embedding-33483565040070 (READ-ONLY COPY).

The authoritative reference and input builder live on the scoring server;
editing this copy changes nothing except your own understanding.
"""

import jax, jax.numpy as jnp
import numpy as np
import math

NUM_BUCKETS = 32
NUM_HEADS = 16
BIDIRECTIONAL = True
MAX_DIST = 128


def setup_inputs(seed: int = 0) -> dict:
    key = jax.random.key(seed)
    embedding = jax.random.normal(key, (NUM_BUCKETS, NUM_HEADS), dtype=jnp.float32) * 0.02
    return {"lq": 2048, "lk": 2048, "embedding": embedding}


def _relative_position_bucket(rel_pos):
    if BIDIRECTIONAL:
        num_buckets = NUM_BUCKETS // 2
        rel_buckets = (rel_pos > 0).astype(jnp.int32) * num_buckets
        rel_pos = jnp.abs(rel_pos)
    else:
        num_buckets = NUM_BUCKETS
        rel_buckets = 0
        rel_pos = -jnp.minimum(rel_pos, jnp.zeros_like(rel_pos))
    max_exact = num_buckets // 2
    is_small = rel_pos < max_exact
    rel_pos_large = max_exact + (
        jnp.log(rel_pos.astype(jnp.float32) / max_exact)
        / math.log(MAX_DIST / max_exact)
        * (num_buckets - max_exact)
    ).astype(jnp.int32)
    rel_pos_large = jnp.minimum(rel_pos_large, num_buckets - 1)
    rel_buckets = rel_buckets + jnp.where(is_small, rel_pos, rel_pos_large)
    return rel_buckets


def reference(lq, lk, embedding):
    lq_static = 2048
    lk_static = 2048
    q_pos = (jnp.arange(lq_static) + (lq - lq_static))[:, None]
    k_pos = (jnp.arange(lk_static) + (lk - lk_static))[None, :]
    rel_pos = k_pos - q_pos
    rel_pos_buckets = _relative_position_bucket(rel_pos)
    rel_pos_embeds = jnp.take(embedding, rel_pos_buckets, axis=0)
    rel_pos_embeds = rel_pos_embeds.transpose(2, 0, 1)[None, :, :, :]
    return rel_pos_embeds

if __name__ == "__main__":
    import jax
    _d = setup_inputs()
    print(jax.jit(kernel)(*tuple(_d.values())))

</pallas_src>

<mosaic_0001>
#map = affine_map<(d0, d1) -> (0)>
#map1 = affine_map<(d0, d1) -> (0, 0)>
module attributes {stable_mosaic.version = 14 : i64} {
  func.func @_sc_materialize_body(%arg0: i32, %arg1: i32, %arg2: memref<4224xi32, #tpu.memory_space<hbm>>, %arg3: memref<32x16xf32, #tpu.memory_space<hbm>>, %arg4: memref<32768x2048xf32, #tpu.memory_space<hbm>>, %arg5: memref<4224xi32, #tpu.memory_space<vmem>>, %arg6: memref<32x16xf32, #tpu.memory_space<vmem>>, %arg7: memref<4112xf32, #tpu.memory_space<vmem>>, %arg8: memref<16x2048xf32, #tpu.memory_space<vmem>>, %arg9: memref<16x2048xf32, #tpu.memory_space<vmem>>, %arg10: memref<16x2048xf32, #tpu.memory_space<vmem>>, %arg11: memref<!tpu.dma_semaphore, #tpu.memory_space<semaphore_mem>>, %arg12: memref<!tpu.dma_semaphore, #tpu.memory_space<semaphore_mem>>, %arg13: memref<!tpu.dma_semaphore, #tpu.memory_space<semaphore_mem>>) attributes {dimension_semantics = [#tpu.dimension_semantics<core_parallel>, #tpu.dimension_semantics<subcore_parallel>], iteration_bounds = array<i64: 2, 16>, scalar_prefetch = 0 : i64, scratch_operands = 9 : i64, tpu.core_type = #tpu.core_type<sc_vector_subcore>, window_params = [{transform_indices = #map}, {transform_indices = #map1}, {transform_indices = #map1}]} {
    %mul3A = arith.constant 2 : i32
    %mul3A_0 = arith.muli %arg1, %mul3A : i32
    %add3A = arith.addi %mul3A_0, %arg0 : i32
    %jit3A = arith.constant 2 : i32
    %div3A = arith.divsi %add3A, %jit3A : i32
    %sign3A = arith.constant 0 : i32
    %sign3A_1 = arith.cmpi sgt, %add3A, %sign3A : i32
    %sign3A_2 = arith.extui %sign3A_1 : i1 to i32
    %sign3A_3 = arith.constant 0 : i32
    %sign3A_4 = arith.cmpi slt, %add3A, %sign3A_3 : i32
    %sign3A_5 = arith.extui %sign3A_4 : i1 to i32
    %sign3A_6 = arith.subi %sign3A_2, %sign3A_5 : i32
    %sign3A_7 = arith.constant 0 : i32
    %sign3A_8 = arith.cmpi sgt, %jit3A, %sign3A_7 : i32
    %sign3A_9 = arith.extui %sign3A_8 : i1 to i32
    %sign3A_10 = arith.constant 0 : i32
    %sign3A_11 = arith.cmpi slt, %jit3A, %sign3A_10 : i32
    %sign3A_12 = arith.extui %sign3A_11 : i1 to i32
    %sign3A_13 = arith.subi %sign3A_9, %sign3A_12 : i32
    %ne3A = arith.cmpi ne, %sign3A_6, %sign3A_13 : i32
    %rem3A = arith.remsi %add3A, %jit3A : i32
    %ne3A_14 = arith.constant 0 : i32
    %ne3A_15 = arith.cmpi ne, %rem3A, %ne3A_14 : i32
    %and3A = arith.andi %ne3A, %ne3A_15 : i1
    %sub3A = arith.constant 1 : i32
    %sub3A_16 = arith.subi %div3A, %sub3A : i32
    %select_n3A = arith.select %and3A, %sub3A_16, %div3A : i32
    %mul3A_17 = arith.constant 2 : i32
    %mul3A_18 = arith.muli %select_n3A, %mul3A_17 : i32
    %sub3A_19 = arith.subi %add3A, %mul3A_18 : i32
    tpu.enqueue_dma source(%arg2 : memref<4224xi32, #tpu.memory_space<hbm>>) target(%arg5 : memref<4224xi32, #tpu.memory_space<vmem>>) target_semaphore(%arg11 : memref<!tpu.dma_semaphore, #tpu.memory_space<semaphore_mem>>)
    tpu.enqueue_dma source(%arg3 : memref<32x16xf32, #tpu.memory_space<hbm>>) target(%arg6 : memref<32x16xf32, #tpu.memory_space<vmem>>) target_semaphore(%arg12 : memref<!tpu.dma_semaphore, #tpu.memory_space<semaphore_mem>>)
    tpu.wait_dma2 semaphore(%arg11 : memref<!tpu.dma_semaphore, #tpu.memory_space<semaphore_mem>>) src(%arg2 : memref<4224xi32, #tpu.memory_space<hbm>>) dst(%arg5 : memref<4224xi32, #tpu.memory_space<vmem>>)
    tpu.wait_dma2 semaphore(%arg12 : memref<!tpu.dma_semaphore, #tpu.memory_space<semaphore_mem>>) src(%arg3 : memref<32x16xf32, #tpu.memory_space<hbm>>) dst(%arg6 : memref<32x16xf32, #tpu.memory_space<vmem>>)
    %iota3A = tpu.iota {dimensions = array<i32: 0>} : vector<16xi32>
    %broadcast_in_dim3A = arith.constant 0 : i32
    %broadcast_in_dim3A_20 = vector.broadcast %broadcast_in_dim3A : i32 to vector<16xi32>
    %add3A_21 = vector.broadcast %select_n3A : i32 to vector<16xi32>
    %add3A_22 = arith.addi %broadcast_in_dim3A_20, %add3A_21 : vector<16xi32>
    %mul3A_23 = arith.constant 1024 : i32
    %mul3A_24 = arith.muli %sub3A_19, %mul3A_23 : i32
    %parallel_loop3A = arith.constant 0 : i32
    %parallel_loop3A_25 = arith.constant 257 : i32
    %parallel_loop3A_26 = arith.constant 1 : i32
    scf.for %parallel_loop3A_68 = %parallel_loop3A to %parallel_loop3A_25 step %parallel_loop3A_26  : i32 {
      %parallel_loop3A_69 = arith.constant 16 : i32
      %parallel_loop3A_70 = arith.muli %parallel_loop3A_68, %parallel_loop3A_69 : i32
      %parallel_loop3A_71 = arith.index_cast %parallel_loop3A_70 : i32 to index
      %parallel_loop3A_72 = tpu.vector_load %arg5[%parallel_loop3A_71] {strides = array<i32>} : memref<4224xi32, #tpu.memory_space<vmem>>, vector<16xi32>,
      %parallel_loop3A_73 = tpu.vector_load_idx %arg6[%parallel_loop3A_72, %add3A_22] : memref<32x16xf32, #tpu.memory_space<vmem>>[vector<16xi32>, vector<16xi32>], vector<16xf32>,
      %parallel_loop3A_74 = arith.constant 16 : i32
      %parallel_loop3A_75 = arith.muli %parallel_loop3A_68, %parallel_loop3A_74 : i32
      %parallel_loop3A_76 = arith.index_cast %parallel_loop3A_75 : i32 to index
      %parallel_loop3A_77 = tpu.vector_load %arg7[%parallel_loop3A_76] {strides = array<i32>} : memref<4112xf32, #tpu.memory_space<vmem>>, vector<16xf32>,
      tpu.vector_store %arg7[%parallel_loop3A_76], %parallel_loop3A_73 {strides = array<i32>} : memref<4112xf32, #tpu.memory_space<vmem>>, vector<16xf32>,
    } {sc.loop_unroll_factor = 4 : i64, sc.parallel_access}
    %scan3A = arith.constant 0 : i32
    %scan3A_27 = arith.constant 0 : i32
    %scan3A_28 = arith.constant 21 : i32
    %scan3A_29 = arith.addi %scan3A_27, %scan3A_28 : i32
    %scan3A_30 = arith.constant 1 : i32
    scf.for %scan3A_68 = %scan3A_27 to %scan3A_29 step %scan3A_30  : i32 {
      %mul3A_69 = arith.constant 3 : i32
      %mul3A_70 = arith.muli %scan3A_68, %mul3A_69 : i32
      %add3A_71 = arith.constant 0 : i32
      %add3A_72 = arith.addi %mul3A_70, %add3A_71 : i32
      %gt3A = arith.constant 0 : i32
      %gt3A_73 = arith.cmpi sgt, %scan3A_68, %gt3A : i32
      %mul3A_74 = arith.constant 16 : i32
      %mul3A_75 = arith.muli %add3A_72, %mul3A_74 : i32
      %add3A_76 = arith.addi %mul3A_24, %mul3A_75 : i32
      %convert_element_type3A = arith.extui %gt3A_73 : i1 to i32
      %cond3A = arith.constant 0 : i32
      %cond3A_77 = arith.cmpi ne, %convert_element_type3A, %cond3A : i32
      scf.if %cond3A_77 {
        %dma_wait3A_138 = arith.constant 0 : i32
        %dma_wait3A_139 = arith.constant 0 : i32
        %dma_wait3A_140 = tpu.memref_slice %arg4[%dma_wait3A_138, %dma_wait3A_139] : memref<32768x2048xf32, #tpu.memory_space<hbm>> -> memref<16x2048xf32, #tpu.memory_space<hbm>>
        %dma_wait3A_141 = arith.constant 0 : i32
        %dma_wait3A_142 = arith.constant 0 : i32
        %dma_wait3A_143 = tpu.memref_slice %arg4[%dma_wait3A_141, %dma_wait3A_142] : memref<32768x2048xf32, #tpu.memory_space<hbm>> -> memref<16x2048xf32, #tpu.memory_space<hbm>>
        tpu.wait_dma2 semaphore(%arg11 : memref<!tpu.dma_semaphore, #tpu.memory_space<semaphore_mem>>) src(%arg8 : memref<16x2048xf32, #tpu.memory_space<vmem>>) dst(%dma_wait3A_143 : memref<16x2048xf32, #tpu.memory_space<hbm>>)
      } else {
      }
      %sub3A_78 = arith.constant 2047 : i32
      %sub3A_79 = arith.subi %sub3A_78, %add3A_76 : i32
      %parallel_loop3A_80 = arith.constant 0 : i32
      %parallel_loop3A_81 = arith.constant 128 : i32
      %parallel_loop3A_82 = arith.constant 1 : i32
      scf.for %parallel_loop3A_138 = %parallel_loop3A_80 to %parallel_loop3A_81 step %parallel_loop3A_82  : i32 {
        %parallel_loop3A_139 = arith.constant 16 : i32
        %parallel_loop3A_140 = arith.muli %parallel_loop3A_138, %parallel_loop3A_139 : i32
        %parallel_loop3A_141 = arith.addi %sub3A_79, %parallel_loop3A_140 : i32
        %parallel_loop3A_142 = vector.broadcast %parallel_loop3A_141 : i32 to vector<16xi32>
        %parallel_loop3A_143 = arith.addi %parallel_loop3A_142, %iota3A : vector<16xi32>
        %parallel_loop3A_144 = arith.constant 0 : i32
        %parallel_loop3A_145 = vector.broadcast %parallel_loop3A_144 : i32 to vector<16xi32>
        %parallel_loop3A_146 = arith.subi %parallel_loop3A_143, %parallel_loop3A_145 : vector<16xi32>
        %parallel_loop3A_147 = tpu.vector_load_idx %arg7[%parallel_loop3A_146] : memref<4112xf32, #tpu.memory_space<vmem>>[vector<16xi32>], vector<16xf32>,
        %parallel_loop3A_148 = arith.constant 0 : i32
        %parallel_loop3A_149 = arith.index_cast %parallel_loop3A_148 : i32 to index
        %parallel_loop3A_150 = arith.index_cast %parallel_loop3A_140 : i32 to index
        %parallel_loop3A_151 = tpu.vector_load %arg8[%parallel_loop3A_149, %parallel_loop3A_150] {strides = array<i32>} : memref<16x2048xf32, #tpu.memory_space<vmem>>, vector<16xf32>,
        tpu.vector_store %arg8[%parallel_loop3A_149, %parallel_loop3A_150], %parallel_loop3A_147 {strides = array<i32>} : memref<16x2048xf32, #tpu.memory_space<vmem>>, vector<16xf32>,
        %parallel_loop3A_152 = arith.constant 1 : i32
        %parallel_loop3A_153 = vector.broadcast %parallel_loop3A_152 : i32 to vector<16xi32>
        %parallel_loop3A_154 = arith.subi %parallel_loop3A_143, %parallel_loop3A_153 : vector<16xi32>
        %parallel_loop3A_155 = tpu.vector_load_idx %arg7[%parallel_loop3A_154] : memref<4112xf32, #tpu.memory_space<vmem>>[vector<16xi32>], vector<16xf32>,
        %parallel_loop3A_156 = arith.constant 1 : i32
        %parallel_loop3A_157 = arith.index_cast %parallel_loop3A_156 : i32 to index
        %parallel_loop3A_158 = arith.index_cast %parallel_loop3A_140 : i32 to index
        %parallel_loop3A_159 = tpu.vector_load %arg8[%parallel_loop3A_157, %parallel_loop3A_158] {strides = array<i32>} : memref<16x2048xf32, #tpu.memory_space<vmem>>, vector<16xf32>,
        tpu.vector_store %arg8[%parallel_loop3A_157, %parallel_loop3A_158], %parallel_loop3A_155 {strides = array<i32>} : memref<16x2048xf32, #tpu.memory_space<vmem>>, vector<16xf32>,
        %parallel_loop3A_160 = arith.constant 2 : i32
        %parallel_loop3A_161 = vector.broadcast %parallel_loop3A_160 : i32 to vector<16xi32>
        %parallel_loop3A_162 = arith.subi %parallel_loop3A_143, %parallel_loop3A_161 : vector<16xi32>
        %parallel_loop3A_163 = tpu.vector_load_idx %arg7[%parallel_loop3A_162] : memref<4112xf32, #tpu.memory_space<vmem>>[vector<16xi32>], vector<16xf32>,
        %parallel_loop3A_164 = arith.constant 2 : i32
        %parallel_loop3A_165 = arith.index_cast %parallel_loop3A_164 : i32 to index
        %parallel_loop3A_166 = arith.index_cast %parallel_loop3A_140 : i32 to index
        %parallel_loop3A_167 = tpu.vector_load %arg8[%parallel_loop3A_165, %parallel_loop3A_166] {strides = array<i32>} : memref<16x2048xf32, #tpu.memory_space<vmem>>, vector<16xf32>,
        tpu.vector_store %arg8[%parallel_loop3A_165, %parallel_loop3A_166], %parallel_loop3A_163 {strides = array<i32>} : memref<16x2048xf32, #tpu.memory_space<vmem>>, vector<16xf32>,
        %parallel_loop3A_168 = arith.constant 3 : i32
        %parallel_loop3A_169 = vector.broadcast %parallel_loop3A_168 : i32 to vector<16xi32>
        %parallel_loop3A_170 = arith.subi %parallel_loop3A_143, %parallel_loop3A_169 : vector<16xi32>
        %parallel_loop3A_171 = tpu.vector_load_idx %arg7[%parallel_loop3A_170] : memref<4112xf32, #tpu.memory_space<vmem>>[vector<16xi32>], vector<16xf32>,
        %parallel_loop3A_172 = arith.constant 3 : i32
        %parallel_loop3A_173 = arith.index_cast %parallel_loop3A_172 : i32 to index
        %parallel_loop3A_174 = arith.index_cast %parallel_loop3A_140 : i32 to index
        %parallel_loop3A_175 = tpu.vector_load %arg8[%parallel_loop3A_173, %parallel_loop3A_174] {strides = array<i32>} : memref<16x2048xf32, #tpu.memory_space<vmem>>, vector<16xf32>,
        tpu.vector_store %arg8[%parallel_loop3A_173, %parallel_loop3A_174], %parallel_loop3A_171 {strides = array<i32>} : memref<16x2048xf32, #tpu.memory_space<vmem>>, vector<16xf32>,
        %parallel_loop3A_176 = arith.constant 4 : i32
        %parallel_loop3A_177 = vector.broadcast %parallel_loop3A_176 : i32 to vector<16xi32>
        %parallel_loop3A_178 = arith.subi %parallel_loop3A_143, %parallel_loop3A_177 : vector<16xi32>
        %parallel_loop3A_179 = tpu.vector_load_idx %arg7[%parallel_loop3A_178] : memref<4112xf32, #tpu.memory_space<vmem>>[vector<16xi32>], vector<16xf32>,
        %parallel_loop3A_180 = arith.constant 4 : i32
        %parallel_loop3A_181 = arith.index_cast %parallel_loop3A_180 : i32 to index
        %parallel_loop3A_182 = arith.index_cast %parallel_loop3A_140 : i32 to index
        %parallel_loop3A_183 = tpu.vector_load %arg8[%parallel_loop3A_181, %parallel_loop3A_182] {strides = array<i32>} : memref<16x2048xf32, #tpu.memory_space<vmem>>, vector<16xf32>,
        tpu.vector_store %arg8[%parallel_loop3A_181, %parallel_loop3A_182], %parallel_loop3A_179 {strides = array<i32>} : memref<16x2048xf32, #tpu.memory_space<vmem>>, vector<16xf32>,
        %parallel_loop3A_184 = arith.constant 5 : i32
        %parallel_loop3A_185 = vector.broadcast %parallel_loop3A_184 : i32 to vector<16xi32>
        %parallel_loop3A_186 = arith.subi %parallel_loop3A_143, %parallel_loop3A_185 : vector<16xi32>
        %parallel_loop3A_187 = tpu.vector_load_idx %arg7[%parallel_loop3A_186] : memref<4112xf32, #tpu.memory_space<vmem>>[vector<16xi32>], vector<16xf32>,
        %parallel_loop3A_188 = arith.constant 5 : i32
        %parallel_loop3A_189 = arith.index_cast %parallel_loop3A_188 : i32 to index
        %parallel_loop3A_190 = arith.index_cast %parallel_loop3A_140 : i32 to index
        %parallel_loop3A_191 = tpu.vector_load %arg8[%parallel_loop3A_189, %parallel_loop3A_190] {strides = array<i32>} : memref<16x2048xf32, #tpu.memory_space<vmem>>, vector<16xf32>,
        tpu.vector_store %arg8[%parallel_loop3A_189, %parallel_loop3A_190], %parallel_loop3A_187 {strides = array<i32>} : memref<16x2048xf32, #tpu.memory_space<vmem>>, vector<16xf32>,
        %parallel_loop3A_192 = arith.constant 6 : i32
        %parallel_loop3A_193 = vector.broadcast %parallel_loop3A_192 : i32 to vector<16xi32>
        %parallel_loop3A_194 = arith.subi %parallel_loop3A_143, %parallel_loop3A_193 : vector<16xi32>
        %parallel_loop3A_195 = tpu.vector_load_idx %arg7[%parallel_loop3A_194] : memref<4112xf32, #tpu.memory_space<vmem>>[vector<16xi32>], vector<16xf32>,
        %parallel_loop3A_196 = arith.constant 6 : i32
        %parallel_loop3A_197 = arith.index_cast %parallel_loop3A_196 : i32 to index
        %parallel_loop3A_198 = arith.index_cast %parallel_loop3A_140 : i32 to index
        %parallel_loop3A_199 = tpu.vector_load %arg8[%parallel_loop3A_197, %parallel_loop3A_198] {strides = array<i32>} : memref<16x2048xf32, #tpu.memory_space<vmem>>, vector<16xf32>,
        tpu.vector_store %arg8[%parallel_loop3A_197, %parallel_loop3A_198], %parallel_loop3A_195 {strides = array<i32>} : memref<16x2048xf32, #tpu.memory_space<vmem>>, vector<16xf32>,
        %parallel_loop3A_200 = arith.constant 7 : i32
        %parallel_loop3A_201 = vector.broadcast %parallel_loop3A_200 : i32 to vector<16xi32>
        %parallel_loop3A_202 = arith.subi %parallel_loop3A_143, %parallel_loop3A_201 : vector<16xi32>
        %parallel_loop3A_203 = tpu.vector_load_idx %arg7[%parallel_loop3A_202] : memref<4112xf32, #tpu.memory_space<vmem>>[vector<16xi32>], vector<16xf32>,
        %parallel_loop3A_204 = arith.constant 7 : i32
        %parallel_loop3A_205 = arith.index_cast %parallel_loop3A_204 : i32 to index
        %parallel_loop3A_206 = arith.index_cast %parallel_loop3A_140 : i32 to index
        %parallel_loop3A_207 = tpu.vector_load %arg8[%parallel_loop3A_205, %parallel_loop3A_206] {strides = array<i32>} : memref<16x2048xf32, #tpu.memory_space<vmem>>, vector<16xf32>,
        tpu.vector_store %arg8[%parallel_loop3A_205, %parallel_loop3A_206], %parallel_loop3A_203 {strides = array<i32>} : memref<16x2048xf32, #tpu.memory_space<vmem>>, vector<16xf32>,
        %parallel_loop3A_208 = arith.constant 8 : i32
        %parallel_loop3A_209 = vector.broadcast %parallel_loop3A_208 : i32 to vector<16xi32>
        %parallel_loop3A_210 = arith.subi %parallel_loop3A_143, %parallel_loop3A_209 : vector<16xi32>
        %parallel_loop3A_211 = tpu.vector_load_idx %arg7[%parallel_loop3A_210] : memref<4112xf32, #tpu.memory_space<vmem>>[vector<16xi32>], vector<16xf32>,
        %parallel_loop3A_212 = arith.constant 8 : i32
        %parallel_loop3A_213 = arith.index_cast %parallel_loop3A_212 : i32 to index
        %parallel_loop3A_214 = arith.index_cast %parallel_loop3A_140 : i32 to index
        %parallel_loop3A_215 = tpu.vector_load %arg8[%parallel_loop3A_213, %parallel_loop3A_214] {strides = array<i32>} : memref<16x2048xf32, #tpu.memory_space<vmem>>, vector<16xf32>,
        tpu.vector_store %arg8[%parallel_loop3A_213, %parallel_loop3A_214], %parallel_loop3A_211 {strides = array<i32>} : memref<16x2048xf32, #tpu.memory_space<vmem>>, vector<16xf32>,
        %parallel_loop3A_216 = arith.constant 9 : i32
        %parallel_loop3A_217 = vector.broadcast %parallel_loop3A_216 : i32 to vector<16xi32>
        %parallel_loop3A_218 = arith.subi %parallel_loop3A_143, %parallel_loop3A_217 : vector<16xi32>
        %parallel_loop3A_219 = tpu.vector_load_idx %arg7[%parallel_loop3A_218] : memref<4112xf32, #tpu.memory_space<vmem>>[vector<16xi32>], vector<16xf32>,
        %parallel_loop3A_220 = arith.constant 9 : i32
        %parallel_loop3A_221 = arith.index_cast %parallel_loop3A_220 : i32 to index
        %parallel_loop3A_222 = arith.index_cast %parallel_loop3A_140 : i32 to index
        %parallel_loop3A_223 = tpu.vector_load %arg8[%parallel_loop3A_221, %parallel_loop3A_222] {strides = array<i32>} : memref<16x2048xf32, #tpu.memory_space<vmem>>, vector<16xf32>,
        tpu.vector_store %arg8[%parallel_loop3A_221, %parallel_loop3A_222], %parallel_loop3A_219 {strides = array<i32>} : memref<16x2048xf32, #tpu.memory_space<vmem>>, vector<16xf32>,
        %parallel_loop3A_224 = arith.constant 10 : i32
        %parallel_loop3A_225 = vector.broadcast %parallel_loop3A_224 : i32 to vector<16xi32>
        %parallel_loop3A_226 = arith.subi %parallel_loop3A_143, %parallel_loop3A_225 : vector<16xi32>
        %parallel_loop3A_227 = tpu.vector_load_idx %arg7[%parallel_loop3A_226] : memref<4112xf32, #tpu.memory_space<vmem>>[vector<16xi32>], vector<16xf32>,
        %parallel_loop3A_228 = arith.constant 10 : i32
        %parallel_loop3A_229 = arith.index_cast %parallel_loop3A_228 : i32 to index
        %parallel_loop3A_230 = arith.index_cast %parallel_loop3A_140 : i32 to index
        %parallel_loop3A_231 = tpu.vector_load %arg8[%parallel_loop3A_229, %parallel_loop3A_230] {strides = array<i32>} : memref<16x2048xf32, #tpu.memory_space<vmem>>, vector<16xf32>,
        tpu.vector_store %arg8[%parallel_loop3A_229, %parallel_loop3A_230], %parallel_loop3A_227 {strides = array<i32>} : memref<16x2048xf32, #tpu.memory_space<vmem>>, vector<16xf32>,
        %parallel_loop3A_232 = arith.constant 11 : i32
        %parallel_loop3A_233 = vector.broadcast %parallel_loop3A_232 : i32 to vector<16xi32>
        %parallel_loop3A_234 = arith.subi %parallel_loop3A_143, %parallel_loop3A_233 : vector<16xi32>
        %parallel_loop3A_235 = tpu.vector_load_idx %arg7[%parallel_loop3A_234] : memref<4112xf32, #tpu.memory_space<vmem>>[vector<16xi32>], vector<16xf32>,
        %parallel_loop3A_236 = arith.constant 11 : i32
        %parallel_loop3A_237 = arith.index_cast %parallel_loop3A_236 : i32 to index
        %parallel_loop3A_238 = arith.index_cast %parallel_loop3A_140 : i32 to index
        %parallel_loop3A_239 = tpu.vector_load %arg8[%parallel_loop3A_237, %parallel_loop3A_238] {strides = array<i32>} : memref<16x2048xf32, #tpu.memory_space<vmem>>, vector<16xf32>,
        tpu.vector_store %arg8[%parallel_loop3A_237, %parallel_loop3A_238], %parallel_loop3A_235 {strides = array<i32>} : memref<16x2048xf32, #tpu.memory_space<vmem>>, vector<16xf32>,
        %parallel_loop3A_240 = arith.constant 12 : i32
        %parallel_loop3A_241 = vector.broadcast %parallel_loop3A_240 : i32 to vector<16xi32>
        %parallel_loop3A_242 = arith.subi %parallel_loop3A_143, %parallel_loop3A_241 : vector<16xi32>
        %parallel_loop3A_243 = tpu.vector_load_idx %arg7[%parallel_loop3A_242] : memref<4112xf32, #tpu.memory_space<vmem>>[vector<16xi32>], vector<16xf32>,
        %parallel_loop3A_244 = arith.constant 12 : i32
        %parallel_loop3A_245 = arith.index_cast %parallel_loop3A_244 : i32 to index
        %parallel_loop3A_246 = arith.index_cast %parallel_loop3A_140 : i32 to index
        %parallel_loop3A_247 = tpu.vector_load %arg8[%parallel_loop3A_245, %parallel_loop3A_246] {strides = array<i32>} : memref<16x2048xf32, #tpu.memory_space<vmem>>, vector<16xf32>,
        tpu.vector_store %arg8[%parallel_loop3A_245, %parallel_loop3A_246], %parallel_loop3A_243 {strides = array<i32>} : memref<16x2048xf32, #tpu.memory_space<vmem>>, vector<16xf32>,
        %parallel_loop3A_248 = arith.constant 13 : i32
        %parallel_loop3A_249 = vector.broadcast %parallel_loop3A_248 : i32 to vector<16xi32>
        %parallel_loop3A_250 = arith.subi %parallel_loop3A_143, %parallel_loop3A_249 : vector<16xi32>
        %parallel_loop3A_251 = tpu.vector_load_idx %arg7[%parallel_loop3A_250] : memref<4112xf32, #tpu.memory_space<vmem>>[vector<16xi32>], vector<16xf32>,
        %parallel_loop3A_252 = arith.constant 13 : i32
        %parallel_loop3A_253 = arith.index_cast %parallel_loop3A_252 : i32 to index
        %parallel_loop3A_254 = arith.index_cast %parallel_loop3A_140 : i32 to index
        %parallel_loop3A_255 = tpu.vector_load %arg8[%parallel_loop3A_253, %parallel_loop3A_254] {strides = array<i32>} : memref<16x2048xf32, #tpu.memory_space<vmem>>, vector<16xf32>,
        tpu.vector_store %arg8[%parallel_loop3A_253, %parallel_loop3A_254], %parallel_loop3A_251 {strides = array<i32>} : memref<16x2048xf32, #tpu.memory_space<vmem>>, vector<16xf32>,
        %parallel_loop3A_256 = arith.constant 14 : i32
        %parallel_loop3A_257 = vector.broadcast %parallel_loop3A_256 : i32 to vector<16xi32>
        %parallel_loop3A_258 = arith.subi %parallel_loop3A_143, %parallel_loop3A_257 : vector<16xi32>
        %parallel_loop3A_259 = tpu.vector_load_idx %arg7[%parallel_loop3A_258] : memref<4112xf32, #tpu.memory_space<vmem>>[vector<16xi32>], vector<16xf32>,
        %parallel_loop3A_260 = arith.constant 14 : i32
        %parallel_loop3A_261 = arith.index_cast %parallel_loop3A_260 : i32 to index
        %parallel_loop3A_262 = arith.index_cast %parallel_loop3A_140 : i32 to index
        %parallel_loop3A_263 = tpu.vector_load %arg8[%parallel_loop3A_261, %parallel_loop3A_262] {strides = array<i32>} : memref<16x2048xf32, #tpu.memory_space<vmem>>, vector<16xf32>,
        tpu.vector_store %arg8[%parallel_loop3A_261, %parallel_loop3A_262], %parallel_loop3A_259 {strides = array<i32>} : memref<16x2048xf32, #tpu.memory_space<vmem>>, vector<16xf32>,
        %parallel_loop3A_264 = arith.constant 15 : i32
        %parallel_loop3A_265 = vector.broadcast %parallel_loop3A_264 : i32 to vector<16xi32>
        %parallel_loop3A_266 = arith.subi %parallel_loop3A_143, %parallel_loop3A_265 : vector<16xi32>
        %parallel_loop3A_267 = tpu.vector_load_idx %arg7[%parallel_loop3A_266] : memref<4112xf32, #tpu.memory_space<vmem>>[vector<16xi32>], vector<16xf32>,
        %parallel_loop3A_268 = arith.constant 15 : i32
        %parallel_loop3A_269 = arith.index_cast %parallel_loop3A_268 : i32 to index
        %parallel_loop3A_270 = arith.index_cast %parallel_loop3A_140 : i32 to index
        %parallel_loop3A_271 = tpu.vector_load %arg8[%parallel_loop3A_269, %parallel_loop3A_270] {strides = array<i32>} : memref<16x2048xf32, #tpu.memory_space<vmem>>, vector<16xf32>,
        tpu.vector_store %arg8[%parallel_loop3A_269, %parallel_loop3A_270], %parallel_loop3A_267 {strides = array<i32>} : memref<16x2048xf32, #tpu.memory_space<vmem>>, vector<16xf32>,
      } {sc.loop_unroll_factor = 8 : i64, sc.parallel_access}
      %mul3A_83 = arith.constant 2048 : i32
      %mul3A_84 = arith.muli %select_n3A, %mul3A_83 : i32
      %add3A_85 = arith.addi %mul3A_84, %add3A_76 : i32
      %dma_start3A_86 = arith.constant 0 : i32
      %dma_start3A_87 = tpu.memref_slice %arg4[%add3A_85, %dma_start3A_86] : memref<32768x2048xf32, #tpu.memory_space<hbm>> -> memref<16x2048xf32, #tpu.memory_space<hbm>>
      %dma_start3A_88 = arith.constant 0 : i32
      %dma_start3A_89 = tpu.memref_slice %arg4[%add3A_85, %dma_start3A_88] : memref<32768x2048xf32, #tpu.memory_space<hbm>> -> memref<16x2048xf32, #tpu.memory_space<hbm>>
      tpu.enqueue_dma source(%arg8 : memref<16x2048xf32, #tpu.memory_space<vmem>>) target(%dma_start3A_89 : memref<16x2048xf32, #tpu.memory_space<hbm>>) target_semaphore(%arg11 : memref<!tpu.dma_semaphore, #tpu.memory_space<semaphore_mem>>)
      %mul3A_90 = arith.constant 3 : i32
      %mul3A_91 = arith.muli %scan3A_68, %mul3A_90 : i32
      %add3A_92 = arith.constant 1 : i32
      %add3A_93 = arith.addi %mul3A_91, %add3A_92 : i32
      %gt3A_94 = arith.constant 0 : i32
      %gt3A_95 = arith.cmpi sgt, %scan3A_68, %gt3A_94 : i32
      %mul3A_96 = arith.constant 16 : i32
      %mul3A_97 = arith.muli %add3A_93, %mul3A_96 : i32
      %add3A_98 = arith.addi %mul3A_24, %mul3A_97 : i32
      %convert_element_type3A_99 = arith.extui %gt3A_95 : i1 to i32
      %cond3A_100 = arith.constant 0 : i32
      %cond3A_101 = arith.cmpi ne, %convert_element_type3A_99, %cond3A_100 : i32
      scf.if %cond3A_101 {
        %dma_wait3A_138 = arith.constant 0 : i32
        %dma_wait3A_139 = arith.constant 0 : i32
        %dma_wait3A_140 = tpu.memref_slice %arg4[%dma_wait3A_138, %dma_wait3A_139] : memref<32768x2048xf32, #tpu.memory_space<hbm>> -> memref<16x2048xf32, #tpu.memory_space<hbm>>
        %dma_wait3A_141 = arith.constant 0 : i32
        %dma_wait3A_142 = arith.constant 0 : i32
        %dma_wait3A_143 = tpu.memref_slice %arg4[%dma_wait3A_141, %dma_wait3A_142] : memref<32768x2048xf32, #tpu.memory_space<hbm>> -> memref<16x2048xf32, #tpu.memory_space<hbm>>
        tpu.wait_dma2 semaphore(%arg12 : memref<!tpu.dma_semaphore, #tpu.memory_space<semaphore_mem>>) src(%arg9 : memref<16x2048xf32, #tpu.memory_space<vmem>>) dst(%dma_wait3A_143 : memref<16x2048xf32, #tpu.memory_space<hbm>>)
      } else {
      }
      %sub3A_102 = arith.constant 2047 : i32
      %sub3A_103 = arith.subi %sub3A_102, %add3A_98 : i32
      %parallel_loop3A_104 = arith.constant 0 : i32
      %parallel_loop3A_105 = arith.constant 128 : i32
      %parallel_loop3A_106 = arith.constant 1 : i32
      scf.for %parallel_loop3A_138 = %parallel_loop3A_104 to %parallel_loop3A_105 step %parallel_loop3A_106  : i32 {
        %parallel_loop3A_139 = arith.constant 16 : i32
        %parallel_loop3A_140 = arith.muli %parallel_loop3A_138, %parallel_loop3A_139 : i32
        %parallel_loop3A_141 = arith.addi %sub3A_103, %parallel_loop3A_140 : i32
        %parallel_loop3A_142 = vector.broadcast %parallel_loop3A_141 : i32 to vector<16xi32>
        %parallel_loop3A_143 = arith.addi %parallel_loop3A_142, %iota3A : vector<16xi32>
        %parallel_loop3A_144 = arith.constant 0 : i32
        %parallel_loop3A_145 = vector.broadcast %parallel_loop3A_144 : i32 to vector<16xi32>
        %parallel_loop3A_146 = arith.subi %parallel_loop3A_143, %parallel_loop3A_145 : vector<16xi32>
        %parallel_loop3A_147 = tpu.vector_load_idx %arg7[%parallel_loop3A_146] : memref<4112xf32, #tpu.memory_space<vmem>>[vector<16xi32>], vector<16xf32>,
        %parallel_loop3A_148 = arith.constant 0 : i32
        %parallel_loop3A_149 = arith.index_cast %parallel_loop3A_148 : i32 to index
        %parallel_loop3A_150 = arith.index_cast %parallel_loop3A_140 : i32 to index
        %parallel_loop3A_151 = tpu.vector_load %arg9[%parallel_loop3A_149, %parallel_loop3A_150] {strides = array<i32>} : memref<16x2048xf32, #tpu.memory_space<vmem>>, vector<16xf32>,
        tpu.vector_store %arg9[%parallel_loop3A_149, %parallel_loop3A_150], %parallel_loop3A_147 {strides = array<i32>} : memref<16x2048xf32, #tpu.memory_space<vmem>>, vector<16xf32>,
        %parallel_loop3A_152 = arith.constant 1 : i32
        %parallel_loop3A_153 = vector.broadcast %parallel_loop3A_152 : i32 to vector<16xi32>
        %parallel_loop3A_154 = arith.subi %parallel_loop3A_143, %parallel_loop3A_153 : vector<16xi32>
        %parallel_loop3A_155 = tpu.vector_load_idx %arg7[%parallel_loop3A_154] : memref<4112xf32, #tpu.memory_space<vmem>>[vector<16xi32>], vector<16xf32>,
        %parallel_loop3A_156 = arith.constant 1 : i32
        %parallel_loop3A_157 = arith.index_cast %parallel_loop3A_156 : i32 to index
        %parallel_loop3A_158 = arith.index_cast %parallel_loop3A_140 : i32 to index
        %parallel_loop3A_159 = tpu.vector_load %arg9[%parallel_loop3A_157, %parallel_loop3A_158] {strides = array<i32>} : memref<16x2048xf32, #tpu.memory_space<vmem>>, vector<16xf32>,
        tpu.vector_store %arg9[%parallel_loop3A_157, %parallel_loop3A_158], %parallel_loop3A_155 {strides = array<i32>} : memref<16x2048xf32, #tpu.memory_space<vmem>>, vector<16xf32>,
        %parallel_loop3A_160 = arith.constant 2 : i32
        %parallel_loop3A_161 = vector.broadcast %parallel_loop3A_160 : i32 to vector<16xi32>
        %parallel_loop3A_162 = arith.subi %parallel_loop3A_143, %parallel_loop3A_161 : vector<16xi32>
        %parallel_loop3A_163 = tpu.vector_load_idx %arg7[%parallel_loop3A_162] : memref<4112xf32, #tpu.memory_space<vmem>>[vector<16xi32>], vector<16xf32>,
        %parallel_loop3A_164 = arith.constant 2 : i32
        %parallel_loop3A_165 = arith.index_cast %parallel_loop3A_164 : i32 to index
        %parallel_loop3A_166 = arith.index_cast %parallel_loop3A_140 : i32 to index
        %parallel_loop3A_167 = tpu.vector_load %arg9[%parallel_loop3A_165, %parallel_loop3A_166] {strides = array<i32>} : memref<16x2048xf32, #tpu.memory_space<vmem>>, vector<16xf32>,
        tpu.vector_store %arg9[%parallel_loop3A_165, %parallel_loop3A_166], %parallel_loop3A_163 {strides = array<i32>} : memref<16x2048xf32, #tpu.memory_space<vmem>>, vector<16xf32>,
        %parallel_loop3A_168 = arith.constant 3 : i32
        %parallel_loop3A_169 = vector.broadcast %parallel_loop3A_168 : i32 to vector<16xi32>
        %parallel_loop3A_170 = arith.subi %parallel_loop3A_143, %parallel_loop3A_169 : vector<16xi32>
        %parallel_loop3A_171 = tpu.vector_load_idx %arg7[%parallel_loop3A_170] : memref<4112xf32, #tpu.memory_space<vmem>>[vector<16xi32>], vector<16xf32>,
        %parallel_loop3A_172 = arith.constant 3 : i32
        %parallel_loop3A_173 = arith.index_cast %parallel_loop3A_172 : i32 to index
        %parallel_loop3A_174 = arith.index_cast %parallel_loop3A_140 : i32 to index
        %parallel_loop3A_175 = tpu.vector_load %arg9[%parallel_loop3A_173, %parallel_loop3A_174] {strides = array<i32>} : memref<16x2048xf32, #tpu.memory_space<vmem>>, vector<16xf32>,
        tpu.vector_store %arg9[%parallel_loop3A_173, %parallel_loop3A_174], %parallel_loop3A_171 {strides = array<i32>} : memref<16x2048xf32, #tpu.memory_space<vmem>>, vector<16xf32>,
        %parallel_loop3A_176 = arith.constant 4 : i32
        %parallel_loop3A_177 = vector.broadcast %parallel_loop3A_176 : i32 to vector<16xi32>
        %parallel_loop3A_178 = arith.subi %parallel_loop3A_143, %parallel_loop3A_177 : vector<16xi32>
        %parallel_loop3A_179 = tpu.vector_load_idx %arg7[%parallel_loop3A_178] : memref<4112xf32, #tpu.memory_space<vmem>>[vector<16xi32>], vector<16xf32>,
        %parallel_loop3A_180 = arith.constant 4 : i32
        %parallel_loop3A_181 = arith.index_cast %parallel_loop3A_180 : i32 to index
        %parallel_loop3A_182 = arith.index_cast %parallel_loop3A_140 : i32 to index
        %parallel_loop3A_183 = tpu.vector_load %arg9[%parallel_loop3A_181, %parallel_loop3A_182] {strides = array<i32>} : memref<16x2048xf32, #tpu.memory_space<vmem>>, vector<16xf32>,
        tpu.vector_store %arg9[%parallel_loop3A_181, %parallel_loop3A_182], %parallel_loop3A_179 {strides = array<i32>} : memref<16x2048xf32, #tpu.memory_space<vmem>>, vector<16xf32>,
        %parallel_loop3A_184 = arith.constant 5 : i32
        %parallel_loop3A_185 = vector.broadcast %parallel_loop3A_184 : i32 to vector<16xi32>
        %parallel_loop3A_186 = arith.subi %parallel_loop3A_143, %parallel_loop3A_185 : vector<16xi32>
        %parallel_loop3A_187 = tpu.vector_load_idx %arg7[%parallel_loop3A_186] : memref<4112xf32, #tpu.memory_space<vmem>>[vector<16xi32>], vector<16xf32>,
        %parallel_loop3A_188 = arith.constant 5 : i32
        %parallel_loop3A_189 = arith.index_cast %parallel_loop3A_188 : i32 to index
        %parallel_loop3A_190 = arith.index_cast %parallel_loop3A_140 : i32 to index
        %parallel_loop3A_191 = tpu.vector_load %arg9[%parallel_loop3A_189, %parallel_loop3A_190] {strides = array<i32>} : memref<16x2048xf32, #tpu.memory_space<vmem>>, vector<16xf32>,
        tpu.vector_store %arg9[%parallel_loop3A_189, %parallel_loop3A_190], %parallel_loop3A_187 {strides = array<i32>} : memref<16x2048xf32, #tpu.memory_space<vmem>>, vector<16xf32>,
        %parallel_loop3A_192 = arith.constant 6 : i32
        %parallel_loop3A_193 = vector.broadcast %parallel_loop3A_192 : i32 to vector<16xi32>
        %parallel_loop3A_194 = arith.subi %parallel_loop3A_143, %parallel_loop3A_193 : vector<16xi32>
        %parallel_loop3A_195 = tpu.vector_load_idx %arg7[%parallel_loop3A_194] : memref<4112xf32, #tpu.memory_space<vmem>>[vector<16xi32>], vector<16xf32>,
        %parallel_loop3A_196 = arith.constant 6 : i32
        %parallel_loop3A_197 = arith.index_cast %parallel_loop3A_196 : i32 to index
        %parallel_loop3A_198 = arith.index_cast %parallel_loop3A_140 : i32 to index
        %parallel_loop3A_199 = tpu.vector_load %arg9[%parallel_loop3A_197, %parallel_loop3A_198] {strides = array<i32>} : memref<16x2048xf32, #tpu.memory_space<vmem>>, vector<16xf32>,
        tpu.vector_store %arg9[%parallel_loop3A_197, %parallel_loop3A_198], %parallel_loop3A_195 {strides = array<i32>} : memref<16x2048xf32, #tpu.memory_space<vmem>>, vector<16xf32>,
        %parallel_loop3A_200 = arith.constant 7 : i32
        %parallel_loop3A_201 = vector.broadcast %parallel_loop3A_200 : i32 to vector<16xi32>
        %parallel_loop3A_202 = arith.subi %parallel_loop3A_143, %parallel_loop3A_201 : vector<16xi32>
        %parallel_loop3A_203 = tpu.vector_load_idx %arg7[%parallel_loop3A_202] : memref<4112xf32, #tpu.memory_space<vmem>>[vector<16xi32>], vector<16xf32>,
        %parallel_loop3A_204 = arith.constant 7 : i32
        %parallel_loop3A_205 = arith.index_cast %parallel_loop3A_204 : i32 to index
        %parallel_loop3A_206 = arith.index_cast %parallel_loop3A_140 : i32 to index
        %parallel_loop3A_207 = tpu.vector_load %arg9[%parallel_loop3A_205, %parallel_loop3A_206] {strides = array<i32>} : memref<16x2048xf32, #tpu.memory_space<vmem>>, vector<16xf32>,
        tpu.vector_store %arg9[%parallel_loop3A_205, %parallel_loop3A_206], %parallel_loop3A_203 {strides = array<i32>} : memref<16x2048xf32, #tpu.memory_space<vmem>>, vector<16xf32>,
        %parallel_loop3A_208 = arith.constant 8 : i32
        %parallel_loop3A_209 = vector.broadcast %parallel_loop3A_208 : i32 to vector<16xi32>
        %parallel_loop3A_210 = arith.subi %parallel_loop3A_143, %parallel_loop3A_209 : vector<16xi32>
        %parallel_loop3A_211 = tpu.vector_load_idx %arg7[%parallel_loop3A_210] : memref<4112xf32, #tpu.memory_space<vmem>>[vector<16xi32>], vector<16xf32>,
        %parallel_loop3A_212 = arith.constant 8 : i32
        %parallel_loop3A_213 = arith.index_cast %parallel_loop3A_212 : i32 to index
        %parallel_loop3A_214 = arith.index_cast %parallel_loop3A_140 : i32 to index
        %parallel_loop3A_215 = tpu.vector_load %arg9[%parallel_loop3A_213, %parallel_loop3A_214] {strides = array<i32>} : memref<16x2048xf32, #tpu.memory_space<vmem>>, vector<16xf32>,
        tpu.vector_store %arg9[%parallel_loop3A_213, %parallel_loop3A_214], %parallel_loop3A_211 {strides = array<i32>} : memref<16x2048xf32, #tpu.memory_space<vmem>>, vector<16xf32>,
        %parallel_loop3A_216 = arith.constant 9 : i32
        %parallel_loop3A_217 = vector.broadcast %parallel_loop3A_216 : i32 to vector<16xi32>
        %parallel_loop3A_218 = arith.subi %parallel_loop3A_143, %parallel_loop3A_217 : vector<16xi32>
        %parallel_loop3A_219 = tpu.vector_load_idx %arg7[%parallel_loop3A_218] : memref<4112xf32, #tpu.memory_space<vmem>>[vector<16xi32>], vector<16xf32>,
        %parallel_loop3A_220 = arith.constant 9 : i32
        %parallel_loop3A_221 = arith.index_cast %parallel_loop3A_220 : i32 to index
        %parallel_loop3A_222 = arith.index_cast %parallel_loop3A_140 : i32 to index
        %parallel_loop3A_223 = tpu.vector_load %arg9[%parallel_loop3A_221, %parallel_loop3A_222] {strides = array<i32>} : memref<16x2048xf32, #tpu.memory_space<vmem>>, vector<16xf32>,
        tpu.vector_store %arg9[%parallel_loop3A_221, %parallel_loop3A_222], %parallel_loop3A_219 {strides = array<i32>} : memref<16x2048xf32, #tpu.memory_space<vmem>>, vector<16xf32>,
        %parallel_loop3A_224 = arith.constant 10 : i32
        %parallel_loop3A_225 = vector.broadcast %parallel_loop3A_224 : i32 to vector<16xi32>
        %parallel_loop3A_226 = arith.subi %parallel_loop3A_143, %parallel_loop3A_225 : vector<16xi32>
        %parallel_loop3A_227 = tpu.vector_load_idx %arg7[%parallel_loop3A_226] : memref<4112xf32, #tpu.memory_space<vmem>>[vector<16xi32>], vector<16xf32>,
        %parallel_loop3A_228 = arith.constant 10 : i32
        %parallel_loop3A_229 = arith.index_cast %parallel_loop3A_228 : i32 to index
        %parallel_loop3A_230 = arith.index_cast %parallel_loop3A_140 : i32 to index
        %parallel_loop3A_231 = tpu.vector_load %arg9[%parallel_loop3A_229, %parallel_loop3A_230] {strides = array<i32>} : memref<16x2048xf32, #tpu.memory_space<vmem>>, vector<16xf32>,
        tpu.vector_store %arg9[%parallel_loop3A_229, %parallel_loop3A_230], %parallel_loop3A_227 {strides = array<i32>} : memref<16x2048xf32, #tpu.memory_space<vmem>>, vector<16xf32>,
        %parallel_loop3A_232 = arith.constant 11 : i32
        %parallel_loop3A_233 = vector.broadcast %parallel_loop3A_232 : i32 to vector<16xi32>
        %parallel_loop3A_234 = arith.subi %parallel_loop3A_143, %parallel_loop3A_233 : vector<16xi32>
        %parallel_loop3A_235 = tpu.vector_load_idx %arg7[%parallel_loop3A_234] : memref<4112xf32, #tpu.memory_space<vmem>>[vector<16xi32>], vector<16xf32>,
        %parallel_loop3A_236 = arith.constant 11 : i32
        %parallel_loop3A_237 = arith.index_cast %parallel_loop3A_236 : i32 to index
        %parallel_loop3A_238 = arith.index_cast %parallel_loop3A_140 : i32 to index
        %parallel_loop3A_239 = tpu.vector_load %arg9[%parallel_loop3A_237, %parallel_loop3A_238] {strides = array<i32>} : memref<16x2048xf32, #tpu.memory_space<vmem>>, vector<16xf32>,
        tpu.vector_store %arg9[%parallel_loop3A_237, %parallel_loop3A_238], %parallel_loop3A_235 {strides = array<i32>} : memref<16x2048xf32, #tpu.memory_space<vmem>>, vector<16xf32>,
        %parallel_loop3A_240 = arith.constant 12 : i32
        %parallel_loop3A_241 = vector.broadcast %parallel_loop3A_240 : i32 to vector<16xi32>
        %parallel_loop3A_242 = arith.subi %parallel_loop3A_143, %parallel_loop3A_241 : vector<16xi32>
        %parallel_loop3A_243 = tpu.vector_load_idx %arg7[%parallel_loop3A_242] : memref<4112xf32, #tpu.memory_space<vmem>>[vector<16xi32>], vector<16xf32>,
        %parallel_loop3A_244 = arith.constant 12 : i32
        %parallel_loop3A_245 = arith.index_cast %parallel_loop3A_244 : i32 to index
        %parallel_loop3A_246 = arith.index_cast %parallel_loop3A_140 : i32 to index
        %parallel_loop3A_247 = tpu.vector_load %arg9[%parallel_loop3A_245, %parallel_loop3A_246] {strides = array<i32>} : memref<16x2048xf32, #tpu.memory_space<vmem>>, vector<16xf32>,
        tpu.vector_store %arg9[%parallel_loop3A_245, %parallel_loop3A_246], %parallel_loop3A_243 {strides = array<i32>} : memref<16x2048xf32, #tpu.memory_space<vmem>>, vector<16xf32>,
        %parallel_loop3A_248 = arith.constant 13 : i32
        %parallel_loop3A_249 = vector.broadcast %parallel_loop3A_248 : i32 to vector<16xi32>
        %parallel_loop3A_250 = arith.subi %parallel_loop3A_143, %parallel_loop3A_249 : vector<16xi32>
        %parallel_loop3A_251 = tpu.vector_load_idx %arg7[%parallel_loop3A_250] : memref<4112xf32, #tpu.memory_space<vmem>>[vector<16xi32>], vector<16xf32>,
        %parallel_loop3A_252 = arith.constant 13 : i32
        %parallel_loop3A_253 = arith.index_cast %parallel_loop3A_252 : i32 to index
        %parallel_loop3A_254 = arith.index_cast %parallel_loop3A_140 : i32 to index
        %parallel_loop3A_255 = tpu.vector_load %arg9[%parallel_loop3A_253, %parallel_loop3A_254] {strides = array<i32>} : memref<16x2048xf32, #tpu.memory_space<vmem>>, vector<16xf32>,
        tpu.vector_store %arg9[%parallel_loop3A_253, %parallel_loop3A_254], %parallel_loop3A_251 {strides = array<i32>} : memref<16x2048xf32, #tpu.memory_space<vmem>>, vector<16xf32>,
        %parallel_loop3A_256 = arith.constant 14 : i32
        %parallel_loop3A_257 = vector.broadcast %parallel_loop3A_256 : i32 to vector<16xi32>
        %parallel_loop3A_258 = arith.subi %parallel_loop3A_143, %parallel_loop3A_257 : vector<16xi32>
        %parallel_loop3A_259 = tpu.vector_load_idx %arg7[%parallel_loop3A_258] : memref<4112xf32, #tpu.memory_space<vmem>>[vector<16xi32>], vector<16xf32>,
        %parallel_loop3A_260 = arith.constant 14 : i32
        %parallel_loop3A_261 = arith.index_cast %parallel_loop3A_260 : i32 to index
        %parallel_loop3A_262 = arith.index_cast %parallel_loop3A_140 : i32 to index
        %parallel_loop3A_263 = tpu.vector_load %arg9[%parallel_loop3A_261, %parallel_loop3A_262] {strides = array<i32>} : memref<16x2048xf32, #tpu.memory_space<vmem>>, vector<16xf32>,
        tpu.vector_store %arg9[%parallel_loop3A_261, %parallel_loop3A_262], %parallel_loop3A_259 {strides = array<i32>} : memref<16x2048xf32, #tpu.memory_space<vmem>>, vector<16xf32>,
        %parallel_loop3A_264 = arith.constant 15 : i32
        %parallel_loop3A_265 = vector.broadcast %parallel_loop3A_264 : i32 to vector<16xi32>
        %parallel_loop3A_266 = arith.subi %parallel_loop3A_143, %parallel_loop3A_265 : vector<16xi32>
        %parallel_loop3A_267 = tpu.vector_load_idx %arg7[%parallel_loop3A_266] : memref<4112xf32, #tpu.memory_space<vmem>>[vector<16xi32>], vector<16xf32>,
        %parallel_loop3A_268 = arith.constant 15 : i32
        %parallel_loop3A_269 = arith.index_cast %parallel_loop3A_268 : i32 to index
        %parallel_loop3A_270 = arith.index_cast %parallel_loop3A_140 : i32 to index
        %parallel_loop3A_271 = tpu.vector_load %arg9[%parallel_loop3A_269, %parallel_loop3A_270] {strides = array<i32>} : memref<16x2048xf32, #tpu.memory_space<vmem>>, vector<16xf32>,
        tpu.vector_store %arg9[%parallel_loop3A_269, %parallel_loop3A_270], %parallel_loop3A_267 {strides = array<i32>} : memref<16x2048xf32, #tpu.memory_space<vmem>>, vector<16xf32>,
      } {sc.loop_unroll_factor = 8 : i64, sc.parallel_access}
      %mul3A_107 = arith.constant 2048 : i32
      %mul3A_108 = arith.muli %select_n3A, %mul3A_107 : i32
      %add3A_109 = arith.addi %mul3A_108, %add3A_98 : i32
      %dma_start3A_110 = arith.constant 0 : i32
      %dma_start3A_111 = tpu.memref_slice %arg4[%add3A_109, %dma_start3A_110] : memref<32768x2048xf32, #tpu.memory_space<hbm>> -> memref<16x2048xf32, #tpu.memory_space<hbm>>
      %dma_start3A_112 = arith.constant 0 : i32
      %dma_start3A_113 = tpu.memref_slice %arg4[%add3A_109, %dma_start3A_112] : memref<32768x2048xf32, #tpu.memory_space<hbm>> -> memref<16x2048xf32, #tpu.memory_space<hbm>>
      tpu.enqueue_dma source(%arg9 : memref<16x2048xf32, #tpu.memory_space<vmem>>) target(%dma_start3A_113 : memref<16x2048xf32, #tpu.memory_space<hbm>>) target_semaphore(%arg12 : memref<!tpu.dma_semaphore, #tpu.memory_space<semaphore_mem>>)
      %mul3A_114 = arith.constant 3 : i32
      %mul3A_115 = arith.muli %scan3A_68, %mul3A_114 : i32
      %add3A_116 = arith.constant 2 : i32
      %add3A_117 = arith.addi %mul3A_115, %add3A_116 : i32
      %gt3A_118 = arith.constant 0 : i32
      %gt3A_119 = arith.cmpi sgt, %scan3A_68, %gt3A_118 : i32
      %mul3A_120 = arith.constant 16 : i32
      %mul3A_121 = arith.muli %add3A_117, %mul3A_120 : i32
      %add3A_122 = arith.addi %mul3A_24, %mul3A_121 : i32
      %convert_element_type3A_123 = arith.extui %gt3A_119 : i1 to i32
      %cond3A_124 = arith.constant 0 : i32
      %cond3A_125 = arith.cmpi ne, %convert_element_type3A_123, %cond3A_124 : i32
      scf.if %cond3A_125 {
        %dma_wait3A_138 = arith.constant 0 : i32
        %dma_wait3A_139 = arith.constant 0 : i32
        %dma_wait3A_140 = tpu.memref_slice %arg4[%dma_wait3A_138, %dma_wait3A_139] : memref<32768x2048xf32, #tpu.memory_space<hbm>> -> memref<16x2048xf32, #tpu.memory_space<hbm>>
        %dma_wait3A_141 = arith.constant 0 : i32
        %dma_wait3A_142 = arith.constant 0 : i32
        %dma_wait3A_143 = tpu.memref_slice %arg4[%dma_wait3A_141, %dma_wait3A_142] : memref<32768x2048xf32, #tpu.memory_space<hbm>> -> memref<16x2048xf32, #tpu.memory_space<hbm>>
        tpu.wait_dma2 semaphore(%arg13 : memref<!tpu.dma_semaphore, #tpu.memory_space<semaphore_mem>>) src(%arg10 : memref<16x2048xf32, #tpu.memory_space<vmem>>) dst(%dma_wait3A_143 : memref<16x2048xf32, #tpu.memory_space<hbm>>)
      } else {
      }
      %sub3A_126 = arith.constant 2047 : i32
      %sub3A_127 = arith.subi %sub3A_126, %add3A_122 : i32
      %parallel_loop3A_128 = arith.constant 0 : i32
      %parallel_loop3A_129 = arith.constant 128 : i32
      %parallel_loop3A_130 = arith.constant 1 : i32
      scf.for %parallel_loop3A_138 = %parallel_loop3A_128 to %parallel_loop3A_129 step %parallel_loop3A_130  : i32 {
        %parallel_loop3A_139 = arith.constant 16 : i32
        %parallel_loop3A_140 = arith.muli %parallel_loop3A_138, %parallel_loop3A_139 : i32
        %parallel_loop3A_141 = arith.addi %sub3A_127, %parallel_loop3A_140 : i32
        %parallel_loop3A_142 = vector.broadcast %parallel_loop3A_141 : i32 to vector<16xi32>
        %parallel_loop3A_143 = arith.addi %parallel_loop3A_142, %iota3A : vector<16xi32>
        %parallel_loop3A_144 = arith.constant 0 : i32
        %parallel_loop3A_145 = vector.broadcast %parallel_loop3A_144 : i32 to vector<16xi32>
        %parallel_loop3A_146 = arith.subi %parallel_loop3A_143, %parallel_loop3A_145 : vector<16xi32>
        %parallel_loop3A_147 = tpu.vector_load_idx %arg7[%parallel_loop3A_146] : memref<4112xf32, #tpu.memory_space<vmem>>[vector<16xi32>], vector<16xf32>,
        %parallel_loop3A_148 = arith.constant 0 : i32
        %parallel_loop3A_149 = arith.index_cast %parallel_loop3A_148 : i32 to index
        %parallel_loop3A_150 = arith.index_cast %parallel_loop3A_140 : i32 to index
        %parallel_loop3A_151 = tpu.vector_load %arg10[%parallel_loop3A_149, %parallel_loop3A_150] {strides = array<i32>} : memref<16x2048xf32, #tpu.memory_space<vmem>>, vector<16xf32>,
        tpu.vector_store %arg10[%parallel_loop3A_149, %parallel_loop3A_150], %parallel_loop3A_147 {strides = array<i32>} : memref<16x2048xf32, #tpu.memory_space<vmem>>, vector<16xf32>,
        %parallel_loop3A_152 = arith.constant 1 : i32
        %parallel_loop3A_153 = vector.broadcast %parallel_loop3A_152 : i32 to vector<16xi32>
        %parallel_loop3A_154 = arith.subi %parallel_loop3A_143, %parallel_loop3A_153 : vector<16xi32>
        %parallel_loop3A_155 = tpu.vector_load_idx %arg7[%parallel_loop3A_154] : memref<4112xf32, #tpu.memory_space<vmem>>[vector<16xi32>], vector<16xf32>,
        %parallel_loop3A_156 = arith.constant 1 : i32
        %parallel_loop3A_157 = arith.index_cast %parallel_loop3A_156 : i32 to index
        %parallel_loop3A_158 = arith.index_cast %parallel_loop3A_140 : i32 to index
        %parallel_loop3A_159 = tpu.vector_load %arg10[%parallel_loop3A_157, %parallel_loop3A_158] {strides = array<i32>} : memref<16x2048xf32, #tpu.memory_space<vmem>>, vector<16xf32>,
        tpu.vector_store %arg10[%parallel_loop3A_157, %parallel_loop3A_158], %parallel_loop3A_155 {strides = array<i32>} : memref<16x2048xf32, #tpu.memory_space<vmem>>, vector<16xf32>,
        %parallel_loop3A_160 = arith.constant 2 : i32
        %parallel_loop3A_161 = vector.broadcast %parallel_loop3A_160 : i32 to vector<16xi32>
        %parallel_loop3A_162 = arith.subi %parallel_loop3A_143, %parallel_loop3A_161 : vector<16xi32>
        %parallel_loop3A_163 = tpu.vector_load_idx %arg7[%parallel_loop3A_162] : memref<4112xf32, #tpu.memory_space<vmem>>[vector<16xi32>], vector<16xf32>,
        %parallel_loop3A_164 = arith.constant 2 : i32
        %parallel_loop3A_165 = arith.index_cast %parallel_loop3A_164 : i32 to index
        %parallel_loop3A_166 = arith.index_cast %parallel_loop3A_140 : i32 to index
        %parallel_loop3A_167 = tpu.vector_load %arg10[%parallel_loop3A_165, %parallel_loop3A_166] {strides = array<i32>} : memref<16x2048xf32, #tpu.memory_space<vmem>>, vector<16xf32>,
        tpu.vector_store %arg10[%parallel_loop3A_165, %parallel_loop3A_166], %parallel_loop3A_163 {strides = array<i32>} : memref<16x2048xf32, #tpu.memory_space<vmem>>, vector<16xf32>,
        %parallel_loop3A_168 = arith.constant 3 : i32
        %parallel_loop3A_169 = vector.broadcast %parallel_loop3A_168 : i32 to vector<16xi32>
        %parallel_loop3A_170 = arith.subi %parallel_loop3A_143, %parallel_loop3A_169 : vector<16xi32>
        %parallel_loop3A_171 = tpu.vector_load_idx %arg7[%parallel_loop3A_170] : memref<4112xf32, #tpu.memory_space<vmem>>[vector<16xi32>], vector<16xf32>,
        %parallel_loop3A_172 = arith.constant 3 : i32
        %parallel_loop3A_173 = arith.index_cast %parallel_loop3A_172 : i32 to index
        %parallel_loop3A_174 = arith.index_cast %parallel_loop3A_140 : i32 to index
        %parallel_loop3A_175 = tpu.vector_load %arg10[%parallel_loop3A_173, %parallel_loop3A_174] {strides = array<i32>} : memref<16x2048xf32, #tpu.memory_space<vmem>>, vector<16xf32>,
        tpu.vector_store %arg10[%parallel_loop3A_173, %parallel_loop3A_174], %parallel_loop3A_171 {strides = array<i32>} : memref<16x2048xf32, #tpu.memory_space<vmem>>, vector<16xf32>,
        %parallel_loop3A_176 = arith.constant 4 : i32
        %parallel_loop3A_177 = vector.broadcast %parallel_loop3A_176 : i32 to vector<16xi32>
        %parallel_loop3A_178 = arith.subi %parallel_loop3A_143, %parallel_loop3A_177 : vector<16xi32>
        %parallel_loop3A_179 = tpu.vector_load_idx %arg7[%parallel_loop3A_178] : memref<4112xf32, #tpu.memory_space<vmem>>[vector<16xi32>], vector<16xf32>,
        %parallel_loop3A_180 = arith.constant 4 : i32
        %parallel_loop3A_181 = arith.index_cast %parallel_loop3A_180 : i32 to index
        %parallel_loop3A_182 = arith.index_cast %parallel_loop3A_140 : i32 to index
        %parallel_loop3A_183 = tpu.vector_load %arg10[%parallel_loop3A_181, %parallel_loop3A_182] {strides = array<i32>} : memref<16x2048xf32, #tpu.memory_space<vmem>>, vector<16xf32>,
        tpu.vector_store %arg10[%parallel_loop3A_181, %parallel_loop3A_182], %parallel_loop3A_179 {strides = array<i32>} : memref<16x2048xf32, #tpu.memory_space<vmem>>, vector<16xf32>,
        %parallel_loop3A_184 = arith.constant 5 : i32
        %parallel_loop3A_185 = vector.broadcast %parallel_loop3A_184 : i32 to vector<16xi32>
        %parallel_loop3A_186 = arith.subi %parallel_loop3A_143, %parallel_loop3A_185 : vector<16xi32>
        %parallel_loop3A_187 = tpu.vector_load_idx %arg7[%parallel_loop3A_186] : memref<4112xf32, #tpu.memory_space<vmem>>[vector<16xi32>], vector<16xf32>,
        %parallel_loop3A_188 = arith.constant 5 : i32
        %parallel_loop3A_189 = arith.index_cast %parallel_loop3A_188 : i32 to index
        %parallel_loop3A_190 = arith.index_cast %parallel_loop3A_140 : i32 to index
        %parallel_loop3A_191 = tpu.vector_load %arg10[%parallel_loop3A_189, %parallel_loop3A_190] {strides = array<i32>} : memref<16x2048xf32, #tpu.memory_space<vmem>>, vector<16xf32>,
        tpu.vector_store %arg10[%parallel_loop3A_189, %parallel_loop3A_190], %parallel_loop3A_187 {strides = array<i32>} : memref<16x2048xf32, #tpu.memory_space<vmem>>, vector<16xf32>,
        %parallel_loop3A_192 = arith.constant 6 : i32
        %parallel_loop3A_193 = vector.broadcast %parallel_loop3A_192 : i32 to vector<16xi32>
        %parallel_loop3A_194 = arith.subi %parallel_loop3A_143, %parallel_loop3A_193 : vector<16xi32>
        %parallel_loop3A_195 = tpu.vector_load_idx %arg7[%parallel_loop3A_194] : memref<4112xf32, #tpu.memory_space<vmem>>[vector<16xi32>], vector<16xf32>,
        %parallel_loop3A_196 = arith.constant 6 : i32
        %parallel_loop3A_197 = arith.index_cast %parallel_loop3A_196 : i32 to index
        %parallel_loop3A_198 = arith.index_cast %parallel_loop3A_140 : i32 to index
        %parallel_loop3A_199 = tpu.vector_load %arg10[%parallel_loop3A_197, %parallel_loop3A_198] {strides = array<i32>} : memref<16x2048xf32, #tpu.memory_space<vmem>>, vector<16xf32>,
        tpu.vector_store %arg10[%parallel_loop3A_197, %parallel_loop3A_198], %parallel_loop3A_195 {strides = array<i32>} : memref<16x2048xf32, #tpu.memory_space<vmem>>, vector<16xf32>,
        %parallel_loop3A_200 = arith.constant 7 : i32
        %parallel_loop3A_201 = vector.broadcast %parallel_loop3A_200 : i32 to vector<16xi32>
        %parallel_loop3A_202 = arith.subi %parallel_loop3A_143, %parallel_loop3A_201 : vector<16xi32>
        %parallel_loop3A_203 = tpu.vector_load_idx %arg7[%parallel_loop3A_202] : memref<4112xf32, #tpu.memory_space<vmem>>[vector<16xi32>], vector<16xf32>,
        %parallel_loop3A_204 = arith.constant 7 : i32
        %parallel_loop3A_205 = arith.index_cast %parallel_loop3A_204 : i32 to index
        %parallel_loop3A_206 = arith.index_cast %parallel_loop3A_140 : i32 to index
        %parallel_loop3A_207 = tpu.vector_load %arg10[%parallel_loop3A_205, %parallel_loop3A_206] {strides = array<i32>} : memref<16x2048xf32, #tpu.memory_space<vmem>>, vector<16xf32>,
        tpu.vector_store %arg10[%parallel_loop3A_205, %parallel_loop3A_206], %parallel_loop3A_203 {strides = array<i32>} : memref<16x2048xf32, #tpu.memory_space<vmem>>, vector<16xf32>,
        %parallel_loop3A_208 = arith.constant 8 : i32
        %parallel_loop3A_209 = vector.broadcast %parallel_loop3A_208 : i32 to vector<16xi32>
        %parallel_loop3A_210 = arith.subi %parallel_loop3A_143, %parallel_loop3A_209 : vector<16xi32>
        %parallel_loop3A_211 = tpu.vector_load_idx %arg7[%parallel_loop3A_210] : memref<4112xf32, #tpu.memory_space<vmem>>[vector<16xi32>], vector<16xf32>,
        %parallel_loop3A_212 = arith.constant 8 : i32
        %parallel_loop3A_213 = arith.index_cast %parallel_loop3A_212 : i32 to index
        %parallel_loop3A_214 = arith.index_cast %parallel_loop3A_140 : i32 to index
        %parallel_loop3A_215 = tpu.vector_load %arg10[%parallel_loop3A_213, %parallel_loop3A_214] {strides = array<i32>} : memref<16x2048xf32, #tpu.memory_space<vmem>>, vector<16xf32>,
        tpu.vector_store %arg10[%parallel_loop3A_213, %parallel_loop3A_214], %parallel_loop3A_211 {strides = array<i32>} : memref<16x2048xf32, #tpu.memory_space<vmem>>, vector<16xf32>,
        %parallel_loop3A_216 = arith.constant 9 : i32
        %parallel_loop3A_217 = vector.broadcast %parallel_loop3A_216 : i32 to vector<16xi32>
        %parallel_loop3A_218 = arith.subi %parallel_loop3A_143, %parallel_loop3A_217 : vector<16xi32>
        %parallel_loop3A_219 = tpu.vector_load_idx %arg7[%parallel_loop3A_218] : memref<4112xf32, #tpu.memory_space<vmem>>[vector<16xi32>], vector<16xf32>,
        %parallel_loop3A_220 = arith.constant 9 : i32
        %parallel_loop3A_221 = arith.index_cast %parallel_loop3A_220 : i32 to index
        %parallel_loop3A_222 = arith.index_cast %parallel_loop3A_140 : i32 to index
        %parallel_loop3A_223 = tpu.vector_load %arg10[%parallel_loop3A_221, %parallel_loop3A_222] {strides = array<i32>} : memref<16x2048xf32, #tpu.memory_space<vmem>>, vector<16xf32>,
        tpu.vector_store %arg10[%parallel_loop3A_221, %parallel_loop3A_222], %parallel_loop3A_219 {strides = array<i32>} : memref<16x2048xf32, #tpu.memory_space<vmem>>, vector<16xf32>,
        %parallel_loop3A_224 = arith.constant 10 : i32
        %parallel_loop3A_225 = vector.broadcast %parallel_loop3A_224 : i32 to vector<16xi32>
        %parallel_loop3A_226 = arith.subi %parallel_loop3A_143, %parallel_loop3A_225 : vector<16xi32>
        %parallel_loop3A_227 = tpu.vector_load_idx %arg7[%parallel_loop3A_226] : memref<4112xf32, #tpu.memory_space<vmem>>[vector<16xi32>], vector<16xf32>,
        %parallel_loop3A_228 = arith.constant 10 : i32
        %parallel_loop3A_229 = arith.index_cast %parallel_loop3A_228 : i32 to index
        %parallel_loop3A_230 = arith.index_cast %parallel_loop3A_140 : i32 to index
        %parallel_loop3A_231 = tpu.vector_load %arg10[%parallel_loop3A_229, %parallel_loop3A_230] {strides = array<i32>} : memref<16x2048xf32, #tpu.memory_space<vmem>>, vector<16xf32>,
        tpu.vector_store %arg10[%parallel_loop3A_229, %parallel_loop3A_230], %parallel_loop3A_227 {strides = array<i32>} : memref<16x2048xf32, #tpu.memory_space<vmem>>, vector<16xf32>,
        %parallel_loop3A_232 = arith.constant 11 : i32
        %parallel_loop3A_233 = vector.broadcast %parallel_loop3A_232 : i32 to vector<16xi32>
        %parallel_loop3A_234 = arith.subi %parallel_loop3A_143, %parallel_loop3A_233 : vector<16xi32>
        %parallel_loop3A_235 = tpu.vector_load_idx %arg7[%parallel_loop3A_234] : memref<4112xf32, #tpu.memory_space<vmem>>[vector<16xi32>], vector<16xf32>,
        %parallel_loop3A_236 = arith.constant 11 : i32
        %parallel_loop3A_237 = arith.index_cast %parallel_loop3A_236 : i32 to index
        %parallel_loop3A_238 = arith.index_cast %parallel_loop3A_140 : i32 to index
        %parallel_loop3A_239 = tpu.vector_load %arg10[%parallel_loop3A_237, %parallel_loop3A_238] {strides = array<i32>} : memref<16x2048xf32, #tpu.memory_space<vmem>>, vector<16xf32>,
        tpu.vector_store %arg10[%parallel_loop3A_237, %parallel_loop3A_238], %parallel_loop3A_235 {strides = array<i32>} : memref<16x2048xf32, #tpu.memory_space<vmem>>, vector<16xf32>,
        %parallel_loop3A_240 = arith.constant 12 : i32
        %parallel_loop3A_241 = vector.broadcast %parallel_loop3A_240 : i32 to vector<16xi32>
        %parallel_loop3A_242 = arith.subi %parallel_loop3A_143, %parallel_loop3A_241 : vector<16xi32>
        %parallel_loop3A_243 = tpu.vector_load_idx %arg7[%parallel_loop3A_242] : memref<4112xf32, #tpu.memory_space<vmem>>[vector<16xi32>], vector<16xf32>,
        %parallel_loop3A_244 = arith.constant 12 : i32
        %parallel_loop3A_245 = arith.index_cast %parallel_loop3A_244 : i32 to index
        %parallel_loop3A_246 = arith.index_cast %parallel_loop3A_140 : i32 to index
        %parallel_loop3A_247 = tpu.vector_load %arg10[%parallel_loop3A_245, %parallel_loop3A_246] {strides = array<i32>} : memref<16x2048xf32, #tpu.memory_space<vmem>>, vector<16xf32>,
        tpu.vector_store %arg10[%parallel_loop3A_245, %parallel_loop3A_246], %parallel_loop3A_243 {strides = array<i32>} : memref<16x2048xf32, #tpu.memory_space<vmem>>, vector<16xf32>,
        %parallel_loop3A_248 = arith.constant 13 : i32
        %parallel_loop3A_249 = vector.broadcast %parallel_loop3A_248 : i32 to vector<16xi32>
        %parallel_loop3A_250 = arith.subi %parallel_loop3A_143, %parallel_loop3A_249 : vector<16xi32>
        %parallel_loop3A_251 = tpu.vector_load_idx %arg7[%parallel_loop3A_250] : memref<4112xf32, #tpu.memory_space<vmem>>[vector<16xi32>], vector<16xf32>,
        %parallel_loop3A_252 = arith.constant 13 : i32
        %parallel_loop3A_253 = arith.index_cast %parallel_loop3A_252 : i32 to index
        %parallel_loop3A_254 = arith.index_cast %parallel_loop3A_140 : i32 to index
        %parallel_loop3A_255 = tpu.vector_load %arg10[%parallel_loop3A_253, %parallel_loop3A_254] {strides = array<i32>} : memref<16x2048xf32, #tpu.memory_space<vmem>>, vector<16xf32>,
        tpu.vector_store %arg10[%parallel_loop3A_253, %parallel_loop3A_254], %parallel_loop3A_251 {strides = array<i32>} : memref<16x2048xf32, #tpu.memory_space<vmem>>, vector<16xf32>,
        %parallel_loop3A_256 = arith.constant 14 : i32
        %parallel_loop3A_257 = vector.broadcast %parallel_loop3A_256 : i32 to vector<16xi32>
        %parallel_loop3A_258 = arith.subi %parallel_loop3A_143, %parallel_loop3A_257 : vector<16xi32>
        %parallel_loop3A_259 = tpu.vector_load_idx %arg7[%parallel_loop3A_258] : memref<4112xf32, #tpu.memory_space<vmem>>[vector<16xi32>], vector<16xf32>,
        %parallel_loop3A_260 = arith.constant 14 : i32
        %parallel_loop3A_261 = arith.index_cast %parallel_loop3A_260 : i32 to index
        %parallel_loop3A_262 = arith.index_cast %parallel_loop3A_140 : i32 to index
        %parallel_loop3A_263 = tpu.vector_load %arg10[%parallel_loop3A_261, %parallel_loop3A_262] {strides = array<i32>} : memref<16x2048xf32, #tpu.memory_space<vmem>>, vector<16xf32>,
        tpu.vector_store %arg10[%parallel_loop3A_261, %parallel_loop3A_262], %parallel_loop3A_259 {strides = array<i32>} : memref<16x2048xf32, #tpu.memory_space<vmem>>, vector<16xf32>,
        %parallel_loop3A_264 = arith.constant 15 : i32
        %parallel_loop3A_265 = vector.broadcast %parallel_loop3A_264 : i32 to vector<16xi32>
        %parallel_loop3A_266 = arith.subi %parallel_loop3A_143, %parallel_loop3A_265 : vector<16xi32>
        %parallel_loop3A_267 = tpu.vector_load_idx %arg7[%parallel_loop3A_266] : memref<4112xf32, #tpu.memory_space<vmem>>[vector<16xi32>], vector<16xf32>,
        %parallel_loop3A_268 = arith.constant 15 : i32
        %parallel_loop3A_269 = arith.index_cast %parallel_loop3A_268 : i32 to index
        %parallel_loop3A_270 = arith.index_cast %parallel_loop3A_140 : i32 to index
        %parallel_loop3A_271 = tpu.vector_load %arg10[%parallel_loop3A_269, %parallel_loop3A_270] {strides = array<i32>} : memref<16x2048xf32, #tpu.memory_space<vmem>>, vector<16xf32>,
        tpu.vector_store %arg10[%parallel_loop3A_269, %parallel_loop3A_270], %parallel_loop3A_267 {strides = array<i32>} : memref<16x2048xf32, #tpu.memory_space<vmem>>, vector<16xf32>,
      } {sc.loop_unroll_factor = 8 : i64, sc.parallel_access}
      %mul3A_131 = arith.constant 2048 : i32
      %mul3A_132 = arith.muli %select_n3A, %mul3A_131 : i32
      %add3A_133 = arith.addi %mul3A_132, %add3A_122 : i32
      %dma_start3A_134 = arith.constant 0 : i32
      %dma_start3A_135 = tpu.memref_slice %arg4[%add3A_133, %dma_start3A_134] : memref<32768x2048xf32, #tpu.memory_space<hbm>> -> memref<16x2048xf32, #tpu.memory_space<hbm>>
      %dma_start3A_136 = arith.constant 0 : i32
      %dma_start3A_137 = tpu.memref_slice %arg4[%add3A_133, %dma_start3A_136] : memref<32768x2048xf32, #tpu.memory_space<hbm>> -> memref<16x2048xf32, #tpu.memory_space<hbm>>
      tpu.enqueue_dma source(%arg10 : memref<16x2048xf32, #tpu.memory_space<vmem>>) target(%dma_start3A_137 : memref<16x2048xf32, #tpu.memory_space<hbm>>) target_semaphore(%arg13 : memref<!tpu.dma_semaphore, #tpu.memory_space<semaphore_mem>>)
    }
    %scan3A_31 = arith.constant 21 : i32
    %add3A_32 = arith.constant 1008 : i32
    %add3A_33 = arith.addi %mul3A_24, %add3A_32 : i32
    %dma_wait3A = arith.constant 0 : i32
    %dma_wait3A_34 = arith.constant 0 : i32
    %dma_wait3A_35 = tpu.memref_slice %arg4[%dma_wait3A, %dma_wait3A_34] : memref<32768x2048xf32, #tpu.memory_space<hbm>> -> memref<16x2048xf32, #tpu.memory_space<hbm>>
    %dma_wait3A_36 = arith.constant 0 : i32
    %dma_wait3A_37 = arith.constant 0 : i32
    %dma_wait3A_38 = tpu.memref_slice %arg4[%dma_wait3A_36, %dma_wait3A_37] : memref<32768x2048xf32, #tpu.memory_space<hbm>> -> memref<16x2048xf32, #tpu.memory_space<hbm>>
    tpu.wait_dma2 semaphore(%arg11 : memref<!tpu.dma_semaphore, #tpu.memory_space<semaphore_mem>>) src(%arg8 : memref<16x2048xf32, #tpu.memory_space<vmem>>) dst(%dma_wait3A_38 : memref<16x2048xf32, #tpu.memory_space<hbm>>)
    %sub3A_39 = arith.constant 2047 : i32
    %sub3A_40 = arith.subi %sub3A_39, %add3A_33 : i32
    %parallel_loop3A_41 = arith.constant 0 : i32
    %parallel_loop3A_42 = arith.constant 128 : i32
    %parallel_loop3A_43 = arith.constant 1 : i32
    scf.for %parallel_loop3A_68 = %parallel_loop3A_41 to %parallel_loop3A_42 step %parallel_loop3A_43  : i32 {
      %parallel_loop3A_69 = arith.constant 16 : i32
      %parallel_loop3A_70 = arith.muli %parallel_loop3A_68, %parallel_loop3A_69 : i32
      %parallel_loop3A_71 = arith.addi %sub3A_40, %parallel_loop3A_70 : i32
      %parallel_loop3A_72 = vector.broadcast %parallel_loop3A_71 : i32 to vector<16xi32>
      %parallel_loop3A_73 = arith.addi %parallel_loop3A_72, %iota3A : vector<16xi32>
      %parallel_loop3A_74 = arith.constant 0 : i32
      %parallel_loop3A_75 = vector.broadcast %parallel_loop3A_74 : i32 to vector<16xi32>
      %parallel_loop3A_76 = arith.subi %parallel_loop3A_73, %parallel_loop3A_75 : vector<16xi32>
      %parallel_loop3A_77 = tpu.vector_load_idx %arg7[%parallel_loop3A_76] : memref<4112xf32, #tpu.memory_space<vmem>>[vector<16xi32>], vector<16xf32>,
      %parallel_loop3A_78 = arith.constant 0 : i32
      %parallel_loop3A_79 = arith.index_cast %parallel_loop3A_78 : i32 to index
      %parallel_loop3A_80 = arith.index_cast %parallel_loop3A_70 : i32 to index
      %parallel_loop3A_81 = tpu.vector_load %arg8[%parallel_loop3A_79, %parallel_loop3A_80] {strides = array<i32>} : memref<16x2048xf32, #tpu.memory_space<vmem>>, vector<16xf32>,
      tpu.vector_store %arg8[%parallel_loop3A_79, %parallel_loop3A_80], %parallel_loop3A_77 {strides = array<i32>} : memref<16x2048xf32, #tpu.memory_space<vmem>>, vector<16xf32>,
      %parallel_loop3A_82 = arith.constant 1 : i32
      %parallel_loop3A_83 = vector.broadcast %parallel_loop3A_82 : i32 to vector<16xi32>
      %parallel_loop3A_84 = arith.subi %parallel_loop3A_73, %parallel_loop3A_83 : vector<16xi32>
      %parallel_loop3A_85 = tpu.vector_load_idx %arg7[%parallel_loop3A_84] : memref<4112xf32, #tpu.memory_space<vmem>>[vector<16xi32>], vector<16xf32>,
      %parallel_loop3A_86 = arith.constant 1 : i32
      %parallel_loop3A_87 = arith.index_cast %parallel_loop3A_86 : i32 to index
      %parallel_loop3A_88 = arith.index_cast %parallel_loop3A_70 : i32 to index
      %parallel_loop3A_89 = tpu.vector_load %arg8[%parallel_loop3A_87, %parallel_loop3A_88] {strides = array<i32>} : memref<16x2048xf32, #tpu.memory_space<vmem>>, vector<16xf32>,
      tpu.vector_store %arg8[%parallel_loop3A_87, %parallel_loop3A_88], %parallel_loop3A_85 {strides = array<i32>} : memref<16x2048xf32, #tpu.memory_space<vmem>>, vector<16xf32>,
      %parallel_loop3A_90 = arith.constant 2 : i32
      %parallel_loop3A_91 = vector.broadcast %parallel_loop3A_90 : i32 to vector<16xi32>
      %parallel_loop3A_92 = arith.subi %parallel_loop3A_73, %parallel_loop3A_91 : vector<16xi32>
      %parallel_loop3A_93 = tpu.vector_load_idx %arg7[%parallel_loop3A_92] : memref<4112xf32, #tpu.memory_space<vmem>>[vector<16xi32>], vector<16xf32>,
      %parallel_loop3A_94 = arith.constant 2 : i32
      %parallel_loop3A_95 = arith.index_cast %parallel_loop3A_94 : i32 to index
      %parallel_loop3A_96 = arith.index_cast %parallel_loop3A_70 : i32 to index
      %parallel_loop3A_97 = tpu.vector_load %arg8[%parallel_loop3A_95, %parallel_loop3A_96] {strides = array<i32>} : memref<16x2048xf32, #tpu.memory_space<vmem>>, vector<16xf32>,
      tpu.vector_store %arg8[%parallel_loop3A_95, %parallel_loop3A_96], %parallel_loop3A_93 {strides = array<i32>} : memref<16x2048xf32, #tpu.memory_space<vmem>>, vector<16xf32>,
      %parallel_loop3A_98 = arith.constant 3 : i32
      %parallel_loop3A_99 = vector.broadcast %parallel_loop3A_98 : i32 to vector<16xi32>
      %parallel_loop3A_100 = arith.subi %parallel_loop3A_73, %parallel_loop3A_99 : vector<16xi32>
      %parallel_loop3A_101 = tpu.vector_load_idx %arg7[%parallel_loop3A_100] : memref<4112xf32, #tpu.memory_space<vmem>>[vector<16xi32>], vector<16xf32>,
      %parallel_loop3A_102 = arith.constant 3 : i32
      %parallel_loop3A_103 = arith.index_cast %parallel_loop3A_102 : i32 to index
      %parallel_loop3A_104 = arith.index_cast %parallel_loop3A_70 : i32 to index
      %parallel_loop3A_105 = tpu.vector_load %arg8[%parallel_loop3A_103, %parallel_loop3A_104] {strides = array<i32>} : memref<16x2048xf32, #tpu.memory_space<vmem>>, vector<16xf32>,
      tpu.vector_store %arg8[%parallel_loop3A_103, %parallel_loop3A_104], %parallel_loop3A_101 {strides = array<i32>} : memref<16x2048xf32, #tpu.memory_space<vmem>>, vector<16xf32>,
      %parallel_loop3A_106 = arith.constant 4 : i32
      %parallel_loop3A_107 = vector.broadcast %parallel_loop3A_106 : i32 to vector<16xi32>
      %parallel_loop3A_108 = arith.subi %parallel_loop3A_73, %parallel_loop3A_107 : vector<16xi32>
      %parallel_loop3A_109 = tpu.vector_load_idx %arg7[%parallel_loop3A_108] : memref<4112xf32, #tpu.memory_space<vmem>>[vector<16xi32>], vector<16xf32>,
      %parallel_loop3A_110 = arith.constant 4 : i32
      %parallel_loop3A_111 = arith.index_cast %parallel_loop3A_110 : i32 to index
      %parallel_loop3A_112 = arith.index_cast %parallel_loop3A_70 : i32 to index
      %parallel_loop3A_113 = tpu.vector_load %arg8[%parallel_loop3A_111, %parallel_loop3A_112] {strides = array<i32>} : memref<16x2048xf32, #tpu.memory_space<vmem>>, vector<16xf32>,
      tpu.vector_store %arg8[%parallel_loop3A_111, %parallel_loop3A_112], %parallel_loop3A_109 {strides = array<i32>} : memref<16x2048xf32, #tpu.memory_space<vmem>>, vector<16xf32>,
      %parallel_loop3A_114 = arith.constant 5 : i32
      %parallel_loop3A_115 = vector.broadcast %parallel_loop3A_114 : i32 to vector<16xi32>
      %parallel_loop3A_116 = arith.subi %parallel_loop3A_73, %parallel_loop3A_115 : vector<16xi32>
      %parallel_loop3A_117 = tpu.vector_load_idx %arg7[%parallel_loop3A_116] : memref<4112xf32, #tpu.memory_space<vmem>>[vector<16xi32>], vector<16xf32>,
      %parallel_loop3A_118 = arith.constant 5 : i32
      %parallel_loop3A_119 = arith.index_cast %parallel_loop3A_118 : i32 to index
      %parallel_loop3A_120 = arith.index_cast %parallel_loop3A_70 : i32 to index
      %parallel_loop3A_121 = tpu.vector_load %arg8[%parallel_loop3A_119, %parallel_loop3A_120] {strides = array<i32>} : memref<16x2048xf32, #tpu.memory_space<vmem>>, vector<16xf32>,
      tpu.vector_store %arg8[%parallel_loop3A_119, %parallel_loop3A_120], %parallel_loop3A_117 {strides = array<i32>} : memref<16x2048xf32, #tpu.memory_space<vmem>>, vector<16xf32>,
      %parallel_loop3A_122 = arith.constant 6 : i32
      %parallel_loop3A_123 = vector.broadcast %parallel_loop3A_122 : i32 to vector<16xi32>
      %parallel_loop3A_124 = arith.subi %parallel_loop3A_73, %parallel_loop3A_123 : vector<16xi32>
      %parallel_loop3A_125 = tpu.vector_load_idx %arg7[%parallel_loop3A_124] : memref<4112xf32, #tpu.memory_space<vmem>>[vector<16xi32>], vector<16xf32>,
      %parallel_loop3A_126 = arith.constant 6 : i32
      %parallel_loop3A_127 = arith.index_cast %parallel_loop3A_126 : i32 to index
      %parallel_loop3A_128 = arith.index_cast %parallel_loop3A_70 : i32 to index
      %parallel_loop3A_129 = tpu.vector_load %arg8[%parallel_loop3A_127, %parallel_loop3A_128] {strides = array<i32>} : memref<16x2048xf32, #tpu.memory_space<vmem>>, vector<16xf32>,
      tpu.vector_store %arg8[%parallel_loop3A_127, %parallel_loop3A_128], %parallel_loop3A_125 {strides = array<i32>} : memref<16x2048xf32, #tpu.memory_space<vmem>>, vector<16xf32>,
      %parallel_loop3A_130 = arith.constant 7 : i32
      %parallel_loop3A_131 = vector.broadcast %parallel_loop3A_130 : i32 to vector<16xi32>
      %parallel_loop3A_132 = arith.subi %parallel_loop3A_73, %parallel_loop3A_131 : vector<16xi32>
      %parallel_loop3A_133 = tpu.vector_load_idx %arg7[%parallel_loop3A_132] : memref<4112xf32, #tpu.memory_space<vmem>>[vector<16xi32>], vector<16xf32>,
      %parallel_loop3A_134 = arith.constant 7 : i32
      %parallel_loop3A_135 = arith.index_cast %parallel_loop3A_134 : i32 to index
      %parallel_loop3A_136 = arith.index_cast %parallel_loop3A_70 : i32 to index
      %parallel_loop3A_137 = tpu.vector_load %arg8[%parallel_loop3A_135, %parallel_loop3A_136] {strides = array<i32>} : memref<16x2048xf32, #tpu.memory_space<vmem>>, vector<16xf32>,
      tpu.vector_store %arg8[%parallel_loop3A_135, %parallel_loop3A_136], %parallel_loop3A_133 {strides = array<i32>} : memref<16x2048xf32, #tpu.memory_space<vmem>>, vector<16xf32>,
      %parallel_loop3A_138 = arith.constant 8 : i32
      %parallel_loop3A_139 = vector.broadcast %parallel_loop3A_138 : i32 to vector<16xi32>
      %parallel_loop3A_140 = arith.subi %parallel_loop3A_73, %parallel_loop3A_139 : vector<16xi32>
      %parallel_loop3A_141 = tpu.vector_load_idx %arg7[%parallel_loop3A_140] : memref<4112xf32, #tpu.memory_space<vmem>>[vector<16xi32>], vector<16xf32>,
      %parallel_loop3A_142 = arith.constant 8 : i32
      %parallel_loop3A_143 = arith.index_cast %parallel_loop3A_142 : i32 to index
      %parallel_loop3A_144 = arith.index_cast %parallel_loop3A_70 : i32 to index
      %parallel_loop3A_145 = tpu.vector_load %arg8[%parallel_loop3A_143, %parallel_loop3A_144] {strides = array<i32>} : memref<16x2048xf32, #tpu.memory_space<vmem>>, vector<16xf32>,
      tpu.vector_store %arg8[%parallel_loop3A_143, %parallel_loop3A_144], %parallel_loop3A_141 {strides = array<i32>} : memref<16x2048xf32, #tpu.memory_space<vmem>>, vector<16xf32>,
      %parallel_loop3A_146 = arith.constant 9 : i32
      %parallel_loop3A_147 = vector.broadcast %parallel_loop3A_146 : i32 to vector<16xi32>
      %parallel_loop3A_148 = arith.subi %parallel_loop3A_73, %parallel_loop3A_147 : vector<16xi32>
      %parallel_loop3A_149 = tpu.vector_load_idx %arg7[%parallel_loop3A_148] : memref<4112xf32, #tpu.memory_space<vmem>>[vector<16xi32>], vector<16xf32>,
      %parallel_loop3A_150 = arith.constant 9 : i32
      %parallel_loop3A_151 = arith.index_cast %parallel_loop3A_150 : i32 to index
      %parallel_loop3A_152 = arith.index_cast %parallel_loop3A_70 : i32 to index
      %parallel_loop3A_153 = tpu.vector_load %arg8[%parallel_loop3A_151, %parallel_loop3A_152] {strides = array<i32>} : memref<16x2048xf32, #tpu.memory_space<vmem>>, vector<16xf32>,
      tpu.vector_store %arg8[%parallel_loop3A_151, %parallel_loop3A_152], %parallel_loop3A_149 {strides = array<i32>} : memref<16x2048xf32, #tpu.memory_space<vmem>>, vector<16xf32>,
      %parallel_loop3A_154 = arith.constant 10 : i32
      %parallel_loop3A_155 = vector.broadcast %parallel_loop3A_154 : i32 to vector<16xi32>
      %parallel_loop3A_156 = arith.subi %parallel_loop3A_73, %parallel_loop3A_155 : vector<16xi32>
      %parallel_loop3A_157 = tpu.vector_load_idx %arg7[%parallel_loop3A_156] : memref<4112xf32, #tpu.memory_space<vmem>>[vector<16xi32>], vector<16xf32>,
      %parallel_loop3A_158 = arith.constant 10 : i32
      %parallel_loop3A_159 = arith.index_cast %parallel_loop3A_158 : i32 to index
      %parallel_loop3A_160 = arith.index_cast %parallel_loop3A_70 : i32 to index
      %parallel_loop3A_161 = tpu.vector_load %arg8[%parallel_loop3A_159, %parallel_loop3A_160] {strides = array<i32>} : memref<16x2048xf32, #tpu.memory_space<vmem>>, vector<16xf32>,
      tpu.vector_store %arg8[%parallel_loop3A_159, %parallel_loop3A_160], %parallel_loop3A_157 {strides = array<i32>} : memref<16x2048xf32, #tpu.memory_space<vmem>>, vector<16xf32>,
      %parallel_loop3A_162 = arith.constant 11 : i32
      %parallel_loop3A_163 = vector.broadcast %parallel_loop3A_162 : i32 to vector<16xi32>
      %parallel_loop3A_164 = arith.subi %parallel_loop3A_73, %parallel_loop3A_163 : vector<16xi32>
      %parallel_loop3A_165 = tpu.vector_load_idx %arg7[%parallel_loop3A_164] : memref<4112xf32, #tpu.memory_space<vmem>>[vector<16xi32>], vector<16xf32>,
      %parallel_loop3A_166 = arith.constant 11 : i32
      %parallel_loop3A_167 = arith.index_cast %parallel_loop3A_166 : i32 to index
      %parallel_loop3A_168 = arith.index_cast %parallel_loop3A_70 : i32 to index
      %parallel_loop3A_169 = tpu.vector_load %arg8[%parallel_loop3A_167, %parallel_loop3A_168] {strides = array<i32>} : memref<16x2048xf32, #tpu.memory_space<vmem>>, vector<16xf32>,
      tpu.vector_store %arg8[%parallel_loop3A_167, %parallel_loop3A_168], %parallel_loop3A_165 {strides = array<i32>} : memref<16x2048xf32, #tpu.memory_space<vmem>>, vector<16xf32>,
      %parallel_loop3A_170 = arith.constant 12 : i32
      %parallel_loop3A_171 = vector.broadcast %parallel_loop3A_170 : i32 to vector<16xi32>
      %parallel_loop3A_172 = arith.subi %parallel_loop3A_73, %parallel_loop3A_171 : vector<16xi32>
      %parallel_loop3A_173 = tpu.vector_load_idx %arg7[%parallel_loop3A_172] : memref<4112xf32, #tpu.memory_space<vmem>>[vector<16xi32>], vector<16xf32>,
      %parallel_loop3A_174 = arith.constant 12 : i32
      %parallel_loop3A_175 = arith.index_cast %parallel_loop3A_174 : i32 to index
      %parallel_loop3A_176 = arith.index_cast %parallel_loop3A_70 : i32 to index
      %parallel_loop3A_177 = tpu.vector_load %arg8[%parallel_loop3A_175, %parallel_loop3A_176] {strides = array<i32>} : memref<16x2048xf32, #tpu.memory_space<vmem>>, vector<16xf32>,
      tpu.vector_store %arg8[%parallel_loop3A_175, %parallel_loop3A_176], %parallel_loop3A_173 {strides = array<i32>} : memref<16x2048xf32, #tpu.memory_space<vmem>>, vector<16xf32>,
      %parallel_loop3A_178 = arith.constant 13 : i32
      %parallel_loop3A_179 = vector.broadcast %parallel_loop3A_178 : i32 to vector<16xi32>
      %parallel_loop3A_180 = arith.subi %parallel_loop3A_73, %parallel_loop3A_179 : vector<16xi32>
      %parallel_loop3A_181 = tpu.vector_load_idx %arg7[%parallel_loop3A_180] : memref<4112xf32, #tpu.memory_space<vmem>>[vector<16xi32>], vector<16xf32>,
      %parallel_loop3A_182 = arith.constant 13 : i32
      %parallel_loop3A_183 = arith.index_cast %parallel_loop3A_182 : i32 to index
      %parallel_loop3A_184 = arith.index_cast %parallel_loop3A_70 : i32 to index
      %parallel_loop3A_185 = tpu.vector_load %arg8[%parallel_loop3A_183, %parallel_loop3A_184] {strides = array<i32>} : memref<16x2048xf32, #tpu.memory_space<vmem>>, vector<16xf32>,
      tpu.vector_store %arg8[%parallel_loop3A_183, %parallel_loop3A_184], %parallel_loop3A_181 {strides = array<i32>} : memref<16x2048xf32, #tpu.memory_space<vmem>>, vector<16xf32>,
      %parallel_loop3A_186 = arith.constant 14 : i32
      %parallel_loop3A_187 = vector.broadcast %parallel_loop3A_186 : i32 to vector<16xi32>
      %parallel_loop3A_188 = arith.subi %parallel_loop3A_73, %parallel_loop3A_187 : vector<16xi32>
      %parallel_loop3A_189 = tpu.vector_load_idx %arg7[%parallel_loop3A_188] : memref<4112xf32, #tpu.memory_space<vmem>>[vector<16xi32>], vector<16xf32>,
      %parallel_loop3A_190 = arith.constant 14 : i32
      %parallel_loop3A_191 = arith.index_cast %parallel_loop3A_190 : i32 to index
      %parallel_loop3A_192 = arith.index_cast %parallel_loop3A_70 : i32 to index
      %parallel_loop3A_193 = tpu.vector_load %arg8[%parallel_loop3A_191, %parallel_loop3A_192] {strides = array<i32>} : memref<16x2048xf32, #tpu.memory_space<vmem>>, vector<16xf32>,
      tpu.vector_store %arg8[%parallel_loop3A_191, %parallel_loop3A_192], %parallel_loop3A_189 {strides = array<i32>} : memref<16x2048xf32, #tpu.memory_space<vmem>>, vector<16xf32>,
      %parallel_loop3A_194 = arith.constant 15 : i32
      %parallel_loop3A_195 = vector.broadcast %parallel_loop3A_194 : i32 to vector<16xi32>
      %parallel_loop3A_196 = arith.subi %parallel_loop3A_73, %parallel_loop3A_195 : vector<16xi32>
      %parallel_loop3A_197 = tpu.vector_load_idx %arg7[%parallel_loop3A_196] : memref<4112xf32, #tpu.memory_space<vmem>>[vector<16xi32>], vector<16xf32>,
      %parallel_loop3A_198 = arith.constant 15 : i32
      %parallel_loop3A_199 = arith.index_cast %parallel_loop3A_198 : i32 to index
      %parallel_loop3A_200 = arith.index_cast %parallel_loop3A_70 : i32 to index
      %parallel_loop3A_201 = tpu.vector_load %arg8[%parallel_loop3A_199, %parallel_loop3A_200] {strides = array<i32>} : memref<16x2048xf32, #tpu.memory_space<vmem>>, vector<16xf32>,
      tpu.vector_store %arg8[%parallel_loop3A_199, %parallel_loop3A_200], %parallel_loop3A_197 {strides = array<i32>} : memref<16x2048xf32, #tpu.memory_space<vmem>>, vector<16xf32>,
    } {sc.loop_unroll_factor = 8 : i64, sc.parallel_access}
    %mul3A_44 = arith.constant 2048 : i32
    %mul3A_45 = arith.muli %select_n3A, %mul3A_44 : i32
    %add3A_46 = arith.addi %mul3A_45, %add3A_33 : i32
    %dma_start3A = arith.constant 0 : i32
    %dma_start3A_47 = tpu.memref_slice %arg4[%add3A_46, %dma_start3A] : memref<32768x2048xf32, #tpu.memory_space<hbm>> -> memref<16x2048xf32, #tpu.memory_space<hbm>>
    %dma_start3A_48 = arith.constant 0 : i32
    %dma_start3A_49 = tpu.memref_slice %arg4[%add3A_46, %dma_start3A_48] : memref<32768x2048xf32, #tpu.memory_space<hbm>> -> memref<16x2048xf32, #tpu.memory_space<hbm>>
    tpu.enqueue_dma source(%arg8 : memref<16x2048xf32, #tpu.memory_space<vmem>>) target(%dma_start3A_49 : memref<16x2048xf32, #tpu.memory_space<hbm>>) target_semaphore(%arg11 : memref<!tpu.dma_semaphore, #tpu.memory_space<semaphore_mem>>)
    %dma_wait3A_50 = arith.constant 0 : i32
    %dma_wait3A_51 = arith.constant 0 : i32
    %dma_wait3A_52 = tpu.memref_slice %arg4[%dma_wait3A_50, %dma_wait3A_51] : memref<32768x2048xf32, #tpu.memory_space<hbm>> -> memref<16x2048xf32, #tpu.memory_space<hbm>>
    %dma_wait3A_53 = arith.constant 0 : i32
    %dma_wait3A_54 = arith.constant 0 : i32
    %dma_wait3A_55 = tpu.memref_slice %arg4[%dma_wait3A_53, %dma_wait3A_54] : memref<32768x2048xf32, #tpu.memory_space<hbm>> -> memref<16x2048xf32, #tpu.memory_space<hbm>>
    tpu.wait_dma2 semaphore(%arg11 : memref<!tpu.dma_semaphore, #tpu.memory_space<semaphore_mem>>) src(%arg8 : memref<16x2048xf32, #tpu.memory_space<vmem>>) dst(%dma_wait3A_55 : memref<16x2048xf32, #tpu.memory_space<hbm>>)
    %dma_wait3A_56 = arith.constant 0 : i32
    %dma_wait3A_57 = arith.constant 0 : i32
    %dma_wait3A_58 = tpu.memref_slice %arg4[%dma_wait3A_56, %dma_wait3A_57] : memref<32768x2048xf32, #tpu.memory_space<hbm>> -> memref<16x2048xf32, #tpu.memory_space<hbm>>
    %dma_wait3A_59 = arith.constant 0 : i32
    %dma_wait3A_60 = arith.constant 0 : i32
    %dma_wait3A_61 = tpu.memref_slice %arg4[%dma_wait3A_59, %dma_wait3A_60] : memref<32768x2048xf32, #tpu.memory_space<hbm>> -> memref<16x2048xf32, #tpu.memory_space<hbm>>
    tpu.wait_dma2 semaphore(%arg12 : memref<!tpu.dma_semaphore, #tpu.memory_space<semaphore_mem>>) src(%arg9 : memref<16x2048xf32, #tpu.memory_space<vmem>>) dst(%dma_wait3A_61 : memref<16x2048xf32, #tpu.memory_space<hbm>>)
    %dma_wait3A_62 = arith.constant 0 : i32
    %dma_wait3A_63 = arith.constant 0 : i32
    %dma_wait3A_64 = tpu.memref_slice %arg4[%dma_wait3A_62, %dma_wait3A_63] : memref<32768x2048xf32, #tpu.memory_space<hbm>> -> memref<16x2048xf32, #tpu.memory_space<hbm>>
    %dma_wait3A_65 = arith.constant 0 : i32
    %dma_wait3A_66 = arith.constant 0 : i32
    %dma_wait3A_67 = tpu.memref_slice %arg4[%dma_wait3A_65, %dma_wait3A_66] : memref<32768x2048xf32, #tpu.memory_space<hbm>> -> memref<16x2048xf32, #tpu.memory_space<hbm>>
    tpu.wait_dma2 semaphore(%arg13 : memref<!tpu.dma_semaphore, #tpu.memory_space<semaphore_mem>>) src(%arg10 : memref<16x2048xf32, #tpu.memory_space<vmem>>) dst(%dma_wait3A_67 : memref<16x2048xf32, #tpu.memory_space<hbm>>)
    return
  }
}

module attributes {stable_mosaic.version = 14 : i64} {
  func.func @_bucket_tc_body(%arg0: memref<1xi32, #tpu.memory_space<smem>>, %arg1: memref<4224xi32, #tpu.memory_space<vmem>>) attributes {dimension_semantics = [], scalar_prefetch = 0 : i64, scratch_operands = 0 : i64, tpu.core_type = #tpu.core_type<tc>} {
    %iota3A = tpu.iota {dimensions = array<i32: 1>} : vector<1x4224xi32>
    %iota3A_0 = vector.shape_cast %iota3A : vector<1x4224xi32> to vector<4224xi32>
    %sub3A = arith.constant 2047 : i32
    %sub3A_1 = vector.broadcast %sub3A : i32 to vector<4224xi32>
    %sub3A_2 = arith.subi %iota3A_0, %sub3A_1 : vector<4224xi32>
    %get3A = arith.constant 0 : index
    %get3A_3 = memref.load %arg0[%get3A] : memref<1xi32, #tpu.memory_space<smem>>
    %add3A = vector.broadcast %get3A_3 : i32 to vector<4224xi32>
    %add3A_4 = arith.addi %sub3A_2, %add3A : vector<4224xi32>
    %gt3A = arith.constant 0 : i32
    %gt3A_5 = vector.broadcast %gt3A : i32 to vector<4224xi32>
    %gt3A_6 = arith.cmpi sgt, %add3A_4, %gt3A_5 : vector<4224xi32>
    %convert_element_type3A = arith.extui %gt3A_6 : vector<4224xi1> to vector<4224xi32>
    %mul3A = arith.constant 16 : i32
    %mul3A_7 = vector.broadcast %mul3A : i32 to vector<4224xi32>
    %mul3A_8 = arith.muli %convert_element_type3A, %mul3A_7 : vector<4224xi32>
    %abs3A = math.absi %add3A_4 : vector<4224xi32>
    %convert_element_type3A_9 = arith.sitofp %abs3A : vector<4224xi32> to vector<4224xf32>
    %div3A = arith.constant 8.000000e+00 : f32
    %div3A_10 = vector.broadcast %div3A : f32 to vector<4224xf32>
    %div3A_11 = arith.divf %convert_element_type3A_9, %div3A_10 : vector<4224xf32>
    %log3A = math.log %div3A_11 : vector<4224xf32>
    %div3A_12 = arith.constant 2.77258873 : f32
    %div3A_13 = vector.broadcast %div3A_12 : f32 to vector<4224xf32>
    %div3A_14 = arith.divf %log3A, %div3A_13 : vector<4224xf32>
    %mul3A_15 = arith.constant 8.000000e+00 : f32
    %mul3A_16 = vector.broadcast %mul3A_15 : f32 to vector<4224xf32>
    %mul3A_17 = arith.mulf %div3A_14, %mul3A_16 : vector<4224xf32>
    %convert_element_type3A_18 = arith.fptosi %mul3A_17 : vector<4224xf32> to vector<4224xi32>
    %add3A_19 = arith.constant 8 : i32
    %add3A_20 = vector.broadcast %add3A_19 : i32 to vector<4224xi32>
    %add3A_21 = arith.addi %add3A_20, %convert_element_type3A_18 : vector<4224xi32>
    %min3A = arith.constant 15 : i32
    %min3A_22 = vector.broadcast %min3A : i32 to vector<4224xi32>
    %min3A_23 = arith.minsi %add3A_21, %min3A_22 : vector<4224xi32>
    %lt3A = arith.constant 8 : i32
    %lt3A_24 = vector.broadcast %lt3A : i32 to vector<4224xi32>
    %lt3A_25 = arith.cmpi slt, %abs3A, %lt3A_24 : vector<4224xi32>
    %select_n3A = arith.select %lt3A_25, %abs3A, %min3A_23 : vector<4224xi1>, vector<4224xi32>
    %add3A_26 = arith.addi %mul3A_8, %select_n3A : vector<4224xi32>
    %swap3A = arith.constant 0 : index
    %swap3A_27 = vector.load %arg1[%swap3A] : memref<4224xi32, #tpu.memory_space<vmem>>, vector<4224xi32>
    tpu.vector_store %arg1[%swap3A], %add3A_26 {strides = array<i32>} : memref<4224xi32, #tpu.memory_space<vmem>>, vector<4224xi32>,
    return
  }
}

</mosaic_0001>

<sc_bundles>
// kernel: kernel.4.cloned.1.call-start
scs
__scs_entry_jumppad:
0x0: {  	(pc) =	sbr.rel $0x88, $3  }
0x1: {  	(tag) =	ssettag $0x0;
	lr =	simm.s32 $0x1  }
0x2: {  	[smem:$0x3F9E] =	sst lr;
	_ =	strace $0xD0000000  }
0x3: {  	_ = 	snop  }
0x4: {  	_ = 	snop  }
0x5: {  	_ = 	snop  }
0x6: {  	_ = 	snop  }
0x7: {  	_ = 	snop  }
__scs_overlays_trampoline_lowered:
0x8: {  	[smem:$0x3FAD] =	sst s0  }
0x9: {  	[smem:$0x3FAE] =	sst s1  }
0xa: {  	[smem:$0x3FAF] =	sst s2  }
0xb: {  	[smem:$0x3FB0] =	sst s3  }
0xc: {  	[smem:$0x3FB1] =	sst s4  }
0xd: {  	[smem:$0x3FB2] =	sst s5  }
0xe: {  	[smem:$0x3FB3] =	sst s6  }
0xf: {  	[smem:$0x3FB4] =	sst s7  }
0x10: {  	[smem:$0x3FB5] =	sst s8  }
0x11: {  	[smem:$0x3FB6] =	sst s9;
	s0 =	simm.s32 @!p0 $0x0  }
0x12: {  	s1 =	sld [smem:$0x3F9C];
	s0 =	simm.s32 @p0 $0x1  }
0x13: {  	[smem:$0x3FB7] =	sst s0;
	s0 =	simm.s32 @!p1 $0x0  }
0x14: {  	s2 =	sld [smem:$0x3F9B];
	s0 =	simm.s32 @p1 $0x1  }
0x15: {  	[smem:$0x3FB8] =	sst s0;
	s0 =	simm.s32 @!p2 $0x0  }
0x16: {  	s3 =	sld [smem:$0x3FDB];
	s0 =	simm.s32 @p2 $0x1  }
0x17: {  	s4 =	simm.s32 $0x1BF5;
	[smem:$0x3FBA] =	sst s0  }
0x18: {  	s0 =	sld [smem:$0x3F9D];
	_ =	swait.ge [sflag:s4], $0x0  }
0x19: {  	s7 =	sld [smem:$0x3F9E]  }
0x1a: {  	s8 =	sadd.s32 $0xFFFFE003, lr  }
0x1b: {  	s9 =	sadd.s32 $0xFFFFFEF7, lr;
	s5 =	simm.s32 $0xFFFFFFFF;
	p2 =	slt.u32 s8, $0xFFFFF086  }
0x1c: {  	p1 =	slt.u32 s9, $0xF7A;
	s5 =	simm.s32 @!p2 $0x0  }
0x1d: {  	s5 =	simm.s32 @p1 $0x1;
	p0 =	seq.s32 s7, s2  }
0x1e: {  	s7 =	smul.u32 @!p0 $0xF7A, s2;
	p2 =	seq.s32 @!p0 s5, $0x0  }
0x1f: {  	s9 =	smul.u32 $0xF7A, s1;
	s8 =	simm.s32 @!p0 $0x1BF5;
	p2 =	por !p2, p0  }
0x20: {  	[sflag:s8] =	ssyncset.s32 @!p0 $0xFFFFF086;
	s6 =	sadd.s32 @!p0 s3, s7;
	s7 =	simm.s32 @!p0 $0x108  }
0x21: {  	s3 =	sadd.s32 s3, s9;
	s6 =	sadd.s32 @!p0 $0x88, s6;
	s7 =	simm.s32 @p2 $0x1082  }
0x22: {  	[simem:s7], [sflag:s8] =	dma.local @!p0 [hbm:s6], $0xF7A  }
0x23: {  	s9 =	sor.u32 $0xD0000000, s2;
	s6 =	simm.s32 $0x108;
	_ =	swait.ge @!p0 [sflag:s8], $0x0  }
0x24: {  	s3 =	sadd.s32 $0x88, s3;
	s6 =	simm.s32 @!p1 $0x1082;
	[sflag:s4] =	ssyncset.s32 $0xFFFFF086  }
0x25: {  	[simem:s6], [sflag:s4] =	dma.local [hbm:s3], $0xF7A  }
0x26: {  	[smem:$0x3F9E] =	sst s1;
	(tag) =	ssettag s2;
	_ =	strace s9  }
0x27: {  	s1 =	sld [smem:$0x3FAE]  }
0x28: {  	s2 =	sld [smem:$0x3FAF]  }
0x29: {  	s4 =	sld [smem:$0x3FB1]  }
0x2a: {  	p0 =	seq.s32 s5, $0x0;
	s5 =	sld [smem:$0x3FB2]  }
0x2b: {  	s6 =	sld [smem:$0x3FB3]  }
0x2c: {  	s7 =	sld [smem:$0x3FB4]  }
0x2d: {  	s3 =	simm.s32 $0x108;
	s8 =	sld [smem:$0x3FB5]  }
0x2e: {  	s3 =	simm.s32 @!p0 $0x1082;
	s9 =	sld [smem:$0x3FB6]  }
0x2f: {  	lr =	sadd.s32 s0, s3;
	s0 =	sld [smem:$0x3FAD]  }
0x30: {  	s3 =	sld [smem:$0x3FB0]  }
0x31: {  	[smem:$0x3FB9] =	sst s10  }
0x32: {  	s10 =	sld [smem:$0x3FB7];
	_ =	sdelay $0x3  }
0x33: {  	p0 =	seq.s32 s10, $0x1;
	s10 =	sld [smem:$0x3FB9];
	_ =	sdelay $0x3  }
0x34: {  	[smem:$0x3FB9] =	sst s10  }
0x35: {  	s10 =	sld [smem:$0x3FB8];
	_ =	sdelay $0x3  }
0x36: {  	p1 =	seq.s32 s10, $0x1;
	s10 =	sld [smem:$0x3FB9];
	_ =	sdelay $0x3  }
0x37: {  	[smem:$0x3FB9] =	sst s10  }
0x38: {  	s10 =	sld [smem:$0x3FBA]  }
0x39: {  	_ = 	snop;
	(pc) =	sbr.ind lr, $3  }
0x3a: {  	_ = 	snop  }
0x3b: {  	_ = 	snop  }
0x3c: {  	p2 =	seq.s32 s10, $0x1;
	s10 =	sld [smem:$0x3FB9]  }
0x3d: {  	_ =	shalt  }
0x3e: {  	_ =	shalt  }
0x3f: {  	_ =	shalt  }
0x40: {  	_ =	shalt  }
0x41: {  	_ =	shalt  }
0x42: {  	_ =	shalt  }
0x43: {  	_ =	shalt  }
0x44: {  	_ =	shalt  }
0x45: {  	_ =	shalt  }
0x46: {  	_ =	shalt  }
0x47: {  	_ =	shalt  }
0x48: {  	_ =	shalt  }
0x49: {  	_ =	shalt  }
0x4a: {  	_ =	shalt  }
0x4b: {  	_ =	shalt  }
0x4c: {  	_ =	shalt  }
0x4d: {  	_ =	shalt  }
0x4e: {  	_ =	shalt  }
0x4f: {  	_ =	shalt  }
0x50: {  	_ =	shalt  }
0x51: {  	_ =	shalt  }
0x52: {  	_ =	shalt  }
0x53: {  	_ =	shalt  }
0x54: {  	_ =	shalt  }
0x55: {  	_ =	shalt  }
0x56: {  	_ =	shalt  }
0x57: {  	_ =	shalt  }
0x58: {  	_ =	shalt  }
0x59: {  	_ =	shalt  }
0x5a: {  	_ =	shalt  }
0x5b: {  	_ =	shalt  }
0x5c: {  	_ =	shalt  }
0x5d: {  	_ =	shalt  }
0x5e: {  	_ =	shalt  }
0x5f: {  	_ =	shalt  }
0x60: {  	_ =	shalt  }
0x61: {  	_ =	shalt  }
0x62: {  	_ =	shalt  }
0x63: {  	_ =	shalt  }
0x64: {  	_ =	shalt  }
0x65: {  	_ =	shalt  }
0x66: {  	_ =	shalt  }
0x67: {  	_ =	shalt  }
0x68: {  	_ =	shalt  }
0x69: {  	_ =	shalt  }
0x6a: {  	_ =	shalt  }
0x6b: {  	_ =	shalt  }
0x6c: {  	_ =	shalt  }
0x6d: {  	_ =	shalt  }
0x6e: {  	_ =	shalt  }
0x6f: {  	_ =	shalt  }
0x70: {  	_ =	shalt  }
0x71: {  	_ =	shalt  }
0x72: {  	_ =	shalt  }
0x73: {  	_ =	shalt  }
0x74: {  	_ =	shalt  }
0x75: {  	_ =	shalt  }
0x76: {  	_ =	shalt  }
0x77: {  	_ =	shalt  }
0x78: {  	_ =	shalt  }
0x79: {  	_ =	shalt  }
0x7a: {  	_ =	shalt  }
0x7b: {  	_ =	shalt  }
0x7c: {  	_ =	shalt  }
0x7d: {  	_ =	shalt  }
0x7e: {  	_ =	shalt  }
0x7f: {  	_ =	shalt  }
0x80: {  	_ =	shalt  }
0x81: {  	_ =	shalt  }
0x82: {  	_ =	shalt  }
0x83: {  	_ =	shalt  }
0x84: {  	_ =	shalt  }
0x85: {  	_ =	shalt  }
0x86: {  	_ =	shalt  }
0x87: {  	_ =	shalt  }
.Lfunc_end0:
.L_simem_size_0:
called_computation_lowered:
.L_overlay_start_0:
0x88: {  	s2 =	sld [smem:$0x3FD9]  }
0x89: {  	s3 =	sld [smem:$0x3FFE];
	_ =	sdelay $0x1  }
0x8a: {  	s1 =	srdreg.scid  }
0x8b: {  	s0 =	sand.u32 $0x1, s1  }
0x8c: {  	s17 =	sshll.u32 s0, $0xA;
	s2 =	sadd.s32 s3, s2  }
0x8d: {  	s2 =	sadd.s32 s2, s17  }
0x8e: {  	[smem:$0x3FC5] =	sst s2  }
0x8f: {  	_ = 	snop  }
0x90: {  	s2 =	sld [smem:$0x3FD0];
	(tm) =	ssettm $0x1  }
0x91: {  	s18 =	sld [smem:$0x3FFB];
	_ =	sdelay $0x3  }
0x92: {  	_ =	strace s18  }
0x93: {  	s3 =	sld [smem:$0x3FFC];
	_ =	sdelay $0x3  }
0x94: {  	_ =	strace s3  }
0x95: {  	s3 =	sld [smem:$0x3FFD];
	_ =	sdelay $0x3  }
0x96: {  	_ =	strace s3  }
0x97: {  	_ =	strace $0x8FFFFFFF  }
0x98: {  	s19 =	sld [smem:$0x3FDB];
	_ =	sdelay $0x1  }
0x99: {  	s4 =	simm.s32 $_scs_section_size  }
0x9a: {  	s5 =	simm.s32 $_size__tile_overlayer_lowered;
	s6 =	simm.s32 $_tile_overlayer_lowered  }
0x9b: {  	s22 =	simm.s32 $0x1BFF;
	s21 =	sshll.u32 s6, $0x1;
	s3 =	sadd.s32 s4, s19  }
0x9c: {  	s7 =	simm.s32 $0x0;
	s20 =	sshll.u32 s5, $0x1;
	s5 =	sadd.s32 s21, s3  }
0x9d: {  	[timem:s7], [sflag:s22] =	dma.local [hbm:s5], s20  }
0x9e: {  	_ =	swait.ge [sflag:s22], s20  }
0x9f: {  	s4 =	ssub.s32 $0x0, s20;
	[sflag:s22] =	ssyncset.done $0x0  }
0xa0: {  	[sflag:s22] =	ssyncadd.s32 s4;
	_ =	sdelay $0x1  }
0xa1: {  	s23 =	simm.s32 $0x1B8B  }
0xa2: {  	_ =	swait.ge [sflag:s23], $0x1  }
0xa3: {  	[sflag:s23] =	ssyncset.done $0x0  }
0xa4: {  	s25 =	simm.s32 $0x1B8E;
	s24 =	sld [smem:$0x3FFE];
	[sflag:s23] =	ssyncadd.s32 $0xFFFFFFFF  }
0xa5: {  	s26 =	simm.s32 $execute0_lowered;
	[smem:$0x3FD2] =	sst s25  }
0xa6: {  	s5 =	sshll.u32 s26, $0x1;
	_ =	strace $0x80000046;
	[dreg:$0x1] =	wrdreg $0xFFFFFFFF  }
0xa7: {  	s28 =	simm.s32 $_size_execute0_lowered;
	s3 =	sadd.s32 s3, s5;
	[dreg:$0x0] =	wrdreg $0x0  }
0xa8: {  	s5 =	sshll.u32 s28, $0x1;
	[dreg:$0x2] =	wrdreg s3  }
0xa9: {  	[dreg:$0x3] =	wrdreg s5  }
0xaa: {  	[dreg:$0x4] =	wrdreg $0xC0  }
0xab: {  	_ =	task [dreg:s7], $0x5FFFF  }
0xac: {  	[dreg:$0x1] =	wrdreg $0xFFFFFFFF  }
0xad: {  	[dreg:$0x0] =	wrdreg $0x60  }
0xae: {  	[dreg:$0x2] =	wrdreg s24  }
0xaf: {  	[dreg:$0x3] =	wrdreg s2  }
0xb0: {  	[dreg:$0x4] =	wrdreg $0x9  }
0xb1: {  	_ =	task.clear_ibuf [dreg:s7], $0x5FFFF;
	_ =	strace $0x90000046  }
0xb2: {  	s29 =	simm.s32 $0x9;
	_ =	strace $0x80000048  }
0xb3: {  	_ =	swait.ge [sflag:s29], $0x1  }
0xb4: {  	[sflag:s29] =	ssyncadd.s32 $0xFFFFFFFF  }
0xb5: {  	_ =	strace $0x90000048  }
0xb6: {  	_ =	sfence  }
0xb7: {  	s30 =	sld [smem:$0x0];
	_ =	sdelay $0x2  }
0xb8: {  	s31 =	sshll.u32 s1, $0xD;
	s1 =	sshrl.u32 s1, $0x2  }
0xb9: {  	s3 =	sand.u32 $0x4000, s31;
	s1 =	sadd.s32 s1, s30  }
0xba: {  	s0 =	sor.u32 s3, s0;
	s1 =	sshll.u32 s1, $0x11  }
0xbb: {  	s0 =	sor.u32 s1, s0  }
0xbc: {  	s0 =	sadd.s32 $0x8F2B, s0  }
0xbd: {  	[sflag:s0] =	ssyncadd.remote.s32 $0x1  }
0xbe: {  	_ =	sfence.sel $0xFFFF  }
0xbf: {  	[dreg:$0x0] =	wrdreg $0xFFFFFFFF;
	(pc) =	sbr.abs _section_cstart, $3  }
0xc0: {  	[dreg:$0x1] =	wrdreg $0xFFFFFFFF  }
0xc1: {  	_ =	task.clear_ibuf [dreg:s7], $0x2FFFF;
	_ =	strace $0x9FFFFFFF  }
0xc2: {  	(tm) =	ssettm $0x7FFFFFFF  }
0xc3: {  	_ =	shalt  }
tec
execute0_lowered:
.L_overlay_start_1:
0x0: {  	(tag) =	ssettag $0x1  }
0x1: {  	s0 =	srdreg.scid  }
0x2: {  	s4 =	stileid.u32;
	s5 =	rddreg [dreg:$0x0];
	s3 =	simm.s32 $0x1  }
0x3: {  	s2 =	rddreg [dreg:$0x1];
	s0 =	sand.u32 $0x1, s0;
	s1 =	sshll.u32 s4, $0x1  }
0x4: {  	s23 =	simm.s32 $0x1;
	s16 =	simm.s32 $0x1080;
	s1 =	sor.u32 s0, s1  }
0x5: {  	s18 =	simm.s32 $0x2080;
	p1 =	seq.s32 s0, $0x1;
	p0 =	seq.s32 s1, $0x0  }
0x6: {  	s19 =	simm.s32 $0x3100;
	s20 =	simm.s32 $0xB100;
	p0 =	por !p0, !p1  }
0x7: {  	s21 =	simm.s32 $0x13100;
	s8 =	sadd.s32 $0x800, s5;
	p0 =	por !p0, !p0  }
0x8: {  	s5 =	sadd.s32 $0x600, s5;
	s25 =	ssub.s32 $0x2, s0;
	s3 =	simm.s32 @!p0 $0x0  }
0x9: {  	s0 =	sshll.u32 s0, $0xA;
	s26 =	sshrl.u32 s25, $0x1;
	s6 =	ssub.s32 s4, s3  }
0xa: {  	s3 =	simm.s32 $0x0;
	s4 =	sshll.u32 s1, $0xA;
	s7 =	sshll.u32 s6, $0xB  }
0xb: {  	[smem:$0x7FF] =	sst s3;
	s24 =	sshll.u32 s6, $0x16;
	s1 =	ssub.s32 s4, s7  }
0xc: {  	_ =	strace $0x80000047;
	[dreg:$0x3] =	wrdreg s8;
	s7 =	simm.s32 $0xFFFFFFFF  }
0xd: {  	s10 =	sor.u32 $0x10, s4;
	[dreg:$0x4] =	wrdreg s5;
	s7 =	simm.s32 @!p0 $0x0  }
0xe: {  	v1 =	vlaneseq.u32;
	s5 =	ssub.s32 s25, s26;
	s1 =	sshll.u32 s1, $0xB;
	s29 =	sshll.u32 s7, $0xB  }
0xf: {  	v2 =	vadd.s32 $0xFFFFFFFF, v1;
	s28 =	smax.u32 s5, $0x1;
	s1 =	sadd.s32 s24, s1;
	s0 =	ssub.s32 s29, s0  }
0x10: {  	v3 =	vadd.s32 $0xFFFFFFFE, v1;
	v4 =	vadd.s32 $0xFFFFFFFD, v1;
	v5 =	vadd.s32 $0xFFFFFFFC, v1;
	[dreg:$0x6] =	wrdreg s28;
	s1 =	sor.u32 $0x1F8000, s1;
	s30 =	sadd.s32 $0x85F, s0  }
0x11: {  	v6 =	vadd.s32 $0xFFFFFFFB, v1;
	v7 =	vadd.s32 $0xFFFFFFFA, v1;
	v8 =	vadd.s32 $0xFFFFFFF9, v1;
	s1 =	sshrl.u32 s1, $0x3;
	s31 =	sadd.s32 $0x84F, s0;
	[dreg:$0x8] =	wrdreg s30  }
0x12: {  	v9 =	vadd.s32 $0xFFFFFFF8, v1;
	v10 =	vadd.s32 $0xFFFFFFF7, v1;
	v11 =	vadd.s32 $0xFFFFFFF6, v1;
	s11 =	sor.u32 $0x20, s4;
	s1 =	sadd.s32 s2, s1;
	[dreg:$0x9] =	wrdreg s31  }
0x13: {  	v12 =	vadd.s32 $0xFFFFFFF5, v1;
	v13 =	vadd.s32 $0xFFFFFFF4, v1;
	v0 =	vmov s6;
	s6 =	simm.s32 $0x0;
	[dreg:$0x5] =	wrdreg s1;
	s1 =	sadd.s32 $0x86F, s0  }
0x14: {  	v14 =	vadd.s32 $0xFFFFFFF3, v1;
	v15 =	vadd.s32 $0xFFFFFFF2, v1;
	v16 =	vadd.s32 $0xFFFFFFF1, v1;
	s15 =	sadd.s32 $0x47F, s0;
	[dreg:$0x7] =	wrdreg s1;
	s1 =	simm.s32 $0x2  }
.LBB2_1:
0x15: {  	[dreg:$0xa] =	wrdreg s6  }
0x16: {  	s0 =	rddreg [dreg:$0x3]  }
0x17: {  	[tilespmem:s3], [sflag:$0x1] =	stream.linear.gather [hbm4b:s0+s3], $0x1080, $0x38;
	[tilespmem:$0x1B100] =	vst v63  }
0x18: {  	s28 =	rddreg [dreg:$0x4]  }
0x19: {  	[tilespmem:s16], [sflag:$0x2] =	stream.linear.gather [hbm4b:s28+s3], $0x1000, $0x38;
	[tilespmem:$0x1B100] =	vst v63  }
0x1a: {  	_ =	swait.ge [sflag:s23], $0x1080  }
0x1b: {  	[sflag:s23] =	ssyncset.done $0x0  }
0x1c: {  	[sflag:s23] =	ssyncadd.s32 $0xFFFFEF80  }
0x1d: {  	_ =	swait.ge [sflag:s1], $0x1000  }
0x1e: {  	[sflag:s1] =	ssyncset.done $0x0  }
0x1f: {  	s29 =	simm.s32 $0x20;
	[sflag:s1] =	ssyncadd.s32 $0xFFFFF000  }
0x20: {  	v17 =	vld [tilespmem:s29+$0x10];
	_ =	sdelay $0x2  }
0x21: {  	v18 =	vld [tilespmem:s29+$0xFFFFFFF0]  }
0x22: {  	v20 =	vld [tilespmem:s29+$0xFFFFFFE0]  }
0x23: {  	v17 =	vshll.u32 v17, $0x7  }
0x24: {  	v19 =	vld [tilespmem:s29+$0x0];
	v17 =	vadd.s32 v0, v17  }
0x25: {  	s30 =	simm.s32 $0x60  }
0x26: {  	v21 =	vld [tilespmem:s30+$0x10];
	v18 =	vshll.u32 v18, $0x7  }
0x27: {  	v22 =	vld [tilespmem:s30+$0xFFFFFFF0];
	v20 =	vshll.u32 v20, $0x7;
	v18 =	vadd.s32 v0, v18  }
0x28: {  	v23 =	vld [tilespmem:s30+$0x0];
	v20 =	vadd.s32 v0, v20  }
0x29: {  	v19 =	vshll.u32 v19, $0x7;
	v24 =	vld.idx.msk [tilespmem:v17+s16+$0x0], $0xffff  }
0x2a: {  	s31 =	simm.s32 $0xA0;
	v19 =	vadd.s32 v0, v19;
	v17 =	vld [tilespmem:s30+$0xFFFFFFE0]  }
0x2b: {  	v27 =	vld [tilespmem:s31+$0xFFFFFFF0]  }
0x2c: {  	v21 =	vshll.u32 v21, $0x7;
	v18 =	vld.idx.msk [tilespmem:v18+s16+$0x0], $0xffff  }
0x2d: {  	v22 =	vshll.u32 v22, $0x7;
	v21 =	vadd.s32 v0, v21;
	v25 =	vld.idx.msk [tilespmem:v20+s16+$0x0], $0xffff  }
0x2e: {  	v22 =	vadd.s32 v0, v22;
	v20 =	vshll.u32 v23, $0x7;
	v23 =	vld [tilespmem:s31+$0x10]  }
0x2f: {  	v19 =	vld.idx.msk [tilespmem:v19+s16+$0x0], $0xffff;
	v26 =	vadd.s32 v0, v20;
	v17 =	vshll.u32 v17, $0x7  }
0x30: {  	v28 =	vld [tilespmem:s31+$0x0];
	v29 =	vadd.s32 v0, v17  }
0x31: {  	s0 =	simm.s32 $0x20A0;
	v20 =	vld [tilespmem:s31+$0xFFFFFFE0]  }
0x32: {  	[tilespmem:s0+$0x10] =	vst v24;
	v17 =	vld.idx.msk [tilespmem:v21+s16+$0x0], $0xffff  }
0x33: {  	[tilespmem:s0+$0xFFFFFFF0] =	vst v18;
	v18 =	vld.idx.msk [tilespmem:v22+s16+$0x0], $0xffff;
	v21 =	vshll.u32 v23, $0x7  }
0x34: {  	[tilespmem:s0+$0x0] =	vst v19;
	v22 =	vshll.u32 v27, $0x7;
	v19 =	vld.idx.msk [tilespmem:v26+s16+$0x0], $0xffff;
	v23 =	vadd.s32 v0, v21  }
0x35: {  	s5 =	simm.s32 $0xE0;
	s1 =	simm.s32 $0x8;
	[tilespmem:s0+$0xFFFFFFE0] =	vst v25;
	v24 =	vshll.u32 v28, $0x7;
	v21 =	vadd.s32 v0, v22;
	v22 =	vld.idx.msk [tilespmem:v29+s16+$0x0], $0xffff  }
.LBB2_2:
0x36: {  	v25 =	vld [tilespmem:s5+$0x10];
	s1 =	sadd.s32 $0x4, s1;
	v24 =	vadd.s32 v0, v24;
	s0 =	sadd.s32 $0x40, s0  }
0x37: {  	v26 =	vld [tilespmem:s5+$0xFFFFFFF0];
	p0 =	slt.u32 s1, $0xFC;
	v20 =	vshll.u32 v20, $0x7;
	[tilespmem:s0+$0x10] =	vst v17  }
0x38: {  	v27 =	vld [tilespmem:s5+$0x0];
	v28 =	vadd.s32 v0, v20  }
.Ltmp0:
0x39: {  	v17 =	vld.idx.msk [tilespmem:v23+s16+$0x0], $0xffff;
	[tilespmem:s0+$0xFFFFFFF0] =	vst v18;
	(pc) =	sbr.rel @p0 .LBB2_2-.Ltmp0, $4  }
0x3a: {  	v20 =	vld [tilespmem:s5+$0xFFFFFFE0];
	[tilespmem:s0+$0x0] =	vst v19  }
0x3b: {  	v19 =	vshll.u32 v25, $0x7;
	v18 =	vld.idx.msk [tilespmem:v21+s16+$0x0], $0xffff;
	[tilespmem:s0+$0xFFFFFFE0] =	vst v22  }
0x3c: {  	v21 =	vshll.u32 v26, $0x7;
	v23 =	vadd.s32 v0, v19;
	v19 =	vld.idx.msk [tilespmem:v24+s16+$0x0], $0xffff  }
0x3d: {  	s5 =	sadd.s32 $0x40, s5;
	v21 =	vadd.s32 v0, v21;
	v24 =	vshll.u32 v27, $0x7;
	v22 =	vld.idx.msk [tilespmem:v28+s16+$0x0], $0xffff  }
0x3e: {  	_ = 	snop  }
0x3f: {  	v24 =	vadd.s32 v0, v24;
	v20 =	vshll.u32 v20, $0x7  }
0x40: {  	v20 =	vadd.s32 v0, v20;
	_ =	sdelay $0x1  }
0x41: {  	s0 =	sadd.s32 $0x40, s0;
	v23 =	vld.idx.msk [tilespmem:v23+s16+$0x0], $0xffff  }
0x42: {  	[tilespmem:s0+$0x10] =	vst v17;
	v17 =	vld.idx.msk [tilespmem:v21+s16+$0x0], $0xffff  }
0x43: {  	[tilespmem:s0+$0xFFFFFFF0] =	vst v18;
	v18 =	vld.idx.msk [tilespmem:v24+s16+$0x0], $0xffff  }
0x44: {  	[tilespmem:s0+$0x0] =	vst v19;
	v19 =	vld.idx.msk [tilespmem:v20+s16+$0x0], $0xffff  }
0x45: {  	[tilespmem:s0+$0xFFFFFFE0] =	vst v22;
	s0 =	sadd.s32 $0x40, s0  }
0x46: {  	[tilespmem:s0+$0x10] =	vst v23  }
0x47: {  	[tilespmem:s0+$0xFFFFFFF0] =	vst v17  }
0x48: {  	[tilespmem:s0+$0x0] =	vst v18  }
0x49: {  	[tilespmem:s0+$0xFFFFFFE0] =	vst v19  }
0x4a: {  	v17 =	vld [tilespmem:$0x1000];
	_ =	sdelay $0x4  }
0x4b: {  	v17 =	vshll.u32 v17, $0x7  }
0x4c: {  	v17 =	vadd.s32 v0, v17;
	_ =	sdelay $0x4  }
0x4d: {  	v17 =	vld.idx.msk [tilespmem:v17+s16+$0x0], $0xffff;
	_ =	sdelay $0x2  }
0x4e: {  	s26 =	rddreg [dreg:$0x9]  }
0x4f: {  	s30 =	rddreg [dreg:$0x8]  }
0x50: {  	s24 =	simm.s32 $0x0;
	s25 =	rddreg [dreg:$0x7];
	[tilespmem:$0x3080] =	vst v17  }
.LBB2_4:
0x51: {  	s9 =	sadd.s32 $0xFFFFFFF0, s25  }
0x52: {  	s29 =	smov.u32 s25;
	p0 =	seq.s32 s24, $0x0;
	s25 =	sadd.s32 $0xFFFFFFD0, s25;
	v17 =	vadd.s32 s9, v1  }
0x53: {  	s0 =	simm.s32 @!p0 $0x1;
	s6 =	sadd.s32 $0xFFFFFFA0, s29;
	v18 =	vadd.s32 s25, v1  }
0x54: {  	s31 =	sadd.s32 $0xFFFFFFB0, s29;
	_ =	swait.ge @!p0 [sflag:s0], $0x8000;
	v19 =	vadd.s32 s6, v1  }
0x55: {  	v20 =	vadd.s32 s31, v1;
	[sflag:s0] =	ssyncset.done @!p0 $0x0  }
0x56: {  	v21 =	vadd.s32 s29, v1;
	s8 =	sadd.s32 $0xFFFFFFE0, s29;
	[sflag:s0] =	ssyncadd.s32 @!p0 $0xFFFF8000  }
0x57: {  	v22 =	vadd.s32 s8, v1;
	v17 =	vld.idx.msk [tilespmem:v17+s18+$0x0], $0xffff  }
0x58: {  	v23 =	vadd.s32 s9, v2;
	v18 =	vld.idx.msk [tilespmem:v18+s18+$0x0], $0xffff  }
0x59: {  	v24 =	vadd.s32 s25, v2;
	v19 =	vld.idx.msk [tilespmem:v19+s18+$0x0], $0xffff  }
0x5a: {  	v25 =	vadd.s32 s6, v2;
	v20 =	vld.idx.msk [tilespmem:v20+s18+$0x0], $0xffff  }
0x5b: {  	s5 =	simm.s32 $0x3100;
	s1 =	sadd.s32 $0xFFFFFF90, s29;
	v26 =	vadd.s32 s31, v2;
	v21 =	vld.idx.msk [tilespmem:v21+s18+$0x0], $0xffff  }
0x5c: {  	v27 =	vadd.s32 s1, v1;
	v22 =	vld.idx.msk [tilespmem:v22+s18+$0x0], $0xffff;
	[tilespmem:s5+$0x60] =	vst v17  }
0x5d: {  	v17 =	vadd.s32 s8, v2;
	[tilespmem:s5+$0x40] =	vst v18;
	v18 =	vld.idx.msk [tilespmem:v23+s18+$0x0], $0xffff  }
0x5e: {  	[tilespmem:s5+$0x10] =	vst v19;
	v19 =	vadd.s32 s9, v3;
	v23 =	vld.idx.msk [tilespmem:v24+s18+$0x0], $0xffff  }
0x5f: {  	v37 =	vadd.s32 s25, v3;
	[tilespmem:s5+$0x20] =	vst v20;
	v20 =	vld.idx.msk [tilespmem:v25+s18+$0x0], $0xffff  }
0x60: {  	v38 =	vadd.s32 s6, v3;
	[tilespmem:s5+$0x70] =	vst v21;
	v26 =	vld.idx.msk [tilespmem:v26+s18+$0x0], $0xffff  }
0x61: {  	v28 =	vadd.s32 s31, v3;
	s0 =	sadd.s32 $0xFFFFFFC0, s29;
	v27 =	vld.idx.msk [tilespmem:v27+s18+$0x0], $0xffff;
	[tilespmem:s5+$0x50] =	vst v22  }
0x62: {  	v22 =	vadd.s32 s0, v1;
	v17 =	vld.idx.msk [tilespmem:v17+s18+$0x0], $0xffff;
	[tilespmem:s5+$0xE0] =	vst v18  }
0x63: {  	v18 =	vadd.s32 s8, v3;
	[tilespmem:s5+$0xC0] =	vst v23;
	v19 =	vld.idx.msk [tilespmem:v19+s18+$0x0], $0xffff  }
0x64: {  	[tilespmem:s5+$0x90] =	vst v20;
	v20 =	vadd.s32 s9, v4;
	v23 =	vld.idx.msk [tilespmem:v37+s18+$0x0], $0xffff  }
0x65: {  	v40 =	vadd.s32 s25, v4;
	[tilespmem:s5+$0xA0] =	vst v26;
	v39 =	vld.idx.msk [tilespmem:v38+s18+$0x0], $0xffff  }
0x66: {  	v21 =	vadd.s32 s6, v4;
	[tilespmem:s5+$0x0] =	vst v27;
	v26 =	vld.idx.msk [tilespmem:v28+s18+$0x0], $0xffff  }
0x67: {  	v41 =	vadd.s32 s31, v4;
	v22 =	vld.idx.msk [tilespmem:v22+s18+$0x0], $0xffff;
	[tilespmem:s5+$0xD0] =	vst v17  }
0x68: {  	v17 =	vadd.s32 s1, v2;
	v18 =	vld.idx.msk [tilespmem:v18+s18+$0x0], $0xffff;
	[tilespmem:s5+$0x160] =	vst v19  }
0x69: {  	v19 =	vadd.s32 s8, v4;
	[tilespmem:s5+$0x140] =	vst v23;
	v20 =	vld.idx.msk [tilespmem:v20+s18+$0x0], $0xffff  }
0x6a: {  	v23 =	vadd.s32 s9, v5;
	[tilespmem:s5+$0x110] =	vst v39;
	v42 =	vld.idx.msk [tilespmem:v40+s18+$0x0], $0xffff  }
0x6b: {  	v43 =	vadd.s32 s25, v5;
	[tilespmem:s5+$0x120] =	vst v26;
	v21 =	vld.idx.msk [tilespmem:v21+s18+$0x0], $0xffff  }
0x6c: {  	v44 =	vadd.s32 s6, v5;
	[tilespmem:s5+$0x30] =	vst v22;
	v45 =	vld.idx.msk [tilespmem:v41+s18+$0x0], $0xffff  }
0x6d: {  	v46 =	vadd.s32 s31, v5;
	v17 =	vld.idx.msk [tilespmem:v17+s18+$0x0], $0xffff;
	[tilespmem:s5+$0x150] =	vst v18  }
0x6e: {  	v18 =	vadd.s32 s0, v2;
	v19 =	vld.idx.msk [tilespmem:v19+s18+$0x0], $0xffff;
	[tilespmem:s5+$0x1E0] =	vst v20  }
0x6f: {  	v52 =	vadd.s32 s1, v3;
	[tilespmem:s5+$0x1C0] =	vst v42;
	v23 =	vld.idx.msk [tilespmem:v23+s18+$0x0], $0xffff  }
0x70: {  	v20 =	vadd.s32 s8, v5;
	[tilespmem:s5+$0x190] =	vst v21;
	v21 =	vld.idx.msk [tilespmem:v43+s18+$0x0], $0xffff  }
0x71: {  	v47 =	vadd.s32 s9, v6;
	[tilespmem:s5+$0x1A0] =	vst v45;
	v48 =	vld.idx.msk [tilespmem:v44+s18+$0x0], $0xffff  }
0x72: {  	v49 =	vadd.s32 s25, v6;
	v22 =	vld.idx.msk [tilespmem:v46+s18+$0x0], $0xffff;
	[tilespmem:s5+$0x80] =	vst v17  }
0x73: {  	v50 =	vadd.s32 s6, v6;
	v18 =	vld.idx.msk [tilespmem:v18+s18+$0x0], $0xffff;
	[tilespmem:s5+$0x1D0] =	vst v19  }
0x74: {  	v24 =	vld.idx.msk [tilespmem:v52+s18+$0x0], $0xffff;
	v19 =	vadd.s32 s31, v6;
	[tilespmem:s5+$0x260] =	vst v23  }
0x75: {  	v51 =	vadd.s32 s0, v3;
	v20 =	vld.idx.msk [tilespmem:v20+s18+$0x0], $0xffff;
	[tilespmem:s5+$0x240] =	vst v21  }
0x76: {  	v56 =	vadd.s32 s1, v4;
	v23 =	vld.idx.msk [tilespmem:v47+s18+$0x0], $0xffff;
	[tilespmem:s5+$0x210] =	vst v48  }
0x77: {  	v21 =	vadd.s32 s8, v6;
	v53 =	vld.idx.msk [tilespmem:v49+s18+$0x0], $0xffff;
	[tilespmem:s5+$0x220] =	vst v22  }
0x78: {  	v22 =	vadd.s32 s9, v7;
	v54 =	vld.idx.msk [tilespmem:v50+s18+$0x0], $0xffff;
	[tilespmem:s5+$0xB0] =	vst v18  }
0x79: {  	v18 =	vadd.s32 s25, v7;
	[tilespmem:s5+$0x100] =	vst v24;
	v19 =	vld.idx.msk [tilespmem:v19+s18+$0x0], $0xffff  }
0x7a: {  	v55 =	vadd.s32 s6, v7;
	v28 =	vld.idx.msk [tilespmem:v51+s18+$0x0], $0xffff;
	[tilespmem:s5+$0x250] =	vst v20  }
0x7b: {  	v17 =	vadd.s32 s31, v7;
	v25 =	vld.idx.msk [tilespmem:v56+s18+$0x0], $0xffff;
	[tilespmem:s5+$0x2E0] =	vst v23  }
0x7c: {  	v20 =	vld.idx.msk [tilespmem:v21+s18+$0x0], $0xffff;
	v21 =	vadd.s32 s0, v4;
	[tilespmem:s5+$0x2C0] =	vst v53  }
0x7d: {  	v23 =	vadd.s32 s8, v7;
	v22 =	vld.idx.msk [tilespmem:v22+s18+$0x0], $0xffff;
	[tilespmem:s5+$0x290] =	vst v54  }
0x7e: {  	v18 =	vld.idx.msk [tilespmem:v18+s18+$0x0], $0xffff;
	[tilespmem:s5+$0x2A0] =	vst v19;
	v19 =	vadd.s32 s9, v8  }
0x7f: {  	v57 =	vadd.s32 s25, v8;
	v26 =	vld.idx.msk [tilespmem:v55+s18+$0x0], $0xffff;
	[tilespmem:s5+$0x130] =	vst v28  }
0x80: {  	v58 =	vadd.s32 s6, v8;
	[tilespmem:s5+$0x180] =	vst v25;
	v17 =	vld.idx.msk [tilespmem:v17+s18+$0x0], $0xffff  }
0x81: {  	v21 =	vld.idx.msk [tilespmem:v21+s18+$0x0], $0xffff;
	[tilespmem:s5+$0x2D0] =	vst v20;
	v20 =	vadd.s32 s31, v8  }
0x82: {  	v59 =	vadd.s32 s0, v5;
	v23 =	vld.idx.msk [tilespmem:v23+s18+$0x0], $0xffff;
	[tilespmem:s5+$0x360] =	vst v22  }
0x83: {  	[tilespmem:s5+$0x340] =	vst v18;
	v18 =	vadd.s32 s8, v8;
	v19 =	vld.idx.msk [tilespmem:v19+s18+$0x0], $0xffff  }
0x84: {  	v22 =	vadd.s32 s1, v5;
	[tilespmem:s5+$0x310] =	vst v26;
	v60 =	vld.idx.msk [tilespmem:v57+s18+$0x0], $0xffff  }
0x85: {  	v61 =	vld.idx.msk [tilespmem:v58+s18+$0x0], $0xffff;
	[tilespmem:s5+$0x320] =	vst v17;
	v17 =	vadd.s32 s9, v9  }
0x86: {  	v20 =	vld.idx.msk [tilespmem:v20+s18+$0x0], $0xffff;
	[tilespmem:s5+$0x1B0] =	vst v21;
	v21 =	vadd.s32 s25, v9  }
0x87: {  	v62 =	vadd.s32 s6, v9;
	v24 =	vld.idx.msk [tilespmem:v59+s18+$0x0], $0xffff;
	[tilespmem:s5+$0x350] =	vst v23  }
0x88: {  	v23 =	vadd.s32 s31, v9;
	v18 =	vld.idx.msk [tilespmem:v18+s18+$0x0], $0xffff;
	[tilespmem:s5+$0x3E0] =	vst v19  }
0x89: {  	v63 =	vadd.s32 s0, v6;
	v22 =	vld.idx.msk [tilespmem:v22+s18+$0x0], $0xffff;
	[tilespmem:s5+$0x3C0] =	vst v60  }
0x8a: {  	v19 =	vadd.s32 s29, v2;
	v17 =	vld.idx.msk [tilespmem:v17+s18+$0x0], $0xffff;
	[tilespmem:s5+$0x390] =	vst v61  }
0x8b: {  	v32 =	vadd.s32 s8, v9;
	v21 =	vld.idx.msk [tilespmem:v21+s18+$0x0], $0xffff;
	[tilespmem:s5+$0x3A0] =	vst v20  }
0x8c: {  	v27 =	vld.idx.msk [tilespmem:v62+s18+$0x0], $0xffff;
	v20 =	vadd.s32 s9, v10;
	[tilespmem:s5+$0x230] =	vst v24  }
0x8d: {  	v33 =	vadd.s32 s25, v10;
	v23 =	vld.idx.msk [tilespmem:v23+s18+$0x0], $0xffff;
	[tilespmem:s5+$0x3D0] =	vst v18  }
0x8e: {  	v34 =	vadd.s32 s6, v10;
	v25 =	vld.idx.msk [tilespmem:v63+s18+$0x0], $0xffff;
	[tilespmem:s5+$0x200] =	vst v22  }
0x8f: {  	v18 =	vadd.s32 s31, v10;
	v19 =	vld.idx.msk [tilespmem:v19+s18+$0x0], $0xffff;
	[tilespmem:s5+$0x4060] =	vst v17  }
0x90: {  	v22 =	vadd.s32 s1, v6;
	v26 =	vld.idx.msk [tilespmem:v32+s18+$0x0], $0xffff;
	[tilespmem:s5+$0x4040] =	vst v21  }
0x91: {  	v17 =	vadd.s32 s0, v7;
	v20 =	vld.idx.msk [tilespmem:v20+s18+$0x0], $0xffff;
	[tilespmem:s5+$0x4010] =	vst v27  }
0x92: {  	v35 =	vadd.s32 s8, v10;
	v24 =	vld.idx.msk [tilespmem:v33+s18+$0x0], $0xffff;
	[tilespmem:s5+$0x4020] =	vst v23  }
0x93: {  	v21 =	vadd.s32 s29, v3;
	v27 =	vld.idx.msk [tilespmem:v34+s18+$0x0], $0xffff;
	[tilespmem:s5+$0x2B0] =	vst v25  }
0x94: {  	v23 =	vadd.s32 s9, v11;
	v18 =	vld.idx.msk [tilespmem:v18+s18+$0x0], $0xffff;
	[tilespmem:s5+$0xF0] =	vst v19  }
0x95: {  	v36 =	vadd.s32 s6, v11;
	v22 =	vld.idx.msk [tilespmem:v22+s18+$0x0], $0xffff;
	[tilespmem:s5+$0x4050] =	vst v26  }
0x96: {  	v19 =	vadd.s32 s31, v11;
	v17 =	vld.idx.msk [tilespmem:v17+s18+$0x0], $0xffff;
	[tilespmem:s5+$0x40E0] =	vst v20  }
0x97: {  	v37 =	vadd.s32 s1, v7;
	v38 =	vld.idx.msk [tilespmem:v35+s18+$0x0], $0xffff;
	[tilespmem:s5+$0x40C0] =	vst v24  }
0x98: {  	v20 =	vld.idx.msk [tilespmem:v21+s18+$0x0], $0xffff;
	v21 =	vadd.s32 s25, v11;
	[tilespmem:s5+$0x4090] =	vst v27  }
0x99: {  	v39 =	vadd.s32 s29, v4;
	v23 =	vld.idx.msk [tilespmem:v23+s18+$0x0], $0xffff;
	[tilespmem:s5+$0x40A0] =	vst v18  }
0x9a: {  	v27 =	vld.idx.msk [tilespmem:v36+s18+$0x0], $0xffff;
	v18 =	vadd.s32 s9, v12;
	[tilespmem:s5+$0x280] =	vst v22  }
0x9b: {  	v22 =	vadd.s32 s8, v11;
	v19 =	vld.idx.msk [tilespmem:v19+s18+$0x0], $0xffff;
	[tilespmem:s5+$0x330] =	vst v17  }
0x9c: {  	v40 =	vadd.s32 s6, v12;
	v26 =	vld.idx.msk [tilespmem:v37+s18+$0x0], $0xffff;
	[tilespmem:s5+$0x40D0] =	vst v38  }
0x9d: {  	v17 =	vadd.s32 s0, v8;
	v21 =	vld.idx.msk [tilespmem:v21+s18+$0x0], $0xffff;
	[tilespmem:s5+$0x170] =	vst v20  }
0x9e: {  	v20 =	vadd.s32 s31, v12;
	[tilespmem:s5+$0x4160] =	vst v23;
	v23 =	vld.idx.msk [tilespmem:v39+s18+$0x0], $0xffff  }
0x9f: {  	v41 =	vadd.s32 s1, v8;
	v18 =	vld.idx.msk [tilespmem:v18+s18+$0x0], $0xffff;
	[tilespmem:s5+$0x4110] =	vst v27  }
0xa0: {  	v42 =	vadd.s32 s29, v5;
	v22 =	vld.idx.msk [tilespmem:v22+s18+$0x0], $0xffff;
	[tilespmem:s5+$0x4120] =	vst v19  }
0xa1: {  	v27 =	vld.idx.msk [tilespmem:v40+s18+$0x0], $0xffff;
	v19 =	vadd.s32 s9, v13;
	[tilespmem:s5+$0x300] =	vst v26  }
0xa2: {  	v43 =	vadd.s32 s8, v12;
	v17 =	vld.idx.msk [tilespmem:v17+s18+$0x0], $0xffff;
	[tilespmem:s5+$0x4140] =	vst v21  }
0xa3: {  	v44 =	vadd.s32 s6, v13;
	v20 =	vld.idx.msk [tilespmem:v20+s18+$0x0], $0xffff;
	[tilespmem:s5+$0x1F0] =	vst v23  }
0xa4: {  	v45 =	vadd.s32 s25, v12;
	v23 =	vld.idx.msk [tilespmem:v41+s18+$0x0], $0xffff;
	[tilespmem:s5+$0x41E0] =	vst v18  }
0xa5: {  	v18 =	vadd.s32 s31, v13;
	v24 =	vld.idx.msk [tilespmem:v42+s18+$0x0], $0xffff;
	[tilespmem:s5+$0x4150] =	vst v22  }
0xa6: {  	v22 =	vadd.s32 s1, v9;
	v19 =	vld.idx.msk [tilespmem:v19+s18+$0x0], $0xffff;
	[tilespmem:s5+$0x4190] =	vst v27  }
0xa7: {  	v47 =	vadd.s32 s29, v6;
	v46 =	vld.idx.msk [tilespmem:v43+s18+$0x0], $0xffff;
	[tilespmem:s5+$0x3B0] =	vst v17  }
0xa8: {  	v48 =	vadd.s32 s9, v14;
	v21 =	vld.idx.msk [tilespmem:v44+s18+$0x0], $0xffff;
	[tilespmem:s5+$0x41A0] =	vst v20  }
0xa9: {  	v49 =	vadd.s32 s8, v13;
	v20 =	vld.idx.msk [tilespmem:v45+s18+$0x0], $0xffff;
	[tilespmem:s5+$0x380] =	vst v23  }
0xaa: {  	v23 =	vadd.s32 s0, v9;
	v18 =	vld.idx.msk [tilespmem:v18+s18+$0x0], $0xffff;
	[tilespmem:s5+$0x270] =	vst v24  }
0xab: {  	v50 =	vadd.s32 s25, v13;
	v22 =	vld.idx.msk [tilespmem:v22+s18+$0x0], $0xffff;
	[tilespmem:s5+$0x4260] =	vst v19  }
0xac: {  	v51 =	vadd.s32 s1, v10;
	v28 =	vld.idx.msk [tilespmem:v47+s18+$0x0], $0xffff;
	[tilespmem:s5+$0x41D0] =	vst v46  }
0xad: {  	v19 =	vadd.s32 s31, v14;
	v26 =	vld.idx.msk [tilespmem:v48+s18+$0x0], $0xffff;
	[tilespmem:s5+$0x4210] =	vst v21  }
0xae: {  	v52 =	vadd.s32 s29, v7;
	v17 =	vld.idx.msk [tilespmem:v49+s18+$0x0], $0xffff;
	[tilespmem:s5+$0x41C0] =	vst v20  }
0xaf: {  	v53 =	vadd.s32 s8, v14;
	v20 =	vld.idx.msk [tilespmem:v23+s18+$0x0], $0xffff;
	[tilespmem:s5+$0x4220] =	vst v18  }
0xb0: {  	v23 =	vadd.s32 s9, v15;
	v18 =	vld.idx.msk [tilespmem:v50+s18+$0x0], $0xffff;
	[tilespmem:s5+$0x4000] =	vst v22  }
0xb1: {  	v55 =	vadd.s32 s6, v14;
	[tilespmem:s5+$0x2F0] =	vst v28;
	v27 =	vld.idx.msk [tilespmem:v51+s18+$0x0], $0xffff  }
0xb2: {  	v22 =	vld.idx.msk [tilespmem:v19+s18+$0x0], $0xffff;
	v19 =	vadd.s32 s0, v10;
	[tilespmem:s5+$0x42E0] =	vst v26  }
0xb3: {  	v54 =	vadd.s32 s25, v14;
	v25 =	vld.idx.msk [tilespmem:v52+s18+$0x0], $0xffff;
	[tilespmem:s5+$0x4250] =	vst v17  }
0xb4: {  	v17 =	vadd.s32 s1, v11;
	v24 =	vld.idx.msk [tilespmem:v53+s18+$0x0], $0xffff;
	[tilespmem:s5+$0x4030] =	vst v20  }
0xb5: {  	v23 =	vld.idx.msk [tilespmem:v23+s18+$0x0], $0xffff;
	v20 =	vadd.s32 s29, v8;
	[tilespmem:s5+$0x4240] =	vst v18  }
0xb6: {  	v56 =	vadd.s32 s8, v15;
	v26 =	vld.idx.msk [tilespmem:v55+s18+$0x0], $0xffff;
	[tilespmem:s5+$0x4080] =	vst v27  }
0xb7: {  	v18 =	vld.idx.msk [tilespmem:v19+s18+$0x0], $0xffff;
	v19 =	vadd.s32 s9, v16;
	[tilespmem:s5+$0x42A0] =	vst v22  }
0xb8: {  	v57 =	vadd.s32 s0, v11;
	v21 =	vld.idx.msk [tilespmem:v54+s18+$0x0], $0xffff;
	[tilespmem:s5+$0x370] =	vst v25  }
0xb9: {  	v58 =	vadd.s32 s25, v15;
	v17 =	vld.idx.msk [tilespmem:v17+s18+$0x0], $0xffff;
	[tilespmem:s5+$0x42D0] =	vst v24  }
0xba: {  	[tilespmem:s5+$0x4360] =	vst v23;
	v23 =	vadd.s32 s6, v15;
	v20 =	vld.idx.msk [tilespmem:v20+s18+$0x0], $0xffff  }
0xbb: {  	v59 =	vadd.s32 s1, v12;
	[tilespmem:s5+$0x4290] =	vst v26;
	v28 =	vld.idx.msk [tilespmem:v56+s18+$0x0], $0xffff  }
0xbc: {  	v60 =	vadd.s32 s8, v16;
	v19 =	vld.idx.msk [tilespmem:v19+s18+$0x0], $0xffff;
	[tilespmem:s5+$0x40B0] =	vst v18  }
0xbd: {  	v18 =	vadd.s32 s29, v9;
	[tilespmem:s5+$0x42C0] =	vst v21;
	v21 =	vld.idx.msk [tilespmem:v57+s18+$0x0], $0xffff  }
0xbe: {  	v25 =	vld.idx.msk [tilespmem:v58+s18+$0x0], $0xffff;
	[tilespmem:s5+$0x4100] =	vst v17;
	v17 =	vadd.s32 s0, v12  }
0xbf: {  	v61 =	vadd.s32 s25, v16;
	v23 =	vld.idx.msk [tilespmem:v23+s18+$0x0], $0xffff;
	[tilespmem:s5+$0x3F0] =	vst v20  }
0xc0: {  	v31 =	vadd.s32 s31, v15;
	v20 =	vld.idx.msk [tilespmem:v59+s18+$0x0], $0xffff;
	[tilespmem:s5+$0x4350] =	vst v28  }
0xc1: {  	v62 =	vadd.s32 s6, v16;
	v26 =	vld.idx.msk [tilespmem:v60+s18+$0x0], $0xffff;
	[tilespmem:s5+$0x43E0] =	vst v19  }
0xc2: {  	v30 =	vadd.s32 s1, v13;
	v29 =	vld.idx.msk [tilespmem:v18+s18+$0x0], $0xffff;
	[tilespmem:s5+$0x4130] =	vst v21  }
0xc3: {  	v63 =	vadd.s32 s29, v10;
	[tilespmem:s5+$0x4340] =	vst v25;
	v18 =	vld.idx.msk [tilespmem:v17+s18+$0x0], $0xffff  }
0xc4: {  	v19 =	vld.idx.msk [tilespmem:v61+s18+$0x0], $0xffff;
	[tilespmem:s5+$0x4310] =	vst v23  }
0xc5: {  	[tilespmem:s5+$0x4180] =	vst v20;
	v20 =	vld.idx.msk [tilespmem:v31+s18+$0x0], $0xffff  }
0xc6: {  	v17 =	vld.idx.msk [tilespmem:v62+s18+$0x0], $0xffff  }
0xc7: {  	s28 =	smul.u32 $0x30, s24;
	v21 =	vld.idx.msk [tilespmem:v30+s18+$0x0], $0xffff;
	[tilespmem:s5+$0x4070] =	vst v29  }
0xc8: {  	s8 =	simm.s32 $0x0;
	v22 =	vadd.s32 s1, v14;
	s9 =	sadd.s32 $0x80, s29;
	s6 =	simm.s32 $0x3100;
	[tilespmem:s5+$0x43D0] =	vst v26;
	v23 =	vld.idx.msk [tilespmem:v63+s18+$0x0], $0xffff  }
.LBB2_5:
0xc9: {  	s23 =	sadd.s32 $0xFFFFFF90, s9;
	v24 =	vadd.s32 s9, v1;
	s8 =	sadd.s32 $0x8, s8;
	s5 =	sadd.s32 $0x400, s5  }
0xca: {  	s12 =	sadd.s32 $0xFFFFFFA0, s9;
	v25 =	vadd.s32 s23, v1;
	p1 =	slt.u32 s8, $0x78;
	[tilespmem:s6+$0x43C0] =	vst v19  }
0xcb: {  	s7 =	sadd.s32 $0xFFFFFFB0, s9;
	v19 =	vadd.s32 s12, v1;
	[tilespmem:s6+$0x4390] =	vst v17  }
0xcc: {  	s17 =	sadd.s32 $0xFFFFFFC0, s9;
	v17 =	vadd.s32 s7, v1;
	[tilespmem:s6+$0x4200] =	vst v21  }
0xcd: {  	s13 =	sadd.s32 $0xFFFFFFD0, s9;
	v21 =	vadd.s32 s17, v1;
	v22 =	vld.idx.msk [tilespmem:v22+s18+$0x0], $0xffff;
	[tilespmem:s6+$0x40F0] =	vst v23;
	v23 =	vadd.s32 s29, v11  }
0xce: {  	s14 =	sadd.s32 $0xFFFFFFE0, s9;
	v26 =	vadd.s32 s13, v1;
	v24 =	vld.idx.msk [tilespmem:v24+s18+$0x0], $0xffff;
	[tilespmem:s6+$0x4320] =	vst v20  }
0xcf: {  	s22 =	sadd.s32 $0xFFFFFFF0, s9;
	v27 =	vadd.s32 s1, v15;
	v20 =	vld.idx.msk [tilespmem:v25+s18+$0x0], $0xffff;
	v25 =	vadd.s32 s14, v1  }
0xd0: {  	v28 =	vadd.s32 s22, v1;
	v19 =	vld.idx.msk [tilespmem:v19+s18+$0x0], $0xffff  }
0xd1: {  	v29 =	vadd.s32 s23, v2;
	v17 =	vld.idx.msk [tilespmem:v17+s18+$0x0], $0xffff  }
0xd2: {  	v30 =	vadd.s32 s12, v2;
	v23 =	vld.idx.msk [tilespmem:v23+s18+$0x0], $0xffff  }
0xd3: {  	v31 =	vadd.s32 s7, v2;
	v32 =	vld.idx.msk [tilespmem:v21+s18+$0x0], $0xffff;
	[tilespmem:s6+$0x4280] =	vst v22  }
0xd4: {  	v21 =	vadd.s32 s17, v2;
	[tilespmem:s5+$0x70] =	vst v24;
	v22 =	vld.idx.msk [tilespmem:v27+s18+$0x0], $0xffff;
	v24 =	vadd.s32 s0, v13  }
0xd5: {  	[tilespmem:s5+$0x0] =	vst v20;
	v20 =	vld.idx.msk [tilespmem:v26+s18+$0x0], $0xffff;
	v26 =	vadd.s32 s13, v2  }
0xd6: {  	[tilespmem:s5+$0x10] =	vst v19;
	v19 =	vld.idx.msk [tilespmem:v25+s18+$0x0], $0xffff;
	v25 =	vadd.s32 s14, v2  }
0xd7: {  	v33 =	vadd.s32 s1, v16;
	s1 =	smov.u32 s23;
	[tilespmem:s5+$0x20] =	vst v17;
	v27 =	vld.idx.msk [tilespmem:v28+s18+$0x0], $0xffff;
	v28 =	vadd.s32 s22, v2  }
0xd8: {  	v17 =	vadd.s32 s1, v3;
	v29 =	vld.idx.msk [tilespmem:v29+s18+$0x0], $0xffff;
	[tilespmem:s6+$0x41B0] =	vst v18;
	v18 =	vadd.s32 s29, v12  }
0xd9: {  	v34 =	vadd.s32 s12, v3;
	[tilespmem:s5+$0x30] =	vst v32;
	v24 =	vld.idx.msk [tilespmem:v24+s18+$0x0], $0xffff  }
0xda: {  	v32 =	vadd.s32 s7, v3;
	v30 =	vld.idx.msk [tilespmem:v30+s18+$0x0], $0xffff;
	[tilespmem:s6+$0x4300] =	vst v22  }
0xdb: {  	v22 =	vadd.s32 s17, v3;
	v31 =	vld.idx.msk [tilespmem:v31+s18+$0x0], $0xffff;
	[tilespmem:s5+$0x40] =	vst v20;
	v20 =	vadd.s32 s0, v14  }
0xdc: {  	v35 =	vadd.s32 s13, v3;
	v33 =	vld.idx.msk [tilespmem:v33+s18+$0x0], $0xffff;
	[tilespmem:s6+$0x4170] =	vst v23  }
0xdd: {  	v36 =	vadd.s32 s14, v3;
	[tilespmem:s5+$0x60] =	vst v27;
	v27 =	vld.idx.msk [tilespmem:v18+s18+$0x0], $0xffff  }
0xde: {  	v37 =	vadd.s32 s29, v13;
	[tilespmem:s5+$0x80] =	vst v29;
	v28 =	vld.idx.msk [tilespmem:v28+s18+$0x0], $0xffff;
	v29 =	vadd.s32 s22, v3  }
0xdf: {  	v18 =	vadd.s32 s1, v4;
	v26 =	vld.idx.msk [tilespmem:v26+s18+$0x0], $0xffff;
	[tilespmem:s6+$0x4230] =	vst v24  }
0xe0: {  	v24 =	vadd.s32 s12, v4;
	[tilespmem:s5+$0x90] =	vst v30;
	v30 =	vld.idx.msk [tilespmem:v20+s18+$0x0], $0xffff  }
0xe1: {  	v34 =	vld.idx.msk [tilespmem:v34+s18+$0x0], $0xffff;
	[tilespmem:s5+$0xA0] =	vst v31;
	v31 =	vadd.s32 s7, v4  }
0xe2: {  	v23 =	vadd.s32 s17, v4;
	v32 =	vld.idx.msk [tilespmem:v32+s18+$0x0], $0xffff;
	[tilespmem:s5+$0x50] =	vst v19;
	v19 =	vadd.s32 s0, v15  }
0xe3: {  	v39 =	vadd.s32 s31, v16;
	v38 =	vadd.s32 s13, v4;
	s31 =	smov.u32 s7;
	v25 =	vld.idx.msk [tilespmem:v25+s18+$0x0], $0xffff;
	[tilespmem:s6+$0x41F0] =	vst v27  }
0xe4: {  	v27 =	vadd.s32 s14, v4;
	[tilespmem:s5+$0xE0] =	vst v28;
	v28 =	vld.idx.msk [tilespmem:v37+s18+$0x0], $0xffff  }
0xe5: {  	v37 =	vadd.s32 s29, v14;
	[tilespmem:s5+$0xC0] =	vst v26;
	v26 =	vld.idx.msk [tilespmem:v29+s18+$0x0], $0xffff;
	v29 =	vadd.s32 s22, v4  }
0xe6: {  	v20 =	vadd.s32 s1, v5;
	v35 =	vld.idx.msk [tilespmem:v35+s18+$0x0], $0xffff;
	[tilespmem:s6+$0x42B0] =	vst v30  }
0xe7: {  	v30 =	vadd.s32 s12, v5;
	[tilespmem:s6+$0x4380] =	vst v33;
	v33 =	vld.idx.msk [tilespmem:v19+s18+$0x0], $0xffff  }
0xe8: {  	v19 =	vadd.s32 s9, v3;
	[tilespmem:s5+$0x110] =	vst v34;
	v34 =	vadd.s32 s31, v5;
	v39 =	vld.idx.msk [tilespmem:v39+s18+$0x0], $0xffff  }
0xe9: {  	v40 =	vld.idx.msk [tilespmem:v24+s18+$0x0], $0xffff;
	v24 =	vadd.s32 s17, v5;
	[tilespmem:s5+$0xD0] =	vst v25;
	v25 =	vadd.s32 s0, v16;
	s0 =	smov.u32 s17  }
0xea: {  	v41 =	vadd.s32 s13, v5;
	v36 =	vld.idx.msk [tilespmem:v36+s18+$0x0], $0xffff;
	[tilespmem:s6+$0x4270] =	vst v28  }
0xeb: {  	v28 =	vadd.s32 s14, v5;
	[tilespmem:s5+$0x160] =	vst v26;
	v26 =	vld.idx.msk [tilespmem:v37+s18+$0x0], $0xffff  }
0xec: {  	v37 =	vadd.s32 s29, v15;
	[tilespmem:s5+$0x140] =	vst v35;
	v29 =	vld.idx.msk [tilespmem:v29+s18+$0x0], $0xffff;
	v35 =	vadd.s32 s22, v5  }
0xed: {  	v38 =	vld.idx.msk [tilespmem:v38+s18+$0x0], $0xffff;
	[tilespmem:s6+$0x4330] =	vst v33  }
0xee: {  	[tilespmem:s5+$0x120] =	vst v32;
	v25 =	vld.idx.msk [tilespmem:v25+s18+$0x0], $0xffff  }
0xef: {  	[tilespmem:s5+$0x190] =	vst v40;
	v31 =	vld.idx.msk [tilespmem:v31+s18+$0x0], $0xffff  }
0xf0: {  	v30 =	vld.idx.msk [tilespmem:v30+s18+$0x0], $0xffff;
	[tilespmem:s5+$0x150] =	vst v36  }
0xf1: {  	v27 =	vld.idx.msk [tilespmem:v27+s18+$0x0], $0xffff;
	[tilespmem:s6+$0x42F0] =	vst v26  }
0xf2: {  	[tilespmem:s5+$0x1E0] =	vst v29;
	v26 =	vld.idx.msk [tilespmem:v37+s18+$0x0], $0xffff  }
0xf3: {  	v32 =	vadd.s32 s29, v16;
	s29 =	smov.u32 s9;
	[tilespmem:s5+$0x1C0] =	vst v38;
	v29 =	vld.idx.msk [tilespmem:v35+s18+$0x0], $0xffff  }
0xf4: {  	v33 =	vld.idx.msk [tilespmem:v41+s18+$0x0], $0xffff;
	[tilespmem:s6+$0x43B0] =	vst v25  }
0xf5: {  	v25 =	vadd.s32 s22, v6;
	[tilespmem:s5+$0x1A0] =	vst v31  }
0xf6: {  	v31 =	vadd.s32 s13, v6;
	[tilespmem:s5+$0x210] =	vst v30;
	v30 =	vld.idx.msk [tilespmem:v34+s18+$0x0], $0xffff  }
0xf7: {  	v34 =	vadd.s32 s12, v6;
	v21 =	vld.idx.msk [tilespmem:v21+s18+$0x0], $0xffff;
	[tilespmem:s5+$0x1D0] =	vst v27  }
0xf8: {  	v27 =	vadd.s32 s31, v6;
	v28 =	vld.idx.msk [tilespmem:v28+s18+$0x0], $0xffff;
	[tilespmem:s6+$0x4370] =	vst v26  }
0xf9: {  	[tilespmem:s5+$0x260] =	vst v29;
	v26 =	vld.idx.msk [tilespmem:v32+s18+$0x0], $0xffff  }
0xfa: {  	v29 =	vadd.s32 s14, v6;
	[tilespmem:s5+$0x240] =	vst v33;
	v25 =	vld.idx.msk [tilespmem:v25+s18+$0x0], $0xffff  }
0xfb: {  	v31 =	vld.idx.msk [tilespmem:v31+s18+$0x0], $0xffff;
	[tilespmem:s6+$0x43A0] =	vst v39  }
0xfc: {  	v32 =	vld.idx.msk [tilespmem:v34+s18+$0x0], $0xffff;
	[tilespmem:s5+$0x220] =	vst v30;
	v30 =	vadd.s32 s22, v7  }
0xfd: {  	v27 =	vld.idx.msk [tilespmem:v27+s18+$0x0], $0xffff;
	[tilespmem:s5+$0xB0] =	vst v21;
	v21 =	vadd.s32 s13, v7  }
0xfe: {  	v33 =	vadd.s32 s12, v7;
	v22 =	vld.idx.msk [tilespmem:v22+s18+$0x0], $0xffff;
	[tilespmem:s5+$0x250] =	vst v28  }
0xff: {  	v28 =	vadd.s32 s31, v7;
	v29 =	vld.idx.msk [tilespmem:v29+s18+$0x0], $0xffff;
	[tilespmem:s6+$0x43F0] =	vst v26;
	s6 =	smov.u32 s5  }
0x100: {  	v17 =	vld.idx.msk [tilespmem:v17+s18+$0x0], $0xffff;
	[tilespmem:s5+$0x2E0] =	vst v25  }
0x101: {  	v25 =	vadd.s32 s14, v7;
	[tilespmem:s5+$0x2C0] =	vst v31;
	v26 =	vld.idx.msk [tilespmem:v30+s18+$0x0], $0xffff  }
0x102: {  	[tilespmem:s5+$0x290] =	vst v32;
	v21 =	vld.idx.msk [tilespmem:v21+s18+$0x0], $0xffff  }
0x103: {  	v30 =	vld.idx.msk [tilespmem:v33+s18+$0x0], $0xffff;
	[tilespmem:s5+$0x2A0] =	vst v27;
	v27 =	vadd.s32 s22, v8  }
0x104: {  	v28 =	vld.idx.msk [tilespmem:v28+s18+$0x0], $0xffff;
	[tilespmem:s5+$0x130] =	vst v22;
	v22 =	vadd.s32 s13, v8  }
0x105: {  	v31 =	vadd.s32 s12, v8;
	v23 =	vld.idx.msk [tilespmem:v23+s18+$0x0], $0xffff;
	[tilespmem:s5+$0x2D0] =	vst v29  }
0x106: {  	[tilespmem:s5+$0x100] =	vst v17;
	v17 =	vadd.s32 s31, v8;
	v25 =	vld.idx.msk [tilespmem:v25+s18+$0x0], $0xffff  }
0x107: {  	v18 =	vld.idx.msk [tilespmem:v18+s18+$0x0], $0xffff;
	[tilespmem:s5+$0x360] =	vst v26  }
0x108: {  	[tilespmem:s5+$0x340] =	vst v21;
	v21 =	vadd.s32 s14, v8;
	v26 =	vld.idx.msk [tilespmem:v27+s18+$0x0], $0xffff  }
0x109: {  	[tilespmem:s5+$0x310] =	vst v30;
	v22 =	vld.idx.msk [tilespmem:v22+s18+$0x0], $0xffff  }
0x10a: {  	v27 =	vld.idx.msk [tilespmem:v31+s18+$0x0], $0xffff;
	[tilespmem:s5+$0x320] =	vst v28;
	v28 =	vadd.s32 s22, v9  }
0x10b: {  	v29 =	vld.idx.msk [tilespmem:v17+s18+$0x0], $0xffff;
	[tilespmem:s5+$0x1B0] =	vst v23;
	v23 =	vadd.s32 s13, v9  }
0x10c: {  	v30 =	vadd.s32 s12, v9;
	v17 =	vadd.s32 s9, v8;
	v24 =	vld.idx.msk [tilespmem:v24+s18+$0x0], $0xffff;
	[tilespmem:s5+$0x350] =	vst v25  }
0x10d: {  	[tilespmem:s5+$0x180] =	vst v18;
	v18 =	vadd.s32 s31, v9;
	v21 =	vld.idx.msk [tilespmem:v21+s18+$0x0], $0xffff  }
0x10e: {  	v25 =	vadd.s32 s0, v6;
	v20 =	vld.idx.msk [tilespmem:v20+s18+$0x0], $0xffff;
	[tilespmem:s5+$0x3E0] =	vst v26  }
0x10f: {  	v26 =	vadd.s32 s9, v2;
	[tilespmem:s5+$0x3C0] =	vst v22;
	v22 =	vld.idx.msk [tilespmem:v28+s18+$0x0], $0xffff  }
0x110: {  	[tilespmem:s5+$0x390] =	vst v27;
	v23 =	vld.idx.msk [tilespmem:v23+s18+$0x0], $0xffff;
	v27 =	vadd.s32 s14, v9  }
0x111: {  	v28 =	vld.idx.msk [tilespmem:v30+s18+$0x0], $0xffff;
	[tilespmem:s5+$0x3A0] =	vst v29;
	v29 =	vadd.s32 s22, v10  }
0x112: {  	v30 =	vld.idx.msk [tilespmem:v18+s18+$0x0], $0xffff;
	[tilespmem:s5+$0x230] =	vst v24;
	v24 =	vadd.s32 s13, v10  }
0x113: {  	v31 =	vadd.s32 s12, v10;
	v18 =	vadd.s32 s9, v9;
	v25 =	vld.idx.msk [tilespmem:v25+s18+$0x0], $0xffff;
	[tilespmem:s5+$0x3D0] =	vst v21  }
0x114: {  	[tilespmem:s5+$0x200] =	vst v20;
	v20 =	vadd.s32 s31, v10;
	v21 =	vld.idx.msk [tilespmem:v26+s18+$0x0], $0xffff  }
0x115: {  	v26 =	vadd.s32 s1, v6;
	v27 =	vld.idx.msk [tilespmem:v27+s18+$0x0], $0xffff;
	[tilespmem:s5+$0x4060] =	vst v22  }
0x116: {  	v22 =	vadd.s32 s0, v7;
	[tilespmem:s5+$0x4040] =	vst v23;
	v23 =	vld.idx.msk [tilespmem:v29+s18+$0x0], $0xffff  }
0x117: {  	[tilespmem:s5+$0x4010] =	vst v28;
	v24 =	vld.idx.msk [tilespmem:v24+s18+$0x0], $0xffff  }
0x118: {  	v29 =	vadd.s32 s22, v11;
	v28 =	vld.idx.msk [tilespmem:v31+s18+$0x0], $0xffff;
	[tilespmem:s5+$0x4020] =	vst v30  }
0x119: {  	v30 =	vld.idx.msk [tilespmem:v20+s18+$0x0], $0xffff;
	[tilespmem:s5+$0x2B0] =	vst v25;
	v25 =	vadd.s32 s14, v10  }
0x11a: {  	v31 =	vadd.s32 s12, v11;
	v20 =	vadd.s32 s9, v10;
	v26 =	vld.idx.msk [tilespmem:v26+s18+$0x0], $0xffff;
	[tilespmem:s5+$0xF0] =	vst v21  }
0x11b: {  	v21 =	vadd.s32 s31, v11;
	v22 =	vld.idx.msk [tilespmem:v22+s18+$0x0], $0xffff;
	[tilespmem:s5+$0x4050] =	vst v27  }
0x11c: {  	v27 =	vadd.s32 s1, v7;
	[tilespmem:s5+$0x40E0] =	vst v23;
	v19 =	vld.idx.msk [tilespmem:v19+s18+$0x0], $0xffff  }
0x11d: {  	v23 =	vadd.s32 s13, v11;
	[tilespmem:s5+$0x40C0] =	vst v24;
	v24 =	vld.idx.msk [tilespmem:v29+s18+$0x0], $0xffff  }
0x11e: {  	[tilespmem:s5+$0x4090] =	vst v28;
	v25 =	vld.idx.msk [tilespmem:v25+s18+$0x0], $0xffff;
	v28 =	vadd.s32 s9, v4  }
0x11f: {  	v29 =	vld.idx.msk [tilespmem:v31+s18+$0x0], $0xffff;
	[tilespmem:s5+$0x40A0] =	vst v30;
	v30 =	vadd.s32 s22, v12  }
0x120: {  	[tilespmem:s5+$0x280] =	vst v26;
	v21 =	vld.idx.msk [tilespmem:v21+s18+$0x0], $0xffff;
	v26 =	vadd.s32 s14, v11  }
0x121: {  	v31 =	vadd.s32 s12, v12;
	v27 =	vld.idx.msk [tilespmem:v27+s18+$0x0], $0xffff;
	[tilespmem:s5+$0x330] =	vst v22  }
0x122: {  	v22 =	vadd.s32 s0, v8;
	v23 =	vld.idx.msk [tilespmem:v23+s18+$0x0], $0xffff;
	[tilespmem:s5+$0x170] =	vst v19  }
0x123: {  	v19 =	vadd.s32 s31, v12;
	[tilespmem:s5+$0x4160] =	vst v24;
	v24 =	vld.idx.msk [tilespmem:v28+s18+$0x0], $0xffff  }
0x124: {  	v28 =	vadd.s32 s1, v8;
	[tilespmem:s5+$0x40D0] =	vst v25;
	v25 =	vld.idx.msk [tilespmem:v30+s18+$0x0], $0xffff  }
0x125: {  	[tilespmem:s5+$0x4110] =	vst v29;
	v26 =	vld.idx.msk [tilespmem:v26+s18+$0x0], $0xffff;
	v29 =	vadd.s32 s9, v5  }
0x126: {  	v30 =	vld.idx.msk [tilespmem:v31+s18+$0x0], $0xffff;
	[tilespmem:s5+$0x4120] =	vst v21;
	v21 =	vadd.s32 s22, v13  }
0x127: {  	v31 =	vadd.s32 s14, v12;
	v22 =	vld.idx.msk [tilespmem:v22+s18+$0x0], $0xffff  }
0x128: {  	[tilespmem:s5+$0x300] =	vst v27;
	v27 =	vadd.s32 s12, v13;
	v19 =	vld.idx.msk [tilespmem:v19+s18+$0x0], $0xffff  }
0x129: {  	v32 =	vadd.s32 s13, v12;
	v28 =	vld.idx.msk [tilespmem:v28+s18+$0x0], $0xffff;
	[tilespmem:s5+$0x1F0] =	vst v24  }
0x12a: {  	v24 =	vadd.s32 s31, v13;
	[tilespmem:s5+$0x41E0] =	vst v25;
	v25 =	vld.idx.msk [tilespmem:v29+s18+$0x0], $0xffff  }
0x12b: {  	v29 =	vadd.s32 s1, v9;
	[tilespmem:s5+$0x4150] =	vst v26;
	v21 =	vld.idx.msk [tilespmem:v21+s18+$0x0], $0xffff  }
0x12c: {  	[tilespmem:s5+$0x4190] =	vst v30;
	v26 =	vld.idx.msk [tilespmem:v31+s18+$0x0], $0xffff;
	v30 =	vadd.s32 s9, v6  }
0x12d: {  	v27 =	vld.idx.msk [tilespmem:v27+s18+$0x0], $0xffff;
	[tilespmem:s5+$0x4140] =	vst v23;
	v23 =	vadd.s32 s22, v14  }
0x12e: {  	v31 =	vadd.s32 s14, v13;
	[tilespmem:s5+$0x41A0] =	vst v19;
	v19 =	vld.idx.msk [tilespmem:v32+s18+$0x0], $0xffff  }
0x12f: {  	[tilespmem:s5+$0x380] =	vst v28;
	v24 =	vld.idx.msk [tilespmem:v24+s18+$0x0], $0xffff;
	v28 =	vadd.s32 s0, v9  }
0x130: {  	v32 =	vadd.s32 s13, v13;
	v29 =	vld.idx.msk [tilespmem:v29+s18+$0x0], $0xffff;
	[tilespmem:s5+$0x270] =	vst v25  }
0x131: {  	v25 =	vadd.s32 s31, v14;
	[tilespmem:s5+$0x4260] =	vst v21;
	v21 =	vld.idx.msk [tilespmem:v30+s18+$0x0], $0xffff  }
0x132: {  	v30 =	vadd.s32 s1, v10;
	[tilespmem:s5+$0x41D0] =	vst v26;
	v23 =	vld.idx.msk [tilespmem:v23+s18+$0x0], $0xffff  }
0x133: {  	v26 =	vadd.s32 s9, v7;
	[tilespmem:s5+$0x3B0] =	vst v22;
	v22 =	vld.idx.msk [tilespmem:v31+s18+$0x0], $0xffff  }
0x134: {  	v28 =	vld.idx.msk [tilespmem:v28+s18+$0x0], $0xffff;
	[tilespmem:s5+$0x41C0] =	vst v19;
	v19 =	vadd.s32 s22, v15  }
0x135: {  	v31 =	vadd.s32 s14, v14;
	[tilespmem:s5+$0x4220] =	vst v24;
	v24 =	vld.idx.msk [tilespmem:v32+s18+$0x0], $0xffff  }
0x136: {  	[tilespmem:s5+$0x4000] =	vst v29;
	v25 =	vld.idx.msk [tilespmem:v25+s18+$0x0], $0xffff;
	v29 =	vadd.s32 s0, v10  }
0x137: {  	v32 =	vadd.s32 s13, v14;
	v30 =	vld.idx.msk [tilespmem:v30+s18+$0x0], $0xffff;
	[tilespmem:s5+$0x2F0] =	vst v21  }
0x138: {  	v21 =	vadd.s32 s12, v14;
	[tilespmem:s5+$0x42E0] =	vst v23;
	v23 =	vld.idx.msk [tilespmem:v26+s18+$0x0], $0xffff  }
0x139: {  	v26 =	vadd.s32 s1, v11;
	[tilespmem:s5+$0x4250] =	vst v22;
	v19 =	vld.idx.msk [tilespmem:v19+s18+$0x0], $0xffff  }
0x13a: {  	[tilespmem:s5+$0x4030] =	vst v28;
	v22 =	vld.idx.msk [tilespmem:v31+s18+$0x0], $0xffff  }
0x13b: {  	v28 =	vld.idx.msk [tilespmem:v29+s18+$0x0], $0xffff;
	[tilespmem:s5+$0x4240] =	vst v24;
	v24 =	vadd.s32 s22, v16  }
0x13c: {  	v29 =	vadd.s32 s14, v15;
	[tilespmem:s5+$0x4210] =	vst v27;
	v27 =	vld.idx.msk [tilespmem:v32+s18+$0x0], $0xffff  }
0x13d: {  	[tilespmem:s5+$0x4080] =	vst v30;
	v21 =	vld.idx.msk [tilespmem:v21+s18+$0x0], $0xffff;
	v30 =	vadd.s32 s0, v11  }
0x13e: {  	v31 =	vadd.s32 s13, v15;
	v26 =	vld.idx.msk [tilespmem:v26+s18+$0x0], $0xffff;
	[tilespmem:s5+$0x370] =	vst v23  }
0x13f: {  	v23 =	vadd.s32 s12, v15;
	[tilespmem:s5+$0x4360] =	vst v19;
	v17 =	vld.idx.msk [tilespmem:v17+s18+$0x0], $0xffff  }
0x140: {  	v19 =	vadd.s32 s1, v12;
	[tilespmem:s5+$0x42D0] =	vst v22;
	v22 =	vld.idx.msk [tilespmem:v24+s18+$0x0], $0xffff  }
0x141: {  	[tilespmem:s5+$0x40B0] =	vst v28;
	v24 =	vld.idx.msk [tilespmem:v29+s18+$0x0], $0xffff  }
0x142: {  	v28 =	vld.idx.msk [tilespmem:v30+s18+$0x0], $0xffff;
	[tilespmem:s5+$0x42C0] =	vst v27  }
0x143: {  	v27 =	vadd.s32 s14, v16;
	[tilespmem:s5+$0x4290] =	vst v21;
	v21 =	vld.idx.msk [tilespmem:v31+s18+$0x0], $0xffff  }
0x144: {  	[tilespmem:s5+$0x4100] =	vst v26;
	v23 =	vld.idx.msk [tilespmem:v23+s18+$0x0], $0xffff;
	v26 =	vadd.s32 s0, v12  }
0x145: {  	v29 =	vld.idx.msk [tilespmem:v19+s18+$0x0], $0xffff;
	v19 =	vadd.s32 s13, v16;
	[tilespmem:s5+$0x3F0] =	vst v17  }
0x146: {  	v17 =	vadd.s32 s12, v16;
	[tilespmem:s5+$0x43E0] =	vst v22;
	v22 =	vld.idx.msk [tilespmem:v18+s18+$0x0], $0xffff  }
0x147: {  	v30 =	vadd.s32 s1, v13;
	[tilespmem:s5+$0x4350] =	vst v24  }
0x148: {  	[tilespmem:s5+$0x4130] =	vst v28;
	v24 =	vld.idx.msk [tilespmem:v27+s18+$0x0], $0xffff  }
0x149: {  	v27 =	vadd.s32 s31, v15;
	v18 =	vld.idx.msk [tilespmem:v26+s18+$0x0], $0xffff;
	[tilespmem:s5+$0x4340] =	vst v21  }
.Ltmp1:
0x14a: {  	[tilespmem:s5+$0x4310] =	vst v23;
	v19 =	vld.idx.msk [tilespmem:v19+s18+$0x0], $0xffff;
	(pc) =	sbr.rel @p1 .LBB2_5-.Ltmp1, $4  }
0x14b: {  	[tilespmem:s5+$0x4180] =	vst v29;
	v17 =	vld.idx.msk [tilespmem:v17+s18+$0x0], $0xffff  }
0x14c: {  	v21 =	vld.idx.msk [tilespmem:v30+s18+$0x0], $0xffff;
	[tilespmem:s5+$0x4070] =	vst v22  }
0x14d: {  	[tilespmem:s5+$0x42A0] =	vst v25;
	v23 =	vld.idx.msk [tilespmem:v20+s18+$0x0], $0xffff  }
0x14e: {  	s9 =	sadd.s32 $0x80, s9;
	v22 =	vadd.s32 s1, v14;
	v20 =	vld.idx.msk [tilespmem:v27+s18+$0x0], $0xffff;
	[tilespmem:s5+$0x43D0] =	vst v24  }
0x14f: {  	v24 =	vadd.s32 s29, v11;
	_ =	sdelay $0x3  }
0x150: {  	[tilespmem:s6+$0x40F0] =	vst v23  }
0x151: {  	v23 =	vld.idx.msk [tilespmem:v24+s18+$0x0], $0xffff  }
0x152: {  	v63 =	vadd.s32 s29, v12;
	_ =	sdelay $0x3  }
0x153: {  	v25 =	vadd.s32 s0, v13;
	[tilespmem:s6+$0x4170] =	vst v23  }
0x154: {  	v23 =	vld.idx.msk [tilespmem:v63+s18+$0x0], $0xffff  }
0x155: {  	v28 =	vadd.s32 s29, v13;
	_ =	sdelay $0x1  }
0x156: {  	[tilespmem:s6+$0x41B0] =	vst v18  }
0x157: {  	v18 =	vld.idx.msk [tilespmem:v25+s18+$0x0], $0xffff  }
0x158: {  	v29 =	vadd.s32 s0, v14;
	[tilespmem:s6+$0x41F0] =	vst v23  }
0x159: {  	v23 =	vld.idx.msk [tilespmem:v28+s18+$0x0], $0xffff  }
0x15a: {  	v30 =	vadd.s32 s29, v14  }
0x15b: {  	[tilespmem:s6+$0x4200] =	vst v21  }
0x15c: {  	v21 =	vld.idx.msk [tilespmem:v22+s18+$0x0], $0xffff;
	[tilespmem:s6+$0x4230] =	vst v18  }
0x15d: {  	v18 =	vadd.s32 s1, v15;
	v22 =	vld.idx.msk [tilespmem:v29+s18+$0x0], $0xffff  }
0x15e: {  	v31 =	vadd.s32 s0, v15;
	[tilespmem:s6+$0x4270] =	vst v23  }
0x15f: {  	v23 =	vld.idx.msk [tilespmem:v30+s18+$0x0], $0xffff  }
0x160: {  	v32 =	vadd.s32 s29, v15  }
0x161: {  	[tilespmem:s6+$0x4280] =	vst v21  }
0x162: {  	v18 =	vld.idx.msk [tilespmem:v18+s18+$0x0], $0xffff;
	[tilespmem:s6+$0x42B0] =	vst v22  }
0x163: {  	v21 =	vadd.s32 s1, v16;
	v22 =	vld.idx.msk [tilespmem:v31+s18+$0x0], $0xffff  }
0x164: {  	v33 =	vadd.s32 s0, v16;
	[tilespmem:s6+$0x42F0] =	vst v23  }
0x165: {  	v23 =	vadd.s32 s31, v16;
	v24 =	vld.idx.msk [tilespmem:v32+s18+$0x0], $0xffff  }
0x166: {  	v26 =	vadd.s32 s29, v16  }
0x167: {  	[tilespmem:s6+$0x4300] =	vst v18  }
0x168: {  	v18 =	vld.idx.msk [tilespmem:v21+s18+$0x0], $0xffff;
	[tilespmem:s6+$0x4330] =	vst v22  }
0x169: {  	[tilespmem:s6+$0x4320] =	vst v20;
	v20 =	vld.idx.msk [tilespmem:v33+s18+$0x0], $0xffff  }
0x16a: {  	v21 =	vld.idx.msk [tilespmem:v23+s18+$0x0], $0xffff;
	[tilespmem:s6+$0x4370] =	vst v24  }
0x16b: {  	[tilespmem:s6+$0x43C0] =	vst v19;
	v19 =	vld.idx.msk [tilespmem:v26+s18+$0x0], $0xffff  }
0x16c: {  	[tilespmem:s6+$0x4390] =	vst v17  }
0x16d: {  	[tilespmem:s6+$0x4380] =	vst v18  }
0x16e: {  	s22 =	sadd.s32 s4, s28;
	[tilespmem:s6+$0x43B0] =	vst v20  }
0x16f: {  	s0 =	sshll.u32 s22, $0x8;
	[tilespmem:s6+$0x43A0] =	vst v21  }
0x170: {  	s9 =	sadd.s32 $0xFFFFFFF0, s30;
	s29 =	sadd.s32 $0xFFFFFFD0, s30;
	s0 =	sadd.s32 s2, s0;
	[tilespmem:s6+$0x43F0] =	vst v19  }
0x171: {  	v17 =	vadd.s32 s9, v1;
	[hbm4b:s0+s3] =	stream.linear.scatter [tilespmem:s19], [sflag:$0x1], $0x8000, $0x38;
	[tilespmem:$0x1B100] =	vst v63  }
0x172: {  	s23 =	sadd.s32 $0xFFFFFFA0, s30;
	v18 =	vadd.s32 s29, v1;
	s0 =	simm.s32 @!p0 $0x2  }
0x173: {  	s31 =	sadd.s32 $0xFFFFFFB0, s30;
	v19 =	vadd.s32 s23, v1;
	_ =	swait.ge @!p0 [sflag:s0], $0x8000  }
0x174: {  	s8 =	sadd.s32 $0xFFFFFFE0, s30;
	v20 =	vadd.s32 s31, v1;
	[sflag:s0] =	ssyncset.done @!p0 $0x0  }
0x175: {  	v22 =	vadd.s32 s8, v1;
	[sflag:s0] =	ssyncadd.s32 @!p0 $0xFFFF8000  }
0x176: {  	v21 =	vadd.s32 s30, v1;
	v17 =	vld.idx.msk [tilespmem:v17+s18+$0x0], $0xffff  }
0x177: {  	v23 =	vadd.s32 s9, v2;
	v18 =	vld.idx.msk [tilespmem:v18+s18+$0x0], $0xffff  }
0x178: {  	v34 =	vadd.s32 s29, v2;
	v19 =	vld.idx.msk [tilespmem:v19+s18+$0x0], $0xffff  }
0x179: {  	v35 =	vadd.s32 s23, v2;
	v20 =	vld.idx.msk [tilespmem:v20+s18+$0x0], $0xffff  }
0x17a: {  	s5 =	simm.s32 $0xB100;
	s1 =	sadd.s32 $0xFFFFFF90, s30;
	v36 =	vadd.s32 s31, v2;
	v22 =	vld.idx.msk [tilespmem:v22+s18+$0x0], $0xffff  }
0x17b: {  	v27 =	vadd.s32 s1, v1;
	v21 =	vld.idx.msk [tilespmem:v21+s18+$0x0], $0xffff;
	[tilespmem:s5+$0x60] =	vst v17  }
0x17c: {  	v17 =	vadd.s32 s8, v2;
	[tilespmem:s5+$0x40] =	vst v18;
	v18 =	vld.idx.msk [tilespmem:v23+s18+$0x0], $0xffff  }
0x17d: {  	[tilespmem:s5+$0x10] =	vst v19;
	v19 =	vadd.s32 s9, v3;
	v23 =	vld.idx.msk [tilespmem:v34+s18+$0x0], $0xffff  }
0x17e: {  	v37 =	vadd.s32 s29, v3;
	[tilespmem:s5+$0x20] =	vst v20;
	v20 =	vld.idx.msk [tilespmem:v35+s18+$0x0], $0xffff  }
0x17f: {  	v38 =	vadd.s32 s23, v3;
	[tilespmem:s5+$0x50] =	vst v22;
	v26 =	vld.idx.msk [tilespmem:v36+s18+$0x0], $0xffff  }
0x180: {  	v28 =	vadd.s32 s31, v3;
	s0 =	sadd.s32 $0xFFFFFFC0, s30;
	v27 =	vld.idx.msk [tilespmem:v27+s18+$0x0], $0xffff;
	[tilespmem:s5+$0x70] =	vst v21  }
0x181: {  	v22 =	vadd.s32 s0, v1;
	v17 =	vld.idx.msk [tilespmem:v17+s18+$0x0], $0xffff;
	[tilespmem:s5+$0xE0] =	vst v18  }
0x182: {  	v18 =	vadd.s32 s8, v3;
	[tilespmem:s5+$0xC0] =	vst v23;
	v19 =	vld.idx.msk [tilespmem:v19+s18+$0x0], $0xffff  }
0x183: {  	[tilespmem:s5+$0x90] =	vst v20;
	v20 =	vadd.s32 s9, v4;
	v23 =	vld.idx.msk [tilespmem:v37+s18+$0x0], $0xffff  }
0x184: {  	v40 =	vadd.s32 s29, v4;
	[tilespmem:s5+$0xA0] =	vst v26;
	v39 =	vld.idx.msk [tilespmem:v38+s18+$0x0], $0xffff  }
0x185: {  	v21 =	vadd.s32 s23, v4;
	[tilespmem:s5+$0x0] =	vst v27;
	v26 =	vld.idx.msk [tilespmem:v28+s18+$0x0], $0xffff  }
0x186: {  	v41 =	vadd.s32 s31, v4;
	v22 =	vld.idx.msk [tilespmem:v22+s18+$0x0], $0xffff;
	[tilespmem:s5+$0xD0] =	vst v17  }
0x187: {  	v17 =	vadd.s32 s1, v2;
	v18 =	vld.idx.msk [tilespmem:v18+s18+$0x0], $0xffff;
	[tilespmem:s5+$0x160] =	vst v19  }
0x188: {  	v19 =	vadd.s32 s8, v4;
	[tilespmem:s5+$0x140] =	vst v23;
	v20 =	vld.idx.msk [tilespmem:v20+s18+$0x0], $0xffff  }
0x189: {  	[tilespmem:s5+$0x110] =	vst v39;
	v23 =	vadd.s32 s9, v5;
	v42 =	vld.idx.msk [tilespmem:v40+s18+$0x0], $0xffff  }
0x18a: {  	v43 =	vadd.s32 s29, v5;
	[tilespmem:s5+$0x120] =	vst v26;
	v21 =	vld.idx.msk [tilespmem:v21+s18+$0x0], $0xffff  }
0x18b: {  	v44 =	vadd.s32 s23, v5;
	[tilespmem:s5+$0x30] =	vst v22;
	v45 =	vld.idx.msk [tilespmem:v41+s18+$0x0], $0xffff  }
0x18c: {  	v46 =	vadd.s32 s31, v5;
	v17 =	vld.idx.msk [tilespmem:v17+s18+$0x0], $0xffff;
	[tilespmem:s5+$0x150] =	vst v18  }
0x18d: {  	v18 =	vadd.s32 s0, v2;
	v19 =	vld.idx.msk [tilespmem:v19+s18+$0x0], $0xffff;
	[tilespmem:s5+$0x1E0] =	vst v20  }
0x18e: {  	v52 =	vadd.s32 s1, v3;
	[tilespmem:s5+$0x1C0] =	vst v42;
	v23 =	vld.idx.msk [tilespmem:v23+s18+$0x0], $0xffff  }
0x18f: {  	v20 =	vadd.s32 s8, v5;
	[tilespmem:s5+$0x190] =	vst v21;
	v21 =	vld.idx.msk [tilespmem:v43+s18+$0x0], $0xffff  }
0x190: {  	v47 =	vadd.s32 s9, v6;
	[tilespmem:s5+$0x1A0] =	vst v45;
	v48 =	vld.idx.msk [tilespmem:v44+s18+$0x0], $0xffff  }
0x191: {  	v49 =	vadd.s32 s29, v6;
	v22 =	vld.idx.msk [tilespmem:v46+s18+$0x0], $0xffff;
	[tilespmem:s5+$0x80] =	vst v17  }
0x192: {  	v50 =	vadd.s32 s23, v6;
	v18 =	vld.idx.msk [tilespmem:v18+s18+$0x0], $0xffff;
	[tilespmem:s5+$0x1D0] =	vst v19  }
0x193: {  	v24 =	vld.idx.msk [tilespmem:v52+s18+$0x0], $0xffff;
	v19 =	vadd.s32 s31, v6;
	[tilespmem:s5+$0x260] =	vst v23  }
0x194: {  	v51 =	vadd.s32 s0, v3;
	v20 =	vld.idx.msk [tilespmem:v20+s18+$0x0], $0xffff;
	[tilespmem:s5+$0x240] =	vst v21  }
0x195: {  	v56 =	vadd.s32 s1, v4;
	[tilespmem:s5+$0x210] =	vst v48;
	v23 =	vld.idx.msk [tilespmem:v47+s18+$0x0], $0xffff  }
0x196: {  	v21 =	vadd.s32 s8, v6;
	[tilespmem:s5+$0x220] =	vst v22;
	v53 =	vld.idx.msk [tilespmem:v49+s18+$0x0], $0xffff  }
0x197: {  	v22 =	vadd.s32 s9, v7;
	v54 =	vld.idx.msk [tilespmem:v50+s18+$0x0], $0xffff;
	[tilespmem:s5+$0xB0] =	vst v18  }
0x198: {  	v18 =	vadd.s32 s29, v7;
	[tilespmem:s5+$0x100] =	vst v24;
	v19 =	vld.idx.msk [tilespmem:v19+s18+$0x0], $0xffff  }
0x199: {  	v55 =	vadd.s32 s23, v7;
	v28 =	vld.idx.msk [tilespmem:v51+s18+$0x0], $0xffff;
	[tilespmem:s5+$0x250] =	vst v20  }
0x19a: {  	v17 =	vadd.s32 s31, v7;
	v25 =	vld.idx.msk [tilespmem:v56+s18+$0x0], $0xffff;
	[tilespmem:s5+$0x2E0] =	vst v23  }
0x19b: {  	v20 =	vld.idx.msk [tilespmem:v21+s18+$0x0], $0xffff;
	v21 =	vadd.s32 s0, v4;
	[tilespmem:s5+$0x2C0] =	vst v53  }
0x19c: {  	v23 =	vadd.s32 s8, v7;
	[tilespmem:s5+$0x290] =	vst v54;
	v22 =	vld.idx.msk [tilespmem:v22+s18+$0x0], $0xffff  }
0x19d: {  	v18 =	vld.idx.msk [tilespmem:v18+s18+$0x0], $0xffff;
	[tilespmem:s5+$0x2A0] =	vst v19;
	v19 =	vadd.s32 s9, v8  }
0x19e: {  	v57 =	vadd.s32 s29, v8;
	v26 =	vld.idx.msk [tilespmem:v55+s18+$0x0], $0xffff;
	[tilespmem:s5+$0x130] =	vst v28  }
0x19f: {  	v58 =	vadd.s32 s23, v8;
	[tilespmem:s5+$0x180] =	vst v25;
	v17 =	vld.idx.msk [tilespmem:v17+s18+$0x0], $0xffff  }
0x1a0: {  	v21 =	vld.idx.msk [tilespmem:v21+s18+$0x0], $0xffff;
	[tilespmem:s5+$0x2D0] =	vst v20;
	v20 =	vadd.s32 s31, v8  }
0x1a1: {  	v59 =	vadd.s32 s0, v5;
	v23 =	vld.idx.msk [tilespmem:v23+s18+$0x0], $0xffff;
	[tilespmem:s5+$0x360] =	vst v22  }
0x1a2: {  	[tilespmem:s5+$0x340] =	vst v18;
	v18 =	vadd.s32 s8, v8;
	v19 =	vld.idx.msk [tilespmem:v19+s18+$0x0], $0xffff  }
0x1a3: {  	v22 =	vadd.s32 s1, v5;
	[tilespmem:s5+$0x310] =	vst v26;
	v60 =	vld.idx.msk [tilespmem:v57+s18+$0x0], $0xffff  }
0x1a4: {  	v61 =	vld.idx.msk [tilespmem:v58+s18+$0x0], $0xffff;
	[tilespmem:s5+$0x320] =	vst v17;
	v17 =	vadd.s32 s9, v9  }
0x1a5: {  	v62 =	vadd.s32 s23, v9;
	v20 =	vld.idx.msk [tilespmem:v20+s18+$0x0], $0xffff;
	[tilespmem:s5+$0x1B0] =	vst v21  }
0x1a6: {  	v21 =	vadd.s32 s29, v9;
	v24 =	vld.idx.msk [tilespmem:v59+s18+$0x0], $0xffff;
	[tilespmem:s5+$0x350] =	vst v23  }
0x1a7: {  	v23 =	vadd.s32 s31, v9;
	v18 =	vld.idx.msk [tilespmem:v18+s18+$0x0], $0xffff;
	[tilespmem:s5+$0x3E0] =	vst v19  }
0x1a8: {  	v63 =	vadd.s32 s0, v6;
	v22 =	vld.idx.msk [tilespmem:v22+s18+$0x0], $0xffff;
	[tilespmem:s5+$0x3C0] =	vst v60  }
0x1a9: {  	v19 =	vadd.s32 s30, v2;
	[tilespmem:s5+$0x390] =	vst v61;
	v17 =	vld.idx.msk [tilespmem:v17+s18+$0x0], $0xffff  }
0x1aa: {  	v32 =	vadd.s32 s8, v9;
	v27 =	vld.idx.msk [tilespmem:v62+s18+$0x0], $0xffff;
	[tilespmem:s5+$0x3A0] =	vst v20  }
0x1ab: {  	v21 =	vld.idx.msk [tilespmem:v21+s18+$0x0], $0xffff;
	v20 =	vadd.s32 s9, v10;
	[tilespmem:s5+$0x230] =	vst v24  }
0x1ac: {  	v34 =	vadd.s32 s23, v10;
	v23 =	vld.idx.msk [tilespmem:v23+s18+$0x0], $0xffff;
	[tilespmem:s5+$0x3D0] =	vst v18  }
0x1ad: {  	v33 =	vadd.s32 s29, v10;
	v25 =	vld.idx.msk [tilespmem:v63+s18+$0x0], $0xffff;
	[tilespmem:s5+$0x200] =	vst v22  }
0x1ae: {  	v18 =	vadd.s32 s31, v10;
	v19 =	vld.idx.msk [tilespmem:v19+s18+$0x0], $0xffff;
	[tilespmem:s5+$0x4060] =	vst v17  }
0x1af: {  	v22 =	vadd.s32 s1, v6;
	v26 =	vld.idx.msk [tilespmem:v32+s18+$0x0], $0xffff;
	[tilespmem:s5+$0x4010] =	vst v27  }
0x1b0: {  	v17 =	vadd.s32 s0, v7;
	[tilespmem:s5+$0x4040] =	vst v21;
	v20 =	vld.idx.msk [tilespmem:v20+s18+$0x0], $0xffff  }
0x1b1: {  	v35 =	vadd.s32 s8, v10;
	v27 =	vld.idx.msk [tilespmem:v34+s18+$0x0], $0xffff;
	[tilespmem:s5+$0x4020] =	vst v23  }
0x1b2: {  	v21 =	vadd.s32 s30, v3;
	v24 =	vld.idx.msk [tilespmem:v33+s18+$0x0], $0xffff;
	[tilespmem:s5+$0x2B0] =	vst v25  }
0x1b3: {  	v23 =	vadd.s32 s9, v11;
	v18 =	vld.idx.msk [tilespmem:v18+s18+$0x0], $0xffff;
	[tilespmem:s5+$0xF0] =	vst v19  }
0x1b4: {  	v36 =	vadd.s32 s23, v11;
	v22 =	vld.idx.msk [tilespmem:v22+s18+$0x0], $0xffff;
	[tilespmem:s5+$0x4050] =	vst v26  }
0x1b5: {  	v19 =	vadd.s32 s31, v11;
	v17 =	vld.idx.msk [tilespmem:v17+s18+$0x0], $0xffff;
	[tilespmem:s5+$0x40E0] =	vst v20  }
0x1b6: {  	v37 =	vadd.s32 s1, v7;
	v38 =	vld.idx.msk [tilespmem:v35+s18+$0x0], $0xffff;
	[tilespmem:s5+$0x4090] =	vst v27  }
0x1b7: {  	v20 =	vld.idx.msk [tilespmem:v21+s18+$0x0], $0xffff;
	v21 =	vadd.s32 s29, v11;
	[tilespmem:s5+$0x40C0] =	vst v24  }
0x1b8: {  	v39 =	vadd.s32 s30, v4;
	v23 =	vld.idx.msk [tilespmem:v23+s18+$0x0], $0xffff;
	[tilespmem:s5+$0x40A0] =	vst v18  }
0x1b9: {  	v27 =	vld.idx.msk [tilespmem:v36+s18+$0x0], $0xffff;
	v18 =	vadd.s32 s9, v12;
	[tilespmem:s5+$0x280] =	vst v22  }
0x1ba: {  	v22 =	vadd.s32 s8, v11;
	v19 =	vld.idx.msk [tilespmem:v19+s18+$0x0], $0xffff;
	[tilespmem:s5+$0x330] =	vst v17  }
0x1bb: {  	v40 =	vadd.s32 s23, v12;
	v26 =	vld.idx.msk [tilespmem:v37+s18+$0x0], $0xffff;
	[tilespmem:s5+$0x40D0] =	vst v38  }
0x1bc: {  	v17 =	vadd.s32 s0, v8;
	v21 =	vld.idx.msk [tilespmem:v21+s18+$0x0], $0xffff;
	[tilespmem:s5+$0x170] =	vst v20  }
0x1bd: {  	v20 =	vadd.s32 s31, v12;
	[tilespmem:s5+$0x4160] =	vst v23;
	v23 =	vld.idx.msk [tilespmem:v39+s18+$0x0], $0xffff  }
0x1be: {  	v41 =	vadd.s32 s1, v8;
	[tilespmem:s5+$0x4110] =	vst v27;
	v18 =	vld.idx.msk [tilespmem:v18+s18+$0x0], $0xffff  }
0x1bf: {  	v42 =	vadd.s32 s30, v5;
	v22 =	vld.idx.msk [tilespmem:v22+s18+$0x0], $0xffff;
	[tilespmem:s5+$0x4120] =	vst v19  }
0x1c0: {  	v27 =	vld.idx.msk [tilespmem:v40+s18+$0x0], $0xffff;
	v19 =	vadd.s32 s9, v13;
	[tilespmem:s5+$0x300] =	vst v26  }
0x1c1: {  	v43 =	vadd.s32 s8, v12;
	v17 =	vld.idx.msk [tilespmem:v17+s18+$0x0], $0xffff;
	[tilespmem:s5+$0x4140] =	vst v21  }
0x1c2: {  	v44 =	vadd.s32 s23, v13;
	v20 =	vld.idx.msk [tilespmem:v20+s18+$0x0], $0xffff;
	[tilespmem:s5+$0x1F0] =	vst v23  }
0x1c3: {  	v45 =	vadd.s32 s29, v12;
	v23 =	vld.idx.msk [tilespmem:v41+s18+$0x0], $0xffff;
	[tilespmem:s5+$0x41E0] =	vst v18  }
0x1c4: {  	v18 =	vadd.s32 s31, v13;
	v24 =	vld.idx.msk [tilespmem:v42+s18+$0x0], $0xffff;
	[tilespmem:s5+$0x4150] =	vst v22  }
0x1c5: {  	v22 =	vadd.s32 s1, v9;
	[tilespmem:s5+$0x4190] =	vst v27;
	v19 =	vld.idx.msk [tilespmem:v19+s18+$0x0], $0xffff  }
0x1c6: {  	v47 =	vadd.s32 s30, v6;
	v46 =	vld.idx.msk [tilespmem:v43+s18+$0x0], $0xffff;
	[tilespmem:s5+$0x3B0] =	vst v17  }
0x1c7: {  	v48 =	vadd.s32 s9, v14;
	v21 =	vld.idx.msk [tilespmem:v44+s18+$0x0], $0xffff;
	[tilespmem:s5+$0x41A0] =	vst v20  }
0x1c8: {  	v49 =	vadd.s32 s8, v13;
	v20 =	vld.idx.msk [tilespmem:v45+s18+$0x0], $0xffff;
	[tilespmem:s5+$0x380] =	vst v23  }
0x1c9: {  	v23 =	vadd.s32 s0, v9;
	v18 =	vld.idx.msk [tilespmem:v18+s18+$0x0], $0xffff;
	[tilespmem:s5+$0x270] =	vst v24  }
0x1ca: {  	v50 =	vadd.s32 s29, v13;
	v22 =	vld.idx.msk [tilespmem:v22+s18+$0x0], $0xffff;
	[tilespmem:s5+$0x4260] =	vst v19  }
0x1cb: {  	v51 =	vadd.s32 s1, v10;
	v28 =	vld.idx.msk [tilespmem:v47+s18+$0x0], $0xffff;
	[tilespmem:s5+$0x41D0] =	vst v46  }
0x1cc: {  	v19 =	vadd.s32 s31, v14;
	[tilespmem:s5+$0x4210] =	vst v21;
	v26 =	vld.idx.msk [tilespmem:v48+s18+$0x0], $0xffff  }
0x1cd: {  	v52 =	vadd.s32 s30, v7;
	v17 =	vld.idx.msk [tilespmem:v49+s18+$0x0], $0xffff;
	[tilespmem:s5+$0x41C0] =	vst v20  }
0x1ce: {  	v53 =	vadd.s32 s8, v14;
	v20 =	vld.idx.msk [tilespmem:v23+s18+$0x0], $0xffff;
	[tilespmem:s5+$0x4220] =	vst v18  }
0x1cf: {  	v23 =	vadd.s32 s9, v15;
	v18 =	vld.idx.msk [tilespmem:v50+s18+$0x0], $0xffff;
	[tilespmem:s5+$0x4000] =	vst v22  }
0x1d0: {  	v55 =	vadd.s32 s23, v14;
	[tilespmem:s5+$0x2F0] =	vst v28;
	v27 =	vld.idx.msk [tilespmem:v51+s18+$0x0], $0xffff  }
0x1d1: {  	v22 =	vld.idx.msk [tilespmem:v19+s18+$0x0], $0xffff;
	v19 =	vadd.s32 s0, v10;
	[tilespmem:s5+$0x42E0] =	vst v26  }
0x1d2: {  	v54 =	vadd.s32 s29, v14;
	v25 =	vld.idx.msk [tilespmem:v52+s18+$0x0], $0xffff;
	[tilespmem:s5+$0x4250] =	vst v17  }
0x1d3: {  	v17 =	vadd.s32 s1, v11;
	v24 =	vld.idx.msk [tilespmem:v53+s18+$0x0], $0xffff;
	[tilespmem:s5+$0x4030] =	vst v20  }
0x1d4: {  	v23 =	vld.idx.msk [tilespmem:v23+s18+$0x0], $0xffff;
	v20 =	vadd.s32 s30, v8;
	[tilespmem:s5+$0x4240] =	vst v18  }
0x1d5: {  	v56 =	vadd.s32 s8, v15;
	v26 =	vld.idx.msk [tilespmem:v55+s18+$0x0], $0xffff;
	[tilespmem:s5+$0x4080] =	vst v27  }
0x1d6: {  	v18 =	vld.idx.msk [tilespmem:v19+s18+$0x0], $0xffff;
	v19 =	vadd.s32 s9, v16;
	[tilespmem:s5+$0x42A0] =	vst v22  }
0x1d7: {  	v57 =	vadd.s32 s0, v11;
	v21 =	vld.idx.msk [tilespmem:v54+s18+$0x0], $0xffff;
	[tilespmem:s5+$0x370] =	vst v25  }
0x1d8: {  	v58 =	vadd.s32 s29, v15;
	v17 =	vld.idx.msk [tilespmem:v17+s18+$0x0], $0xffff;
	[tilespmem:s5+$0x42D0] =	vst v24  }
0x1d9: {  	[tilespmem:s5+$0x4360] =	vst v23;
	v23 =	vadd.s32 s23, v15;
	v20 =	vld.idx.msk [tilespmem:v20+s18+$0x0], $0xffff  }
0x1da: {  	v59 =	vadd.s32 s1, v12;
	[tilespmem:s5+$0x4290] =	vst v26;
	v28 =	vld.idx.msk [tilespmem:v56+s18+$0x0], $0xffff  }
0x1db: {  	v60 =	vadd.s32 s8, v16;
	v19 =	vld.idx.msk [tilespmem:v19+s18+$0x0], $0xffff;
	[tilespmem:s5+$0x40B0] =	vst v18  }
0x1dc: {  	v18 =	vadd.s32 s30, v9;
	[tilespmem:s5+$0x42C0] =	vst v21;
	v21 =	vld.idx.msk [tilespmem:v57+s18+$0x0], $0xffff  }
0x1dd: {  	v25 =	vld.idx.msk [tilespmem:v58+s18+$0x0], $0xffff;
	[tilespmem:s5+$0x4100] =	vst v17;
	v17 =	vadd.s32 s0, v12  }
0x1de: {  	v61 =	vadd.s32 s29, v16;
	v23 =	vld.idx.msk [tilespmem:v23+s18+$0x0], $0xffff;
	[tilespmem:s5+$0x3F0] =	vst v20  }
0x1df: {  	v31 =	vadd.s32 s31, v15;
	v20 =	vld.idx.msk [tilespmem:v59+s18+$0x0], $0xffff;
	[tilespmem:s5+$0x4350] =	vst v28  }
0x1e0: {  	v62 =	vadd.s32 s23, v16;
	v26 =	vld.idx.msk [tilespmem:v60+s18+$0x0], $0xffff;
	[tilespmem:s5+$0x43E0] =	vst v19  }
0x1e1: {  	v30 =	vadd.s32 s1, v13;
	v29 =	vld.idx.msk [tilespmem:v18+s18+$0x0], $0xffff;
	[tilespmem:s5+$0x4130] =	vst v21  }
0x1e2: {  	v63 =	vadd.s32 s30, v10;
	[tilespmem:s5+$0x4340] =	vst v25;
	v18 =	vld.idx.msk [tilespmem:v17+s18+$0x0], $0xffff  }
0x1e3: {  	v19 =	vld.idx.msk [tilespmem:v61+s18+$0x0], $0xffff;
	[tilespmem:s5+$0x4310] =	vst v23  }
0x1e4: {  	[tilespmem:s5+$0x4180] =	vst v20;
	v20 =	vld.idx.msk [tilespmem:v31+s18+$0x0], $0xffff  }
0x1e5: {  	v17 =	vld.idx.msk [tilespmem:v62+s18+$0x0], $0xffff  }
0x1e6: {  	v21 =	vld.idx.msk [tilespmem:v30+s18+$0x0], $0xffff;
	[tilespmem:s5+$0x4070] =	vst v29  }
0x1e7: {  	s6 =	simm.s32 $0xB100;
	s8 =	simm.s32 $0x0;
	v22 =	vadd.s32 s1, v14;
	s9 =	sadd.s32 $0x80, s30;
	[tilespmem:s5+$0x43D0] =	vst v26;
	v23 =	vld.idx.msk [tilespmem:v63+s18+$0x0], $0xffff  }
.LBB2_7:
0x1e8: {  	s23 =	sadd.s32 $0xFFFFFF90, s9;
	v24 =	vadd.s32 s9, v1;
	s8 =	sadd.s32 $0x8, s8;
	s5 =	sadd.s32 $0x400, s5  }
0x1e9: {  	s12 =	sadd.s32 $0xFFFFFFA0, s9;
	v25 =	vadd.s32 s23, v1;
	p1 =	slt.u32 s8, $0x78;
	[tilespmem:s6+$0x43C0] =	vst v19  }
0x1ea: {  	s7 =	sadd.s32 $0xFFFFFFB0, s9;
	v19 =	vadd.s32 s12, v1;
	[tilespmem:s6+$0x4390] =	vst v17  }
0x1eb: {  	s17 =	sadd.s32 $0xFFFFFFC0, s9;
	v17 =	vadd.s32 s7, v1;
	[tilespmem:s6+$0x4200] =	vst v21  }
0x1ec: {  	s13 =	sadd.s32 $0xFFFFFFD0, s9;
	v21 =	vadd.s32 s17, v1;
	v22 =	vld.idx.msk [tilespmem:v22+s18+$0x0], $0xffff;
	[tilespmem:s6+$0x40F0] =	vst v23;
	v23 =	vadd.s32 s30, v11  }
0x1ed: {  	s14 =	sadd.s32 $0xFFFFFFE0, s9;
	v26 =	vadd.s32 s13, v1;
	v24 =	vld.idx.msk [tilespmem:v24+s18+$0x0], $0xffff;
	[tilespmem:s6+$0x4320] =	vst v20  }
0x1ee: {  	s22 =	sadd.s32 $0xFFFFFFF0, s9;
	v27 =	vadd.s32 s1, v15;
	v20 =	vld.idx.msk [tilespmem:v25+s18+$0x0], $0xffff;
	v25 =	vadd.s32 s14, v1  }
0x1ef: {  	v28 =	vadd.s32 s22, v1;
	v19 =	vld.idx.msk [tilespmem:v19+s18+$0x0], $0xffff  }
0x1f0: {  	v29 =	vadd.s32 s23, v2;
	v17 =	vld.idx.msk [tilespmem:v17+s18+$0x0], $0xffff  }
0x1f1: {  	v30 =	vadd.s32 s12, v2;
	v23 =	vld.idx.msk [tilespmem:v23+s18+$0x0], $0xffff  }
0x1f2: {  	v31 =	vadd.s32 s7, v2;
	v32 =	vld.idx.msk [tilespmem:v21+s18+$0x0], $0xffff;
	[tilespmem:s6+$0x4280] =	vst v22  }
0x1f3: {  	v21 =	vadd.s32 s17, v2;
	[tilespmem:s5+$0x70] =	vst v24;
	v22 =	vld.idx.msk [tilespmem:v27+s18+$0x0], $0xffff;
	v24 =	vadd.s32 s0, v13  }
0x1f4: {  	[tilespmem:s5+$0x0] =	vst v20;
	v20 =	vld.idx.msk [tilespmem:v26+s18+$0x0], $0xffff;
	v26 =	vadd.s32 s13, v2  }
0x1f5: {  	[tilespmem:s5+$0x10] =	vst v19;
	v19 =	vld.idx.msk [tilespmem:v25+s18+$0x0], $0xffff;
	v25 =	vadd.s32 s14, v2  }
0x1f6: {  	v33 =	vadd.s32 s1, v16;
	s1 =	smov.u32 s23;
	[tilespmem:s5+$0x20] =	vst v17;
	v27 =	vld.idx.msk [tilespmem:v28+s18+$0x0], $0xffff;
	v28 =	vadd.s32 s22, v2  }
0x1f7: {  	v17 =	vadd.s32 s1, v3;
	v29 =	vld.idx.msk [tilespmem:v29+s18+$0x0], $0xffff;
	[tilespmem:s6+$0x41B0] =	vst v18;
	v18 =	vadd.s32 s30, v12  }
0x1f8: {  	v34 =	vadd.s32 s12, v3;
	[tilespmem:s5+$0x30] =	vst v32;
	v24 =	vld.idx.msk [tilespmem:v24+s18+$0x0], $0xffff  }
0x1f9: {  	v32 =	vadd.s32 s7, v3;
	v30 =	vld.idx.msk [tilespmem:v30+s18+$0x0], $0xffff;
	[tilespmem:s6+$0x4300] =	vst v22  }
0x1fa: {  	v22 =	vadd.s32 s17, v3;
	v31 =	vld.idx.msk [tilespmem:v31+s18+$0x0], $0xffff;
	[tilespmem:s5+$0x40] =	vst v20;
	v20 =	vadd.s32 s0, v14  }
0x1fb: {  	v35 =	vadd.s32 s13, v3;
	v33 =	vld.idx.msk [tilespmem:v33+s18+$0x0], $0xffff;
	[tilespmem:s6+$0x4170] =	vst v23  }
0x1fc: {  	v36 =	vadd.s32 s14, v3;
	[tilespmem:s5+$0x60] =	vst v27;
	v27 =	vld.idx.msk [tilespmem:v18+s18+$0x0], $0xffff  }
0x1fd: {  	v37 =	vadd.s32 s30, v13;
	[tilespmem:s5+$0x80] =	vst v29;
	v28 =	vld.idx.msk [tilespmem:v28+s18+$0x0], $0xffff;
	v29 =	vadd.s32 s22, v3  }
0x1fe: {  	v18 =	vadd.s32 s1, v4;
	v26 =	vld.idx.msk [tilespmem:v26+s18+$0x0], $0xffff;
	[tilespmem:s6+$0x4230] =	vst v24  }
0x1ff: {  	v24 =	vadd.s32 s12, v4;
	[tilespmem:s5+$0x90] =	vst v30;
	v30 =	vld.idx.msk [tilespmem:v20+s18+$0x0], $0xffff  }
0x200: {  	v34 =	vld.idx.msk [tilespmem:v34+s18+$0x0], $0xffff;
	[tilespmem:s5+$0xA0] =	vst v31;
	v31 =	vadd.s32 s7, v4  }
0x201: {  	v23 =	vadd.s32 s17, v4;
	v32 =	vld.idx.msk [tilespmem:v32+s18+$0x0], $0xffff;
	[tilespmem:s5+$0x50] =	vst v19;
	v19 =	vadd.s32 s0, v15  }
0x202: {  	v39 =	vadd.s32 s31, v16;
	v38 =	vadd.s32 s13, v4;
	s31 =	smov.u32 s7;
	v25 =	vld.idx.msk [tilespmem:v25+s18+$0x0], $0xffff;
	[tilespmem:s6+$0x41F0] =	vst v27  }
0x203: {  	v27 =	vadd.s32 s14, v4;
	[tilespmem:s5+$0xE0] =	vst v28;
	v28 =	vld.idx.msk [tilespmem:v37+s18+$0x0], $0xffff  }
0x204: {  	v37 =	vadd.s32 s30, v14;
	[tilespmem:s5+$0xC0] =	vst v26;
	v26 =	vld.idx.msk [tilespmem:v29+s18+$0x0], $0xffff;
	v29 =	vadd.s32 s22, v4  }
0x205: {  	v20 =	vadd.s32 s1, v5;
	v35 =	vld.idx.msk [tilespmem:v35+s18+$0x0], $0xffff;
	[tilespmem:s6+$0x42B0] =	vst v30  }
0x206: {  	v30 =	vadd.s32 s12, v5;
	[tilespmem:s6+$0x4380] =	vst v33;
	v33 =	vld.idx.msk [tilespmem:v19+s18+$0x0], $0xffff  }
0x207: {  	v19 =	vadd.s32 s9, v3;
	[tilespmem:s5+$0x110] =	vst v34;
	v34 =	vadd.s32 s31, v5;
	v39 =	vld.idx.msk [tilespmem:v39+s18+$0x0], $0xffff  }
0x208: {  	v40 =	vld.idx.msk [tilespmem:v24+s18+$0x0], $0xffff;
	v24 =	vadd.s32 s17, v5;
	[tilespmem:s5+$0xD0] =	vst v25;
	v25 =	vadd.s32 s0, v16;
	s0 =	smov.u32 s17  }
0x209: {  	v41 =	vadd.s32 s13, v5;
	v36 =	vld.idx.msk [tilespmem:v36+s18+$0x0], $0xffff;
	[tilespmem:s6+$0x4270] =	vst v28  }
0x20a: {  	v28 =	vadd.s32 s14, v5;
	[tilespmem:s5+$0x160] =	vst v26;
	v26 =	vld.idx.msk [tilespmem:v37+s18+$0x0], $0xffff  }
0x20b: {  	v37 =	vadd.s32 s30, v15;
	[tilespmem:s5+$0x140] =	vst v35;
	v29 =	vld.idx.msk [tilespmem:v29+s18+$0x0], $0xffff;
	v35 =	vadd.s32 s22, v5  }
0x20c: {  	v38 =	vld.idx.msk [tilespmem:v38+s18+$0x0], $0xffff;
	[tilespmem:s6+$0x4330] =	vst v33  }
0x20d: {  	[tilespmem:s5+$0x120] =	vst v32;
	v25 =	vld.idx.msk [tilespmem:v25+s18+$0x0], $0xffff  }
0x20e: {  	[tilespmem:s5+$0x190] =	vst v40;
	v31 =	vld.idx.msk [tilespmem:v31+s18+$0x0], $0xffff  }
0x20f: {  	v30 =	vld.idx.msk [tilespmem:v30+s18+$0x0], $0xffff;
	[tilespmem:s5+$0x150] =	vst v36  }
0x210: {  	v27 =	vld.idx.msk [tilespmem:v27+s18+$0x0], $0xffff;
	[tilespmem:s6+$0x42F0] =	vst v26  }
0x211: {  	[tilespmem:s5+$0x1E0] =	vst v29;
	v26 =	vld.idx.msk [tilespmem:v37+s18+$0x0], $0xffff  }
0x212: {  	v32 =	vadd.s32 s30, v16;
	s30 =	smov.u32 s9;
	[tilespmem:s5+$0x1C0] =	vst v38;
	v29 =	vld.idx.msk [tilespmem:v35+s18+$0x0], $0xffff  }
0x213: {  	v33 =	vld.idx.msk [tilespmem:v41+s18+$0x0], $0xffff;
	[tilespmem:s6+$0x43B0] =	vst v25  }
0x214: {  	v25 =	vadd.s32 s22, v6;
	[tilespmem:s5+$0x1A0] =	vst v31  }
0x215: {  	v31 =	vadd.s32 s13, v6;
	[tilespmem:s5+$0x210] =	vst v30;
	v30 =	vld.idx.msk [tilespmem:v34+s18+$0x0], $0xffff  }
0x216: {  	v34 =	vadd.s32 s12, v6;
	v21 =	vld.idx.msk [tilespmem:v21+s18+$0x0], $0xffff;
	[tilespmem:s5+$0x1D0] =	vst v27  }
0x217: {  	v27 =	vadd.s32 s31, v6;
	v28 =	vld.idx.msk [tilespmem:v28+s18+$0x0], $0xffff;
	[tilespmem:s6+$0x4370] =	vst v26  }
0x218: {  	[tilespmem:s5+$0x260] =	vst v29;
	v26 =	vld.idx.msk [tilespmem:v32+s18+$0x0], $0xffff  }
0x219: {  	v29 =	vadd.s32 s14, v6;
	[tilespmem:s5+$0x240] =	vst v33;
	v25 =	vld.idx.msk [tilespmem:v25+s18+$0x0], $0xffff  }
0x21a: {  	v31 =	vld.idx.msk [tilespmem:v31+s18+$0x0], $0xffff;
	[tilespmem:s6+$0x43A0] =	vst v39  }
0x21b: {  	v32 =	vld.idx.msk [tilespmem:v34+s18+$0x0], $0xffff;
	[tilespmem:s5+$0x220] =	vst v30;
	v30 =	vadd.s32 s22, v7  }
0x21c: {  	v27 =	vld.idx.msk [tilespmem:v27+s18+$0x0], $0xffff;
	[tilespmem:s5+$0xB0] =	vst v21;
	v21 =	vadd.s32 s13, v7  }
0x21d: {  	v33 =	vadd.s32 s12, v7;
	v22 =	vld.idx.msk [tilespmem:v22+s18+$0x0], $0xffff;
	[tilespmem:s5+$0x250] =	vst v28  }
0x21e: {  	v28 =	vadd.s32 s31, v7;
	v29 =	vld.idx.msk [tilespmem:v29+s18+$0x0], $0xffff;
	[tilespmem:s6+$0x43F0] =	vst v26;
	s6 =	smov.u32 s5  }
0x21f: {  	v17 =	vld.idx.msk [tilespmem:v17+s18+$0x0], $0xffff;
	[tilespmem:s5+$0x2E0] =	vst v25  }
0x220: {  	v25 =	vadd.s32 s14, v7;
	[tilespmem:s5+$0x2C0] =	vst v31;
	v26 =	vld.idx.msk [tilespmem:v30+s18+$0x0], $0xffff  }
0x221: {  	[tilespmem:s5+$0x290] =	vst v32;
	v21 =	vld.idx.msk [tilespmem:v21+s18+$0x0], $0xffff  }
0x222: {  	v30 =	vld.idx.msk [tilespmem:v33+s18+$0x0], $0xffff;
	[tilespmem:s5+$0x2A0] =	vst v27;
	v27 =	vadd.s32 s22, v8  }
0x223: {  	v28 =	vld.idx.msk [tilespmem:v28+s18+$0x0], $0xffff;
	[tilespmem:s5+$0x130] =	vst v22;
	v22 =	vadd.s32 s13, v8  }
0x224: {  	v31 =	vadd.s32 s12, v8;
	v23 =	vld.idx.msk [tilespmem:v23+s18+$0x0], $0xffff;
	[tilespmem:s5+$0x2D0] =	vst v29  }
0x225: {  	[tilespmem:s5+$0x100] =	vst v17;
	v17 =	vadd.s32 s31, v8;
	v25 =	vld.idx.msk [tilespmem:v25+s18+$0x0], $0xffff  }
0x226: {  	v18 =	vld.idx.msk [tilespmem:v18+s18+$0x0], $0xffff;
	[tilespmem:s5+$0x360] =	vst v26  }
0x227: {  	[tilespmem:s5+$0x340] =	vst v21;
	v21 =	vadd.s32 s14, v8;
	v26 =	vld.idx.msk [tilespmem:v27+s18+$0x0], $0xffff  }
0x228: {  	[tilespmem:s5+$0x310] =	vst v30;
	v22 =	vld.idx.msk [tilespmem:v22+s18+$0x0], $0xffff  }
0x229: {  	v27 =	vld.idx.msk [tilespmem:v31+s18+$0x0], $0xffff;
	[tilespmem:s5+$0x320] =	vst v28;
	v28 =	vadd.s32 s22, v9  }
0x22a: {  	v29 =	vld.idx.msk [tilespmem:v17+s18+$0x0], $0xffff;
	[tilespmem:s5+$0x1B0] =	vst v23;
	v23 =	vadd.s32 s13, v9  }
0x22b: {  	v30 =	vadd.s32 s12, v9;
	v17 =	vadd.s32 s9, v8;
	v24 =	vld.idx.msk [tilespmem:v24+s18+$0x0], $0xffff;
	[tilespmem:s5+$0x350] =	vst v25  }
0x22c: {  	[tilespmem:s5+$0x180] =	vst v18;
	v18 =	vadd.s32 s31, v9;
	v21 =	vld.idx.msk [tilespmem:v21+s18+$0x0], $0xffff  }
0x22d: {  	v25 =	vadd.s32 s0, v6;
	v20 =	vld.idx.msk [tilespmem:v20+s18+$0x0], $0xffff;
	[tilespmem:s5+$0x3E0] =	vst v26  }
0x22e: {  	v26 =	vadd.s32 s9, v2;
	[tilespmem:s5+$0x3C0] =	vst v22;
	v22 =	vld.idx.msk [tilespmem:v28+s18+$0x0], $0xffff  }
0x22f: {  	[tilespmem:s5+$0x390] =	vst v27;
	v23 =	vld.idx.msk [tilespmem:v23+s18+$0x0], $0xffff;
	v27 =	vadd.s32 s14, v9  }
0x230: {  	v28 =	vld.idx.msk [tilespmem:v30+s18+$0x0], $0xffff;
	[tilespmem:s5+$0x3A0] =	vst v29;
	v29 =	vadd.s32 s22, v10  }
0x231: {  	v30 =	vld.idx.msk [tilespmem:v18+s18+$0x0], $0xffff;
	[tilespmem:s5+$0x230] =	vst v24;
	v24 =	vadd.s32 s13, v10  }
0x232: {  	v31 =	vadd.s32 s12, v10;
	v18 =	vadd.s32 s9, v9;
	v25 =	vld.idx.msk [tilespmem:v25+s18+$0x0], $0xffff;
	[tilespmem:s5+$0x3D0] =	vst v21  }
0x233: {  	[tilespmem:s5+$0x200] =	vst v20;
	v20 =	vadd.s32 s31, v10;
	v21 =	vld.idx.msk [tilespmem:v26+s18+$0x0], $0xffff  }
0x234: {  	v26 =	vadd.s32 s1, v6;
	v27 =	vld.idx.msk [tilespmem:v27+s18+$0x0], $0xffff;
	[tilespmem:s5+$0x4060] =	vst v22  }
0x235: {  	v22 =	vadd.s32 s0, v7;
	[tilespmem:s5+$0x4040] =	vst v23;
	v23 =	vld.idx.msk [tilespmem:v29+s18+$0x0], $0xffff  }
0x236: {  	[tilespmem:s5+$0x4010] =	vst v28;
	v24 =	vld.idx.msk [tilespmem:v24+s18+$0x0], $0xffff  }
0x237: {  	v29 =	vadd.s32 s22, v11;
	v28 =	vld.idx.msk [tilespmem:v31+s18+$0x0], $0xffff;
	[tilespmem:s5+$0x4020] =	vst v30  }
0x238: {  	v30 =	vld.idx.msk [tilespmem:v20+s18+$0x0], $0xffff;
	[tilespmem:s5+$0x2B0] =	vst v25;
	v25 =	vadd.s32 s14, v10  }
0x239: {  	v31 =	vadd.s32 s12, v11;
	v20 =	vadd.s32 s9, v10;
	v26 =	vld.idx.msk [tilespmem:v26+s18+$0x0], $0xffff;
	[tilespmem:s5+$0xF0] =	vst v21  }
0x23a: {  	v21 =	vadd.s32 s31, v11;
	v22 =	vld.idx.msk [tilespmem:v22+s18+$0x0], $0xffff;
	[tilespmem:s5+$0x4050] =	vst v27  }
0x23b: {  	v27 =	vadd.s32 s1, v7;
	[tilespmem:s5+$0x40E0] =	vst v23;
	v19 =	vld.idx.msk [tilespmem:v19+s18+$0x0], $0xffff  }
0x23c: {  	v23 =	vadd.s32 s13, v11;
	[tilespmem:s5+$0x40C0] =	vst v24;
	v24 =	vld.idx.msk [tilespmem:v29+s18+$0x0], $0xffff  }
0x23d: {  	[tilespmem:s5+$0x4090] =	vst v28;
	v25 =	vld.idx.msk [tilespmem:v25+s18+$0x0], $0xffff;
	v28 =	vadd.s32 s9, v4  }
0x23e: {  	v29 =	vld.idx.msk [tilespmem:v31+s18+$0x0], $0xffff;
	[tilespmem:s5+$0x40A0] =	vst v30;
	v30 =	vadd.s32 s22, v12  }
0x23f: {  	[tilespmem:s5+$0x280] =	vst v26;
	v21 =	vld.idx.msk [tilespmem:v21+s18+$0x0], $0xffff;
	v26 =	vadd.s32 s14, v11  }
0x240: {  	v31 =	vadd.s32 s12, v12;
	v27 =	vld.idx.msk [tilespmem:v27+s18+$0x0], $0xffff;
	[tilespmem:s5+$0x330] =	vst v22  }
0x241: {  	v22 =	vadd.s32 s0, v8;
	v23 =	vld.idx.msk [tilespmem:v23+s18+$0x0], $0xffff;
	[tilespmem:s5+$0x170] =	vst v19  }
0x242: {  	v19 =	vadd.s32 s31, v12;
	[tilespmem:s5+$0x4160] =	vst v24;
	v24 =	vld.idx.msk [tilespmem:v28+s18+$0x0], $0xffff  }
0x243: {  	v28 =	vadd.s32 s1, v8;
	[tilespmem:s5+$0x40D0] =	vst v25;
	v25 =	vld.idx.msk [tilespmem:v30+s18+$0x0], $0xffff  }
0x244: {  	[tilespmem:s5+$0x4110] =	vst v29;
	v26 =	vld.idx.msk [tilespmem:v26+s18+$0x0], $0xffff;
	v29 =	vadd.s32 s9, v5  }
0x245: {  	v30 =	vld.idx.msk [tilespmem:v31+s18+$0x0], $0xffff;
	[tilespmem:s5+$0x4120] =	vst v21;
	v21 =	vadd.s32 s22, v13  }
0x246: {  	v31 =	vadd.s32 s14, v12;
	v22 =	vld.idx.msk [tilespmem:v22+s18+$0x0], $0xffff  }
0x247: {  	[tilespmem:s5+$0x300] =	vst v27;
	v27 =	vadd.s32 s12, v13;
	v19 =	vld.idx.msk [tilespmem:v19+s18+$0x0], $0xffff  }
0x248: {  	v32 =	vadd.s32 s13, v12;
	v28 =	vld.idx.msk [tilespmem:v28+s18+$0x0], $0xffff;
	[tilespmem:s5+$0x1F0] =	vst v24  }
0x249: {  	v24 =	vadd.s32 s31, v13;
	[tilespmem:s5+$0x41E0] =	vst v25;
	v25 =	vld.idx.msk [tilespmem:v29+s18+$0x0], $0xffff  }
0x24a: {  	v29 =	vadd.s32 s1, v9;
	[tilespmem:s5+$0x4150] =	vst v26;
	v21 =	vld.idx.msk [tilespmem:v21+s18+$0x0], $0xffff  }
0x24b: {  	[tilespmem:s5+$0x4190] =	vst v30;
	v26 =	vld.idx.msk [tilespmem:v31+s18+$0x0], $0xffff;
	v30 =	vadd.s32 s9, v6  }
0x24c: {  	v27 =	vld.idx.msk [tilespmem:v27+s18+$0x0], $0xffff;
	[tilespmem:s5+$0x4140] =	vst v23;
	v23 =	vadd.s32 s22, v14  }
0x24d: {  	v31 =	vadd.s32 s14, v13;
	[tilespmem:s5+$0x41A0] =	vst v19;
	v19 =	vld.idx.msk [tilespmem:v32+s18+$0x0], $0xffff  }
0x24e: {  	[tilespmem:s5+$0x380] =	vst v28;
	v24 =	vld.idx.msk [tilespmem:v24+s18+$0x0], $0xffff;
	v28 =	vadd.s32 s0, v9  }
0x24f: {  	v32 =	vadd.s32 s13, v13;
	v29 =	vld.idx.msk [tilespmem:v29+s18+$0x0], $0xffff;
	[tilespmem:s5+$0x270] =	vst v25  }
0x250: {  	v25 =	vadd.s32 s31, v14;
	[tilespmem:s5+$0x4260] =	vst v21;
	v21 =	vld.idx.msk [tilespmem:v30+s18+$0x0], $0xffff  }
0x251: {  	v30 =	vadd.s32 s1, v10;
	[tilespmem:s5+$0x41D0] =	vst v26;
	v23 =	vld.idx.msk [tilespmem:v23+s18+$0x0], $0xffff  }
0x252: {  	v26 =	vadd.s32 s9, v7;
	[tilespmem:s5+$0x3B0] =	vst v22;
	v22 =	vld.idx.msk [tilespmem:v31+s18+$0x0], $0xffff  }
0x253: {  	v28 =	vld.idx.msk [tilespmem:v28+s18+$0x0], $0xffff;
	[tilespmem:s5+$0x41C0] =	vst v19;
	v19 =	vadd.s32 s22, v15  }
0x254: {  	v31 =	vadd.s32 s14, v14;
	[tilespmem:s5+$0x4220] =	vst v24;
	v24 =	vld.idx.msk [tilespmem:v32+s18+$0x0], $0xffff  }
0x255: {  	[tilespmem:s5+$0x4000] =	vst v29;
	v25 =	vld.idx.msk [tilespmem:v25+s18+$0x0], $0xffff;
	v29 =	vadd.s32 s0, v10  }
0x256: {  	v32 =	vadd.s32 s13, v14;
	v30 =	vld.idx.msk [tilespmem:v30+s18+$0x0], $0xffff;
	[tilespmem:s5+$0x2F0] =	vst v21  }
0x257: {  	v21 =	vadd.s32 s12, v14;
	[tilespmem:s5+$0x42E0] =	vst v23;
	v23 =	vld.idx.msk [tilespmem:v26+s18+$0x0], $0xffff  }
0x258: {  	v26 =	vadd.s32 s1, v11;
	[tilespmem:s5+$0x4250] =	vst v22;
	v19 =	vld.idx.msk [tilespmem:v19+s18+$0x0], $0xffff  }
0x259: {  	[tilespmem:s5+$0x4030] =	vst v28;
	v22 =	vld.idx.msk [tilespmem:v31+s18+$0x0], $0xffff  }
0x25a: {  	v28 =	vld.idx.msk [tilespmem:v29+s18+$0x0], $0xffff;
	[tilespmem:s5+$0x4240] =	vst v24;
	v24 =	vadd.s32 s22, v16  }
0x25b: {  	v29 =	vadd.s32 s14, v15;
	[tilespmem:s5+$0x4210] =	vst v27;
	v27 =	vld.idx.msk [tilespmem:v32+s18+$0x0], $0xffff  }
0x25c: {  	[tilespmem:s5+$0x4080] =	vst v30;
	v21 =	vld.idx.msk [tilespmem:v21+s18+$0x0], $0xffff;
	v30 =	vadd.s32 s0, v11  }
0x25d: {  	v31 =	vadd.s32 s13, v15;
	v26 =	vld.idx.msk [tilespmem:v26+s18+$0x0], $0xffff;
	[tilespmem:s5+$0x370] =	vst v23  }
0x25e: {  	v23 =	vadd.s32 s12, v15;
	[tilespmem:s5+$0x4360] =	vst v19;
	v17 =	vld.idx.msk [tilespmem:v17+s18+$0x0], $0xffff  }
0x25f: {  	v19 =	vadd.s32 s1, v12;
	[tilespmem:s5+$0x42D0] =	vst v22;
	v22 =	vld.idx.msk [tilespmem:v24+s18+$0x0], $0xffff  }
0x260: {  	[tilespmem:s5+$0x40B0] =	vst v28;
	v24 =	vld.idx.msk [tilespmem:v29+s18+$0x0], $0xffff  }
0x261: {  	v28 =	vld.idx.msk [tilespmem:v30+s18+$0x0], $0xffff;
	[tilespmem:s5+$0x42C0] =	vst v27  }
0x262: {  	v27 =	vadd.s32 s14, v16;
	[tilespmem:s5+$0x4290] =	vst v21;
	v21 =	vld.idx.msk [tilespmem:v31+s18+$0x0], $0xffff  }
0x263: {  	[tilespmem:s5+$0x4100] =	vst v26;
	v23 =	vld.idx.msk [tilespmem:v23+s18+$0x0], $0xffff;
	v26 =	vadd.s32 s0, v12  }
0x264: {  	v29 =	vld.idx.msk [tilespmem:v19+s18+$0x0], $0xffff;
	v19 =	vadd.s32 s13, v16;
	[tilespmem:s5+$0x3F0] =	vst v17  }
0x265: {  	v17 =	vadd.s32 s12, v16;
	[tilespmem:s5+$0x43E0] =	vst v22;
	v22 =	vld.idx.msk [tilespmem:v18+s18+$0x0], $0xffff  }
0x266: {  	v30 =	vadd.s32 s1, v13;
	[tilespmem:s5+$0x4350] =	vst v24  }
0x267: {  	[tilespmem:s5+$0x4130] =	vst v28;
	v24 =	vld.idx.msk [tilespmem:v27+s18+$0x0], $0xffff  }
0x268: {  	v27 =	vadd.s32 s31, v15;
	v18 =	vld.idx.msk [tilespmem:v26+s18+$0x0], $0xffff;
	[tilespmem:s5+$0x4340] =	vst v21  }
.Ltmp2:
0x269: {  	[tilespmem:s5+$0x4310] =	vst v23;
	v19 =	vld.idx.msk [tilespmem:v19+s18+$0x0], $0xffff;
	(pc) =	sbr.rel @p1 .LBB2_7-.Ltmp2, $4  }
0x26a: {  	[tilespmem:s5+$0x4180] =	vst v29;
	v17 =	vld.idx.msk [tilespmem:v17+s18+$0x0], $0xffff  }
0x26b: {  	v21 =	vld.idx.msk [tilespmem:v30+s18+$0x0], $0xffff;
	[tilespmem:s5+$0x4070] =	vst v22  }
0x26c: {  	[tilespmem:s5+$0x42A0] =	vst v25;
	v23 =	vld.idx.msk [tilespmem:v20+s18+$0x0], $0xffff  }
0x26d: {  	s9 =	sadd.s32 $0x80, s9;
	v22 =	vadd.s32 s1, v14;
	v20 =	vld.idx.msk [tilespmem:v27+s18+$0x0], $0xffff;
	[tilespmem:s5+$0x43D0] =	vst v24  }
0x26e: {  	v24 =	vadd.s32 s30, v11;
	_ =	sdelay $0x3  }
0x26f: {  	[tilespmem:s6+$0x40F0] =	vst v23  }
0x270: {  	v23 =	vld.idx.msk [tilespmem:v24+s18+$0x0], $0xffff  }
0x271: {  	v63 =	vadd.s32 s30, v12;
	_ =	sdelay $0x3  }
0x272: {  	v25 =	vadd.s32 s0, v13;
	[tilespmem:s6+$0x4170] =	vst v23  }
0x273: {  	v23 =	vld.idx.msk [tilespmem:v63+s18+$0x0], $0xffff  }
0x274: {  	v28 =	vadd.s32 s30, v13;
	_ =	sdelay $0x1  }
0x275: {  	[tilespmem:s6+$0x41B0] =	vst v18  }
0x276: {  	v18 =	vld.idx.msk [tilespmem:v25+s18+$0x0], $0xffff  }
0x277: {  	v29 =	vadd.s32 s0, v14;
	[tilespmem:s6+$0x41F0] =	vst v23  }
0x278: {  	v23 =	vld.idx.msk [tilespmem:v28+s18+$0x0], $0xffff  }
0x279: {  	v30 =	vadd.s32 s30, v14  }
0x27a: {  	[tilespmem:s6+$0x4200] =	vst v21  }
0x27b: {  	v21 =	vld.idx.msk [tilespmem:v22+s18+$0x0], $0xffff;
	[tilespmem:s6+$0x4230] =	vst v18  }
0x27c: {  	v18 =	vadd.s32 s1, v15;
	v22 =	vld.idx.msk [tilespmem:v29+s18+$0x0], $0xffff  }
0x27d: {  	v31 =	vadd.s32 s0, v15;
	[tilespmem:s6+$0x4270] =	vst v23  }
0x27e: {  	v23 =	vld.idx.msk [tilespmem:v30+s18+$0x0], $0xffff  }
0x27f: {  	v32 =	vadd.s32 s30, v15  }
0x280: {  	[tilespmem:s6+$0x4280] =	vst v21  }
0x281: {  	v18 =	vld.idx.msk [tilespmem:v18+s18+$0x0], $0xffff;
	[tilespmem:s6+$0x42B0] =	vst v22  }
0x282: {  	v21 =	vadd.s32 s1, v16;
	v22 =	vld.idx.msk [tilespmem:v31+s18+$0x0], $0xffff  }
0x283: {  	v33 =	vadd.s32 s0, v16;
	[tilespmem:s6+$0x42F0] =	vst v23  }
0x284: {  	v23 =	vadd.s32 s31, v16;
	v24 =	vld.idx.msk [tilespmem:v32+s18+$0x0], $0xffff  }
0x285: {  	v26 =	vadd.s32 s30, v16  }
0x286: {  	[tilespmem:s6+$0x4300] =	vst v18  }
0x287: {  	v18 =	vld.idx.msk [tilespmem:v21+s18+$0x0], $0xffff;
	[tilespmem:s6+$0x4330] =	vst v22  }
0x288: {  	[tilespmem:s6+$0x4320] =	vst v20;
	v20 =	vld.idx.msk [tilespmem:v33+s18+$0x0], $0xffff  }
0x289: {  	v21 =	vld.idx.msk [tilespmem:v23+s18+$0x0], $0xffff;
	[tilespmem:s6+$0x4370] =	vst v24  }
0x28a: {  	[tilespmem:s6+$0x43C0] =	vst v19;
	v19 =	vld.idx.msk [tilespmem:v26+s18+$0x0], $0xffff  }
0x28b: {  	[tilespmem:s6+$0x4390] =	vst v17  }
0x28c: {  	[tilespmem:s6+$0x4380] =	vst v18  }
0x28d: {  	s22 =	sadd.s32 s10, s28;
	[tilespmem:s6+$0x43B0] =	vst v20  }
0x28e: {  	s0 =	sshll.u32 s22, $0x8;
	[tilespmem:s6+$0x43A0] =	vst v21  }
0x28f: {  	s9 =	sadd.s32 $0xFFFFFFF0, s26;
	s30 =	sadd.s32 $0xFFFFFFD0, s26;
	s0 =	sadd.s32 s2, s0;
	[tilespmem:s6+$0x43F0] =	vst v19  }
0x290: {  	v17 =	vadd.s32 s9, v1;
	[hbm4b:s0+s3] =	stream.linear.scatter [tilespmem:s20], [sflag:$0x2], $0x8000, $0x38;
	[tilespmem:$0x1B100] =	vst v63  }
0x291: {  	s23 =	sadd.s32 $0xFFFFFFA0, s26;
	v18 =	vadd.s32 s30, v1;
	s0 =	simm.s32 @!p0 $0x3  }
0x292: {  	s31 =	sadd.s32 $0xFFFFFFB0, s26;
	v19 =	vadd.s32 s23, v1;
	_ =	swait.ge @!p0 [sflag:s0], $0x8000  }
0x293: {  	s8 =	sadd.s32 $0xFFFFFFE0, s26;
	v20 =	vadd.s32 s31, v1;
	[sflag:s0] =	ssyncset.done @!p0 $0x0  }
0x294: {  	v22 =	vadd.s32 s8, v1;
	[sflag:s0] =	ssyncadd.s32 @!p0 $0xFFFF8000  }
0x295: {  	v21 =	vadd.s32 s26, v1;
	v17 =	vld.idx.msk [tilespmem:v17+s18+$0x0], $0xffff  }
0x296: {  	v23 =	vadd.s32 s9, v2;
	v18 =	vld.idx.msk [tilespmem:v18+s18+$0x0], $0xffff  }
0x297: {  	v34 =	vadd.s32 s30, v2;
	v19 =	vld.idx.msk [tilespmem:v19+s18+$0x0], $0xffff  }
0x298: {  	v35 =	vadd.s32 s23, v2;
	v20 =	vld.idx.msk [tilespmem:v20+s18+$0x0], $0xffff  }
0x299: {  	s5 =	simm.s32 $0x13100;
	s1 =	sadd.s32 $0xFFFFFF90, s26;
	v36 =	vadd.s32 s31, v2;
	v22 =	vld.idx.msk [tilespmem:v22+s18+$0x0], $0xffff  }
0x29a: {  	v27 =	vadd.s32 s1, v1;
	v21 =	vld.idx.msk [tilespmem:v21+s18+$0x0], $0xffff;
	[tilespmem:s5+$0x60] =	vst v17  }
0x29b: {  	v17 =	vadd.s32 s8, v2;
	[tilespmem:s5+$0x40] =	vst v18;
	v18 =	vld.idx.msk [tilespmem:v23+s18+$0x0], $0xffff  }
0x29c: {  	[tilespmem:s5+$0x10] =	vst v19;
	v19 =	vadd.s32 s9, v3;
	v23 =	vld.idx.msk [tilespmem:v34+s18+$0x0], $0xffff  }
0x29d: {  	v37 =	vadd.s32 s30, v3;
	[tilespmem:s5+$0x20] =	vst v20;
	v20 =	vld.idx.msk [tilespmem:v35+s18+$0x0], $0xffff  }
0x29e: {  	v38 =	vadd.s32 s23, v3;
	[tilespmem:s5+$0x50] =	vst v22;
	v26 =	vld.idx.msk [tilespmem:v36+s18+$0x0], $0xffff  }
0x29f: {  	v28 =	vadd.s32 s31, v3;
	s0 =	sadd.s32 $0xFFFFFFC0, s26;
	v27 =	vld.idx.msk [tilespmem:v27+s18+$0x0], $0xffff;
	[tilespmem:s5+$0x70] =	vst v21  }
0x2a0: {  	v22 =	vadd.s32 s0, v1;
	v17 =	vld.idx.msk [tilespmem:v17+s18+$0x0], $0xffff;
	[tilespmem:s5+$0xE0] =	vst v18  }
0x2a1: {  	v18 =	vadd.s32 s8, v3;
	[tilespmem:s5+$0xC0] =	vst v23;
	v19 =	vld.idx.msk [tilespmem:v19+s18+$0x0], $0xffff  }
0x2a2: {  	[tilespmem:s5+$0x90] =	vst v20;
	v20 =	vadd.s32 s9, v4;
	v23 =	vld.idx.msk [tilespmem:v37+s18+$0x0], $0xffff  }
0x2a3: {  	v40 =	vadd.s32 s30, v4;
	[tilespmem:s5+$0xA0] =	vst v26;
	v39 =	vld.idx.msk [tilespmem:v38+s18+$0x0], $0xffff  }
0x2a4: {  	v21 =	vadd.s32 s23, v4;
	[tilespmem:s5+$0x0] =	vst v27;
	v26 =	vld.idx.msk [tilespmem:v28+s18+$0x0], $0xffff  }
0x2a5: {  	v41 =	vadd.s32 s31, v4;
	v22 =	vld.idx.msk [tilespmem:v22+s18+$0x0], $0xffff;
	[tilespmem:s5+$0xD0] =	vst v17  }
0x2a6: {  	v17 =	vadd.s32 s1, v2;
	v18 =	vld.idx.msk [tilespmem:v18+s18+$0x0], $0xffff;
	[tilespmem:s5+$0x160] =	vst v19  }
0x2a7: {  	v19 =	vadd.s32 s8, v4;
	[tilespmem:s5+$0x140] =	vst v23;
	v20 =	vld.idx.msk [tilespmem:v20+s18+$0x0], $0xffff  }
0x2a8: {  	[tilespmem:s5+$0x110] =	vst v39;
	v23 =	vadd.s32 s9, v5;
	v42 =	vld.idx.msk [tilespmem:v40+s18+$0x0], $0xffff  }
0x2a9: {  	v43 =	vadd.s32 s30, v5;
	[tilespmem:s5+$0x120] =	vst v26;
	v21 =	vld.idx.msk [tilespmem:v21+s18+$0x0], $0xffff  }
0x2aa: {  	v44 =	vadd.s32 s23, v5;
	[tilespmem:s5+$0x30] =	vst v22;
	v45 =	vld.idx.msk [tilespmem:v41+s18+$0x0], $0xffff  }
0x2ab: {  	v46 =	vadd.s32 s31, v5;
	v17 =	vld.idx.msk [tilespmem:v17+s18+$0x0], $0xffff;
	[tilespmem:s5+$0x150] =	vst v18  }
0x2ac: {  	v18 =	vadd.s32 s0, v2;
	v19 =	vld.idx.msk [tilespmem:v19+s18+$0x0], $0xffff;
	[tilespmem:s5+$0x1E0] =	vst v20  }
0x2ad: {  	v52 =	vadd.s32 s1, v3;
	[tilespmem:s5+$0x1C0] =	vst v42;
	v23 =	vld.idx.msk [tilespmem:v23+s18+$0x0], $0xffff  }
0x2ae: {  	v20 =	vadd.s32 s8, v5;
	[tilespmem:s5+$0x190] =	vst v21;
	v21 =	vld.idx.msk [tilespmem:v43+s18+$0x0], $0xffff  }
0x2af: {  	v47 =	vadd.s32 s9, v6;
	[tilespmem:s5+$0x1A0] =	vst v45;
	v48 =	vld.idx.msk [tilespmem:v44+s18+$0x0], $0xffff  }
0x2b0: {  	v49 =	vadd.s32 s30, v6;
	v22 =	vld.idx.msk [tilespmem:v46+s18+$0x0], $0xffff;
	[tilespmem:s5+$0x80] =	vst v17  }
0x2b1: {  	v50 =	vadd.s32 s23, v6;
	v18 =	vld.idx.msk [tilespmem:v18+s18+$0x0], $0xffff;
	[tilespmem:s5+$0x1D0] =	vst v19  }
0x2b2: {  	v24 =	vld.idx.msk [tilespmem:v52+s18+$0x0], $0xffff;
	v19 =	vadd.s32 s31, v6;
	[tilespmem:s5+$0x260] =	vst v23  }
0x2b3: {  	v51 =	vadd.s32 s0, v3;
	v20 =	vld.idx.msk [tilespmem:v20+s18+$0x0], $0xffff;
	[tilespmem:s5+$0x240] =	vst v21  }
0x2b4: {  	v56 =	vadd.s32 s1, v4;
	[tilespmem:s5+$0x210] =	vst v48;
	v23 =	vld.idx.msk [tilespmem:v47+s18+$0x0], $0xffff  }
0x2b5: {  	v21 =	vadd.s32 s8, v6;
	[tilespmem:s5+$0x220] =	vst v22;
	v53 =	vld.idx.msk [tilespmem:v49+s18+$0x0], $0xffff  }
0x2b6: {  	v22 =	vadd.s32 s9, v7;
	v54 =	vld.idx.msk [tilespmem:v50+s18+$0x0], $0xffff;
	[tilespmem:s5+$0xB0] =	vst v18  }
0x2b7: {  	v18 =	vadd.s32 s30, v7;
	[tilespmem:s5+$0x100] =	vst v24;
	v19 =	vld.idx.msk [tilespmem:v19+s18+$0x0], $0xffff  }
0x2b8: {  	v55 =	vadd.s32 s23, v7;
	v28 =	vld.idx.msk [tilespmem:v51+s18+$0x0], $0xffff;
	[tilespmem:s5+$0x250] =	vst v20  }
0x2b9: {  	v17 =	vadd.s32 s31, v7;
	v25 =	vld.idx.msk [tilespmem:v56+s18+$0x0], $0xffff;
	[tilespmem:s5+$0x2E0] =	vst v23  }
0x2ba: {  	v20 =	vld.idx.msk [tilespmem:v21+s18+$0x0], $0xffff;
	v21 =	vadd.s32 s0, v4;
	[tilespmem:s5+$0x2C0] =	vst v53  }
0x2bb: {  	v23 =	vadd.s32 s8, v7;
	[tilespmem:s5+$0x290] =	vst v54;
	v22 =	vld.idx.msk [tilespmem:v22+s18+$0x0], $0xffff  }
0x2bc: {  	v18 =	vld.idx.msk [tilespmem:v18+s18+$0x0], $0xffff;
	[tilespmem:s5+$0x2A0] =	vst v19;
	v19 =	vadd.s32 s9, v8  }
0x2bd: {  	v57 =	vadd.s32 s30, v8;
	v26 =	vld.idx.msk [tilespmem:v55+s18+$0x0], $0xffff;
	[tilespmem:s5+$0x130] =	vst v28  }
0x2be: {  	v58 =	vadd.s32 s23, v8;
	[tilespmem:s5+$0x180] =	vst v25;
	v17 =	vld.idx.msk [tilespmem:v17+s18+$0x0], $0xffff  }
0x2bf: {  	v21 =	vld.idx.msk [tilespmem:v21+s18+$0x0], $0xffff;
	[tilespmem:s5+$0x2D0] =	vst v20;
	v20 =	vadd.s32 s31, v8  }
0x2c0: {  	v59 =	vadd.s32 s0, v5;
	v23 =	vld.idx.msk [tilespmem:v23+s18+$0x0], $0xffff;
	[tilespmem:s5+$0x360] =	vst v22  }
0x2c1: {  	[tilespmem:s5+$0x340] =	vst v18;
	v18 =	vadd.s32 s8, v8;
	v19 =	vld.idx.msk [tilespmem:v19+s18+$0x0], $0xffff  }
0x2c2: {  	v22 =	vadd.s32 s1, v5;
	[tilespmem:s5+$0x310] =	vst v26;
	v60 =	vld.idx.msk [tilespmem:v57+s18+$0x0], $0xffff  }
0x2c3: {  	v61 =	vld.idx.msk [tilespmem:v58+s18+$0x0], $0xffff;
	[tilespmem:s5+$0x320] =	vst v17;
	v17 =	vadd.s32 s9, v9  }
0x2c4: {  	v62 =	vadd.s32 s23, v9;
	v20 =	vld.idx.msk [tilespmem:v20+s18+$0x0], $0xffff;
	[tilespmem:s5+$0x1B0] =	vst v21  }
0x2c5: {  	v21 =	vadd.s32 s30, v9;
	v24 =	vld.idx.msk [tilespmem:v59+s18+$0x0], $0xffff;
	[tilespmem:s5+$0x350] =	vst v23  }
0x2c6: {  	v23 =	vadd.s32 s31, v9;
	v18 =	vld.idx.msk [tilespmem:v18+s18+$0x0], $0xffff;
	[tilespmem:s5+$0x3E0] =	vst v19  }
0x2c7: {  	v63 =	vadd.s32 s0, v6;
	v22 =	vld.idx.msk [tilespmem:v22+s18+$0x0], $0xffff;
	[tilespmem:s5+$0x3C0] =	vst v60  }
0x2c8: {  	v19 =	vadd.s32 s26, v2;
	[tilespmem:s5+$0x390] =	vst v61;
	v17 =	vld.idx.msk [tilespmem:v17+s18+$0x0], $0xffff  }
0x2c9: {  	v32 =	vadd.s32 s8, v9;
	v27 =	vld.idx.msk [tilespmem:v62+s18+$0x0], $0xffff;
	[tilespmem:s5+$0x3A0] =	vst v20  }
0x2ca: {  	v21 =	vld.idx.msk [tilespmem:v21+s18+$0x0], $0xffff;
	v20 =	vadd.s32 s9, v10;
	[tilespmem:s5+$0x230] =	vst v24  }
0x2cb: {  	v34 =	vadd.s32 s23, v10;
	v23 =	vld.idx.msk [tilespmem:v23+s18+$0x0], $0xffff;
	[tilespmem:s5+$0x3D0] =	vst v18  }
0x2cc: {  	v33 =	vadd.s32 s30, v10;
	v25 =	vld.idx.msk [tilespmem:v63+s18+$0x0], $0xffff;
	[tilespmem:s5+$0x200] =	vst v22  }
0x2cd: {  	v18 =	vadd.s32 s31, v10;
	v19 =	vld.idx.msk [tilespmem:v19+s18+$0x0], $0xffff;
	[tilespmem:s5+$0x4060] =	vst v17  }
0x2ce: {  	v22 =	vadd.s32 s1, v6;
	v26 =	vld.idx.msk [tilespmem:v32+s18+$0x0], $0xffff;
	[tilespmem:s5+$0x4010] =	vst v27  }
0x2cf: {  	v17 =	vadd.s32 s0, v7;
	[tilespmem:s5+$0x4040] =	vst v21;
	v20 =	vld.idx.msk [tilespmem:v20+s18+$0x0], $0xffff  }
0x2d0: {  	v35 =	vadd.s32 s8, v10;
	v27 =	vld.idx.msk [tilespmem:v34+s18+$0x0], $0xffff;
	[tilespmem:s5+$0x4020] =	vst v23  }
0x2d1: {  	v21 =	vadd.s32 s26, v3;
	v24 =	vld.idx.msk [tilespmem:v33+s18+$0x0], $0xffff;
	[tilespmem:s5+$0x2B0] =	vst v25  }
0x2d2: {  	v23 =	vadd.s32 s9, v11;
	v18 =	vld.idx.msk [tilespmem:v18+s18+$0x0], $0xffff;
	[tilespmem:s5+$0xF0] =	vst v19  }
0x2d3: {  	v36 =	vadd.s32 s23, v11;
	v22 =	vld.idx.msk [tilespmem:v22+s18+$0x0], $0xffff;
	[tilespmem:s5+$0x4050] =	vst v26  }
0x2d4: {  	v19 =	vadd.s32 s31, v11;
	v17 =	vld.idx.msk [tilespmem:v17+s18+$0x0], $0xffff;
	[tilespmem:s5+$0x40E0] =	vst v20  }
0x2d5: {  	v37 =	vadd.s32 s1, v7;
	v38 =	vld.idx.msk [tilespmem:v35+s18+$0x0], $0xffff;
	[tilespmem:s5+$0x4090] =	vst v27  }
0x2d6: {  	v20 =	vld.idx.msk [tilespmem:v21+s18+$0x0], $0xffff;
	v21 =	vadd.s32 s30, v11;
	[tilespmem:s5+$0x40C0] =	vst v24  }
0x2d7: {  	v39 =	vadd.s32 s26, v4;
	v23 =	vld.idx.msk [tilespmem:v23+s18+$0x0], $0xffff;
	[tilespmem:s5+$0x40A0] =	vst v18  }
0x2d8: {  	v27 =	vld.idx.msk [tilespmem:v36+s18+$0x0], $0xffff;
	v18 =	vadd.s32 s9, v12;
	[tilespmem:s5+$0x280] =	vst v22  }
0x2d9: {  	v22 =	vadd.s32 s8, v11;
	v19 =	vld.idx.msk [tilespmem:v19+s18+$0x0], $0xffff;
	[tilespmem:s5+$0x330] =	vst v17  }
0x2da: {  	v40 =	vadd.s32 s23, v12;
	v26 =	vld.idx.msk [tilespmem:v37+s18+$0x0], $0xffff;
	[tilespmem:s5+$0x40D0] =	vst v38  }
0x2db: {  	v17 =	vadd.s32 s0, v8;
	v21 =	vld.idx.msk [tilespmem:v21+s18+$0x0], $0xffff;
	[tilespmem:s5+$0x170] =	vst v20  }
0x2dc: {  	v20 =	vadd.s32 s31, v12;
	[tilespmem:s5+$0x4160] =	vst v23;
	v23 =	vld.idx.msk [tilespmem:v39+s18+$0x0], $0xffff  }
0x2dd: {  	v41 =	vadd.s32 s1, v8;
	[tilespmem:s5+$0x4110] =	vst v27;
	v18 =	vld.idx.msk [tilespmem:v18+s18+$0x0], $0xffff  }
0x2de: {  	v42 =	vadd.s32 s26, v5;
	v22 =	vld.idx.msk [tilespmem:v22+s18+$0x0], $0xffff;
	[tilespmem:s5+$0x4120] =	vst v19  }
0x2df: {  	v27 =	vld.idx.msk [tilespmem:v40+s18+$0x0], $0xffff;
	v19 =	vadd.s32 s9, v13;
	[tilespmem:s5+$0x300] =	vst v26  }
0x2e0: {  	v43 =	vadd.s32 s8, v12;
	v17 =	vld.idx.msk [tilespmem:v17+s18+$0x0], $0xffff;
	[tilespmem:s5+$0x4140] =	vst v21  }
0x2e1: {  	v44 =	vadd.s32 s23, v13;
	v20 =	vld.idx.msk [tilespmem:v20+s18+$0x0], $0xffff;
	[tilespmem:s5+$0x1F0] =	vst v23  }
0x2e2: {  	v45 =	vadd.s32 s30, v12;
	v23 =	vld.idx.msk [tilespmem:v41+s18+$0x0], $0xffff;
	[tilespmem:s5+$0x41E0] =	vst v18  }
0x2e3: {  	v18 =	vadd.s32 s31, v13;
	v24 =	vld.idx.msk [tilespmem:v42+s18+$0x0], $0xffff;
	[tilespmem:s5+$0x4150] =	vst v22  }
0x2e4: {  	v22 =	vadd.s32 s1, v9;
	[tilespmem:s5+$0x4190] =	vst v27;
	v19 =	vld.idx.msk [tilespmem:v19+s18+$0x0], $0xffff  }
0x2e5: {  	v47 =	vadd.s32 s26, v6;
	v46 =	vld.idx.msk [tilespmem:v43+s18+$0x0], $0xffff;
	[tilespmem:s5+$0x3B0] =	vst v17  }
0x2e6: {  	v48 =	vadd.s32 s9, v14;
	v21 =	vld.idx.msk [tilespmem:v44+s18+$0x0], $0xffff;
	[tilespmem:s5+$0x41A0] =	vst v20  }
0x2e7: {  	v49 =	vadd.s32 s8, v13;
	v20 =	vld.idx.msk [tilespmem:v45+s18+$0x0], $0xffff;
	[tilespmem:s5+$0x380] =	vst v23  }
0x2e8: {  	v23 =	vadd.s32 s0, v9;
	v18 =	vld.idx.msk [tilespmem:v18+s18+$0x0], $0xffff;
	[tilespmem:s5+$0x270] =	vst v24  }
0x2e9: {  	v50 =	vadd.s32 s30, v13;
	v22 =	vld.idx.msk [tilespmem:v22+s18+$0x0], $0xffff;
	[tilespmem:s5+$0x4260] =	vst v19  }
0x2ea: {  	v51 =	vadd.s32 s1, v10;
	v28 =	vld.idx.msk [tilespmem:v47+s18+$0x0], $0xffff;
	[tilespmem:s5+$0x41D0] =	vst v46  }
0x2eb: {  	v19 =	vadd.s32 s31, v14;
	[tilespmem:s5+$0x4210] =	vst v21;
	v26 =	vld.idx.msk [tilespmem:v48+s18+$0x0], $0xffff  }
0x2ec: {  	v52 =	vadd.s32 s26, v7;
	v17 =	vld.idx.msk [tilespmem:v49+s18+$0x0], $0xffff;
	[tilespmem:s5+$0x41C0] =	vst v20  }
0x2ed: {  	v53 =	vadd.s32 s8, v14;
	v20 =	vld.idx.msk [tilespmem:v23+s18+$0x0], $0xffff;
	[tilespmem:s5+$0x4220] =	vst v18  }
0x2ee: {  	v23 =	vadd.s32 s9, v15;
	v18 =	vld.idx.msk [tilespmem:v50+s18+$0x0], $0xffff;
	[tilespmem:s5+$0x4000] =	vst v22  }
0x2ef: {  	v55 =	vadd.s32 s23, v14;
	[tilespmem:s5+$0x2F0] =	vst v28;
	v27 =	vld.idx.msk [tilespmem:v51+s18+$0x0], $0xffff  }
0x2f0: {  	v22 =	vld.idx.msk [tilespmem:v19+s18+$0x0], $0xffff;
	v19 =	vadd.s32 s0, v10;
	[tilespmem:s5+$0x42E0] =	vst v26  }
0x2f1: {  	v54 =	vadd.s32 s30, v14;
	v25 =	vld.idx.msk [tilespmem:v52+s18+$0x0], $0xffff;
	[tilespmem:s5+$0x4250] =	vst v17  }
0x2f2: {  	v17 =	vadd.s32 s1, v11;
	v24 =	vld.idx.msk [tilespmem:v53+s18+$0x0], $0xffff;
	[tilespmem:s5+$0x4030] =	vst v20  }
0x2f3: {  	v23 =	vld.idx.msk [tilespmem:v23+s18+$0x0], $0xffff;
	v20 =	vadd.s32 s26, v8;
	[tilespmem:s5+$0x4240] =	vst v18  }
0x2f4: {  	v56 =	vadd.s32 s8, v15;
	v26 =	vld.idx.msk [tilespmem:v55+s18+$0x0], $0xffff;
	[tilespmem:s5+$0x4080] =	vst v27  }
0x2f5: {  	v18 =	vld.idx.msk [tilespmem:v19+s18+$0x0], $0xffff;
	v19 =	vadd.s32 s9, v16;
	[tilespmem:s5+$0x42A0] =	vst v22  }
0x2f6: {  	v57 =	vadd.s32 s0, v11;
	v21 =	vld.idx.msk [tilespmem:v54+s18+$0x0], $0xffff;
	[tilespmem:s5+$0x370] =	vst v25  }
0x2f7: {  	v58 =	vadd.s32 s30, v15;
	v17 =	vld.idx.msk [tilespmem:v17+s18+$0x0], $0xffff;
	[tilespmem:s5+$0x42D0] =	vst v24  }
0x2f8: {  	[tilespmem:s5+$0x4360] =	vst v23;
	v23 =	vadd.s32 s23, v15;
	v20 =	vld.idx.msk [tilespmem:v20+s18+$0x0], $0xffff  }
0x2f9: {  	v59 =	vadd.s32 s1, v12;
	[tilespmem:s5+$0x4290] =	vst v26;
	v28 =	vld.idx.msk [tilespmem:v56+s18+$0x0], $0xffff  }
0x2fa: {  	v60 =	vadd.s32 s8, v16;
	v19 =	vld.idx.msk [tilespmem:v19+s18+$0x0], $0xffff;
	[tilespmem:s5+$0x40B0] =	vst v18  }
0x2fb: {  	v18 =	vadd.s32 s26, v9;
	[tilespmem:s5+$0x42C0] =	vst v21;
	v21 =	vld.idx.msk [tilespmem:v57+s18+$0x0], $0xffff  }
0x2fc: {  	v25 =	vld.idx.msk [tilespmem:v58+s18+$0x0], $0xffff;
	[tilespmem:s5+$0x4100] =	vst v17;
	v17 =	vadd.s32 s0, v12  }
0x2fd: {  	v61 =	vadd.s32 s30, v16;
	v23 =	vld.idx.msk [tilespmem:v23+s18+$0x0], $0xffff;
	[tilespmem:s5+$0x3F0] =	vst v20  }
0x2fe: {  	v31 =	vadd.s32 s31, v15;
	v20 =	vld.idx.msk [tilespmem:v59+s18+$0x0], $0xffff;
	[tilespmem:s5+$0x4350] =	vst v28  }
0x2ff: {  	v62 =	vadd.s32 s23, v16;
	v26 =	vld.idx.msk [tilespmem:v60+s18+$0x0], $0xffff;
	[tilespmem:s5+$0x43E0] =	vst v19  }
0x300: {  	v30 =	vadd.s32 s1, v13;
	v29 =	vld.idx.msk [tilespmem:v18+s18+$0x0], $0xffff;
	[tilespmem:s5+$0x4130] =	vst v21  }
0x301: {  	v63 =	vadd.s32 s26, v10;
	[tilespmem:s5+$0x4340] =	vst v25;
	v18 =	vld.idx.msk [tilespmem:v17+s18+$0x0], $0xffff  }
0x302: {  	v19 =	vld.idx.msk [tilespmem:v61+s18+$0x0], $0xffff;
	[tilespmem:s5+$0x4310] =	vst v23  }
0x303: {  	[tilespmem:s5+$0x4180] =	vst v20;
	v20 =	vld.idx.msk [tilespmem:v31+s18+$0x0], $0xffff  }
0x304: {  	v17 =	vld.idx.msk [tilespmem:v62+s18+$0x0], $0xffff  }
0x305: {  	v21 =	vld.idx.msk [tilespmem:v30+s18+$0x0], $0xffff;
	[tilespmem:s5+$0x4070] =	vst v29  }
0x306: {  	s6 =	simm.s32 $0x13100;
	s8 =	simm.s32 $0x0;
	v22 =	vadd.s32 s1, v14;
	s9 =	sadd.s32 $0x80, s26;
	[tilespmem:s5+$0x43D0] =	vst v26;
	v23 =	vld.idx.msk [tilespmem:v63+s18+$0x0], $0xffff  }
.LBB2_9:
0x307: {  	s23 =	sadd.s32 $0xFFFFFF90, s9;
	v24 =	vadd.s32 s9, v1;
	s8 =	sadd.s32 $0x8, s8;
	s5 =	sadd.s32 $0x400, s5  }
0x308: {  	s12 =	sadd.s32 $0xFFFFFFA0, s9;
	v25 =	vadd.s32 s23, v1;
	p0 =	slt.u32 s8, $0x78;
	[tilespmem:s6+$0x43C0] =	vst v19  }
0x309: {  	s7 =	sadd.s32 $0xFFFFFFB0, s9;
	v19 =	vadd.s32 s12, v1;
	[tilespmem:s6+$0x4390] =	vst v17  }
0x30a: {  	s17 =	sadd.s32 $0xFFFFFFC0, s9;
	v17 =	vadd.s32 s7, v1;
	[tilespmem:s6+$0x4200] =	vst v21  }
0x30b: {  	s13 =	sadd.s32 $0xFFFFFFD0, s9;
	v21 =	vadd.s32 s17, v1;
	v22 =	vld.idx.msk [tilespmem:v22+s18+$0x0], $0xffff;
	[tilespmem:s6+$0x40F0] =	vst v23;
	v23 =	vadd.s32 s26, v11  }
0x30c: {  	s14 =	sadd.s32 $0xFFFFFFE0, s9;
	v26 =	vadd.s32 s13, v1;
	v24 =	vld.idx.msk [tilespmem:v24+s18+$0x0], $0xffff;
	[tilespmem:s6+$0x4320] =	vst v20  }
0x30d: {  	s22 =	sadd.s32 $0xFFFFFFF0, s9;
	v27 =	vadd.s32 s1, v15;
	v20 =	vld.idx.msk [tilespmem:v25+s18+$0x0], $0xffff;
	v25 =	vadd.s32 s14, v1  }
0x30e: {  	v28 =	vadd.s32 s22, v1;
	v19 =	vld.idx.msk [tilespmem:v19+s18+$0x0], $0xffff  }
0x30f: {  	v29 =	vadd.s32 s23, v2;
	v17 =	vld.idx.msk [tilespmem:v17+s18+$0x0], $0xffff  }
0x310: {  	v30 =	vadd.s32 s12, v2;
	v23 =	vld.idx.msk [tilespmem:v23+s18+$0x0], $0xffff  }
0x311: {  	v31 =	vadd.s32 s7, v2;
	v32 =	vld.idx.msk [tilespmem:v21+s18+$0x0], $0xffff;
	[tilespmem:s6+$0x4280] =	vst v22  }
0x312: {  	v21 =	vadd.s32 s17, v2;
	[tilespmem:s5+$0x70] =	vst v24;
	v22 =	vld.idx.msk [tilespmem:v27+s18+$0x0], $0xffff;
	v24 =	vadd.s32 s0, v13  }
0x313: {  	[tilespmem:s5+$0x0] =	vst v20;
	v20 =	vld.idx.msk [tilespmem:v26+s18+$0x0], $0xffff;
	v26 =	vadd.s32 s13, v2  }
0x314: {  	[tilespmem:s5+$0x10] =	vst v19;
	v19 =	vld.idx.msk [tilespmem:v25+s18+$0x0], $0xffff;
	v25 =	vadd.s32 s14, v2  }
0x315: {  	v33 =	vadd.s32 s1, v16;
	s1 =	smov.u32 s23;
	[tilespmem:s5+$0x20] =	vst v17;
	v27 =	vld.idx.msk [tilespmem:v28+s18+$0x0], $0xffff;
	v28 =	vadd.s32 s22, v2  }
0x316: {  	v17 =	vadd.s32 s1, v3;
	v29 =	vld.idx.msk [tilespmem:v29+s18+$0x0], $0xffff;
	[tilespmem:s6+$0x41B0] =	vst v18;
	v18 =	vadd.s32 s26, v12  }
0x317: {  	v34 =	vadd.s32 s12, v3;
	[tilespmem:s5+$0x30] =	vst v32;
	v24 =	vld.idx.msk [tilespmem:v24+s18+$0x0], $0xffff  }
0x318: {  	v32 =	vadd.s32 s7, v3;
	v30 =	vld.idx.msk [tilespmem:v30+s18+$0x0], $0xffff;
	[tilespmem:s6+$0x4300] =	vst v22  }
0x319: {  	v22 =	vadd.s32 s17, v3;
	v31 =	vld.idx.msk [tilespmem:v31+s18+$0x0], $0xffff;
	[tilespmem:s5+$0x40] =	vst v20;
	v20 =	vadd.s32 s0, v14  }
0x31a: {  	v35 =	vadd.s32 s13, v3;
	v33 =	vld.idx.msk [tilespmem:v33+s18+$0x0], $0xffff;
	[tilespmem:s6+$0x4170] =	vst v23  }
0x31b: {  	v36 =	vadd.s32 s14, v3;
	[tilespmem:s5+$0x60] =	vst v27;
	v27 =	vld.idx.msk [tilespmem:v18+s18+$0x0], $0xffff  }
0x31c: {  	v37 =	vadd.s32 s26, v13;
	[tilespmem:s5+$0x80] =	vst v29;
	v28 =	vld.idx.msk [tilespmem:v28+s18+$0x0], $0xffff;
	v29 =	vadd.s32 s22, v3  }
0x31d: {  	v18 =	vadd.s32 s1, v4;
	v26 =	vld.idx.msk [tilespmem:v26+s18+$0x0], $0xffff;
	[tilespmem:s6+$0x4230] =	vst v24  }
0x31e: {  	v24 =	vadd.s32 s12, v4;
	[tilespmem:s5+$0x90] =	vst v30;
	v30 =	vld.idx.msk [tilespmem:v20+s18+$0x0], $0xffff  }
0x31f: {  	v34 =	vld.idx.msk [tilespmem:v34+s18+$0x0], $0xffff;
	[tilespmem:s5+$0xA0] =	vst v31;
	v31 =	vadd.s32 s7, v4  }
0x320: {  	v23 =	vadd.s32 s17, v4;
	v32 =	vld.idx.msk [tilespmem:v32+s18+$0x0], $0xffff;
	[tilespmem:s5+$0x50] =	vst v19;
	v19 =	vadd.s32 s0, v15  }
0x321: {  	v39 =	vadd.s32 s31, v16;
	v38 =	vadd.s32 s13, v4;
	s31 =	smov.u32 s7;
	v25 =	vld.idx.msk [tilespmem:v25+s18+$0x0], $0xffff;
	[tilespmem:s6+$0x41F0] =	vst v27  }
0x322: {  	v27 =	vadd.s32 s14, v4;
	[tilespmem:s5+$0xE0] =	vst v28;
	v28 =	vld.idx.msk [tilespmem:v37+s18+$0x0], $0xffff  }
0x323: {  	v37 =	vadd.s32 s26, v14;
	[tilespmem:s5+$0xC0] =	vst v26;
	v26 =	vld.idx.msk [tilespmem:v29+s18+$0x0], $0xffff;
	v29 =	vadd.s32 s22, v4  }
0x324: {  	v20 =	vadd.s32 s1, v5;
	v35 =	vld.idx.msk [tilespmem:v35+s18+$0x0], $0xffff;
	[tilespmem:s6+$0x42B0] =	vst v30  }
0x325: {  	v30 =	vadd.s32 s12, v5;
	[tilespmem:s6+$0x4380] =	vst v33;
	v33 =	vld.idx.msk [tilespmem:v19+s18+$0x0], $0xffff  }
0x326: {  	v19 =	vadd.s32 s9, v3;
	[tilespmem:s5+$0x110] =	vst v34;
	v34 =	vadd.s32 s31, v5;
	v39 =	vld.idx.msk [tilespmem:v39+s18+$0x0], $0xffff  }
0x327: {  	v40 =	vld.idx.msk [tilespmem:v24+s18+$0x0], $0xffff;
	v24 =	vadd.s32 s17, v5;
	[tilespmem:s5+$0xD0] =	vst v25;
	v25 =	vadd.s32 s0, v16;
	s0 =	smov.u32 s17  }
0x328: {  	v41 =	vadd.s32 s13, v5;
	v36 =	vld.idx.msk [tilespmem:v36+s18+$0x0], $0xffff;
	[tilespmem:s6+$0x4270] =	vst v28  }
0x329: {  	v28 =	vadd.s32 s14, v5;
	[tilespmem:s5+$0x160] =	vst v26;
	v26 =	vld.idx.msk [tilespmem:v37+s18+$0x0], $0xffff  }
0x32a: {  	v37 =	vadd.s32 s26, v15;
	[tilespmem:s5+$0x140] =	vst v35;
	v29 =	vld.idx.msk [tilespmem:v29+s18+$0x0], $0xffff;
	v35 =	vadd.s32 s22, v5  }
0x32b: {  	v38 =	vld.idx.msk [tilespmem:v38+s18+$0x0], $0xffff;
	[tilespmem:s6+$0x4330] =	vst v33  }
0x32c: {  	[tilespmem:s5+$0x120] =	vst v32;
	v25 =	vld.idx.msk [tilespmem:v25+s18+$0x0], $0xffff  }
0x32d: {  	[tilespmem:s5+$0x190] =	vst v40;
	v31 =	vld.idx.msk [tilespmem:v31+s18+$0x0], $0xffff  }
0x32e: {  	v30 =	vld.idx.msk [tilespmem:v30+s18+$0x0], $0xffff;
	[tilespmem:s5+$0x150] =	vst v36  }
0x32f: {  	v27 =	vld.idx.msk [tilespmem:v27+s18+$0x0], $0xffff;
	[tilespmem:s6+$0x42F0] =	vst v26  }
0x330: {  	[tilespmem:s5+$0x1E0] =	vst v29;
	v26 =	vld.idx.msk [tilespmem:v37+s18+$0x0], $0xffff  }
0x331: {  	v32 =	vadd.s32 s26, v16;
	s26 =	smov.u32 s9;
	[tilespmem:s5+$0x1C0] =	vst v38;
	v29 =	vld.idx.msk [tilespmem:v35+s18+$0x0], $0xffff  }
0x332: {  	v33 =	vld.idx.msk [tilespmem:v41+s18+$0x0], $0xffff;
	[tilespmem:s6+$0x43B0] =	vst v25  }
0x333: {  	v25 =	vadd.s32 s22, v6;
	[tilespmem:s5+$0x1A0] =	vst v31  }
0x334: {  	v31 =	vadd.s32 s13, v6;
	[tilespmem:s5+$0x210] =	vst v30;
	v30 =	vld.idx.msk [tilespmem:v34+s18+$0x0], $0xffff  }
0x335: {  	v34 =	vadd.s32 s12, v6;
	v21 =	vld.idx.msk [tilespmem:v21+s18+$0x0], $0xffff;
	[tilespmem:s5+$0x1D0] =	vst v27  }
0x336: {  	v27 =	vadd.s32 s31, v6;
	v28 =	vld.idx.msk [tilespmem:v28+s18+$0x0], $0xffff;
	[tilespmem:s6+$0x4370] =	vst v26  }
0x337: {  	[tilespmem:s5+$0x260] =	vst v29;
	v26 =	vld.idx.msk [tilespmem:v32+s18+$0x0], $0xffff  }
0x338: {  	v29 =	vadd.s32 s14, v6;
	[tilespmem:s5+$0x240] =	vst v33;
	v25 =	vld.idx.msk [tilespmem:v25+s18+$0x0], $0xffff  }
0x339: {  	v31 =	vld.idx.msk [tilespmem:v31+s18+$0x0], $0xffff;
	[tilespmem:s6+$0x43A0] =	vst v39  }
0x33a: {  	v32 =	vld.idx.msk [tilespmem:v34+s18+$0x0], $0xffff;
	[tilespmem:s5+$0x220] =	vst v30;
	v30 =	vadd.s32 s22, v7  }
0x33b: {  	v27 =	vld.idx.msk [tilespmem:v27+s18+$0x0], $0xffff;
	[tilespmem:s5+$0xB0] =	vst v21;
	v21 =	vadd.s32 s13, v7  }
0x33c: {  	v33 =	vadd.s32 s12, v7;
	v22 =	vld.idx.msk [tilespmem:v22+s18+$0x0], $0xffff;
	[tilespmem:s5+$0x250] =	vst v28  }
0x33d: {  	v28 =	vadd.s32 s31, v7;
	v29 =	vld.idx.msk [tilespmem:v29+s18+$0x0], $0xffff;
	[tilespmem:s6+$0x43F0] =	vst v26;
	s6 =	smov.u32 s5  }
0x33e: {  	v17 =	vld.idx.msk [tilespmem:v17+s18+$0x0], $0xffff;
	[tilespmem:s5+$0x2E0] =	vst v25  }
0x33f: {  	v25 =	vadd.s32 s14, v7;
	[tilespmem:s5+$0x2C0] =	vst v31;
	v26 =	vld.idx.msk [tilespmem:v30+s18+$0x0], $0xffff  }
0x340: {  	[tilespmem:s5+$0x290] =	vst v32;
	v21 =	vld.idx.msk [tilespmem:v21+s18+$0x0], $0xffff  }
0x341: {  	v30 =	vld.idx.msk [tilespmem:v33+s18+$0x0], $0xffff;
	[tilespmem:s5+$0x2A0] =	vst v27;
	v27 =	vadd.s32 s22, v8  }
0x342: {  	v28 =	vld.idx.msk [tilespmem:v28+s18+$0x0], $0xffff;
	[tilespmem:s5+$0x130] =	vst v22;
	v22 =	vadd.s32 s13, v8  }
0x343: {  	v31 =	vadd.s32 s12, v8;
	v23 =	vld.idx.msk [tilespmem:v23+s18+$0x0], $0xffff;
	[tilespmem:s5+$0x2D0] =	vst v29  }
0x344: {  	[tilespmem:s5+$0x100] =	vst v17;
	v17 =	vadd.s32 s31, v8;
	v25 =	vld.idx.msk [tilespmem:v25+s18+$0x0], $0xffff  }
0x345: {  	v18 =	vld.idx.msk [tilespmem:v18+s18+$0x0], $0xffff;
	[tilespmem:s5+$0x360] =	vst v26  }
0x346: {  	[tilespmem:s5+$0x340] =	vst v21;
	v21 =	vadd.s32 s14, v8;
	v26 =	vld.idx.msk [tilespmem:v27+s18+$0x0], $0xffff  }
0x347: {  	[tilespmem:s5+$0x310] =	vst v30;
	v22 =	vld.idx.msk [tilespmem:v22+s18+$0x0], $0xffff  }
0x348: {  	v27 =	vld.idx.msk [tilespmem:v31+s18+$0x0], $0xffff;
	[tilespmem:s5+$0x320] =	vst v28;
	v28 =	vadd.s32 s22, v9  }
0x349: {  	v29 =	vld.idx.msk [tilespmem:v17+s18+$0x0], $0xffff;
	[tilespmem:s5+$0x1B0] =	vst v23;
	v23 =	vadd.s32 s13, v9  }
0x34a: {  	v30 =	vadd.s32 s12, v9;
	v17 =	vadd.s32 s9, v8;
	v24 =	vld.idx.msk [tilespmem:v24+s18+$0x0], $0xffff;
	[tilespmem:s5+$0x350] =	vst v25  }
0x34b: {  	[tilespmem:s5+$0x180] =	vst v18;
	v18 =	vadd.s32 s31, v9;
	v21 =	vld.idx.msk [tilespmem:v21+s18+$0x0], $0xffff  }
0x34c: {  	v25 =	vadd.s32 s0, v6;
	v20 =	vld.idx.msk [tilespmem:v20+s18+$0x0], $0xffff;
	[tilespmem:s5+$0x3E0] =	vst v26  }
0x34d: {  	v26 =	vadd.s32 s9, v2;
	[tilespmem:s5+$0x3C0] =	vst v22;
	v22 =	vld.idx.msk [tilespmem:v28+s18+$0x0], $0xffff  }
0x34e: {  	[tilespmem:s5+$0x390] =	vst v27;
	v23 =	vld.idx.msk [tilespmem:v23+s18+$0x0], $0xffff;
	v27 =	vadd.s32 s14, v9  }
0x34f: {  	v28 =	vld.idx.msk [tilespmem:v30+s18+$0x0], $0xffff;
	[tilespmem:s5+$0x3A0] =	vst v29;
	v29 =	vadd.s32 s22, v10  }
0x350: {  	v30 =	vld.idx.msk [tilespmem:v18+s18+$0x0], $0xffff;
	[tilespmem:s5+$0x230] =	vst v24;
	v24 =	vadd.s32 s13, v10  }
0x351: {  	v31 =	vadd.s32 s12, v10;
	v18 =	vadd.s32 s9, v9;
	v25 =	vld.idx.msk [tilespmem:v25+s18+$0x0], $0xffff;
	[tilespmem:s5+$0x3D0] =	vst v21  }
0x352: {  	[tilespmem:s5+$0x200] =	vst v20;
	v20 =	vadd.s32 s31, v10;
	v21 =	vld.idx.msk [tilespmem:v26+s18+$0x0], $0xffff  }
0x353: {  	v26 =	vadd.s32 s1, v6;
	v27 =	vld.idx.msk [tilespmem:v27+s18+$0x0], $0xffff;
	[tilespmem:s5+$0x4060] =	vst v22  }
0x354: {  	v22 =	vadd.s32 s0, v7;
	[tilespmem:s5+$0x4040] =	vst v23;
	v23 =	vld.idx.msk [tilespmem:v29+s18+$0x0], $0xffff  }
0x355: {  	[tilespmem:s5+$0x4010] =	vst v28;
	v24 =	vld.idx.msk [tilespmem:v24+s18+$0x0], $0xffff  }
0x356: {  	v29 =	vadd.s32 s22, v11;
	v28 =	vld.idx.msk [tilespmem:v31+s18+$0x0], $0xffff;
	[tilespmem:s5+$0x4020] =	vst v30  }
0x357: {  	v30 =	vld.idx.msk [tilespmem:v20+s18+$0x0], $0xffff;
	[tilespmem:s5+$0x2B0] =	vst v25;
	v25 =	vadd.s32 s14, v10  }
0x358: {  	v31 =	vadd.s32 s12, v11;
	v20 =	vadd.s32 s9, v10;
	v26 =	vld.idx.msk [tilespmem:v26+s18+$0x0], $0xffff;
	[tilespmem:s5+$0xF0] =	vst v21  }
0x359: {  	v21 =	vadd.s32 s31, v11;
	v22 =	vld.idx.msk [tilespmem:v22+s18+$0x0], $0xffff;
	[tilespmem:s5+$0x4050] =	vst v27  }
0x35a: {  	v27 =	vadd.s32 s1, v7;
	[tilespmem:s5+$0x40E0] =	vst v23;
	v19 =	vld.idx.msk [tilespmem:v19+s18+$0x0], $0xffff  }
0x35b: {  	v23 =	vadd.s32 s13, v11;
	[tilespmem:s5+$0x40C0] =	vst v24;
	v24 =	vld.idx.msk [tilespmem:v29+s18+$0x0], $0xffff  }
0x35c: {  	[tilespmem:s5+$0x4090] =	vst v28;
	v25 =	vld.idx.msk [tilespmem:v25+s18+$0x0], $0xffff;
	v28 =	vadd.s32 s9, v4  }
0x35d: {  	v29 =	vld.idx.msk [tilespmem:v31+s18+$0x0], $0xffff;
	[tilespmem:s5+$0x40A0] =	vst v30;
	v30 =	vadd.s32 s22, v12  }
0x35e: {  	[tilespmem:s5+$0x280] =	vst v26;
	v21 =	vld.idx.msk [tilespmem:v21+s18+$0x0], $0xffff;
	v26 =	vadd.s32 s14, v11  }
0x35f: {  	v31 =	vadd.s32 s12, v12;
	v27 =	vld.idx.msk [tilespmem:v27+s18+$0x0], $0xffff;
	[tilespmem:s5+$0x330] =	vst v22  }
0x360: {  	v22 =	vadd.s32 s0, v8;
	v23 =	vld.idx.msk [tilespmem:v23+s18+$0x0], $0xffff;
	[tilespmem:s5+$0x170] =	vst v19  }
0x361: {  	v19 =	vadd.s32 s31, v12;
	[tilespmem:s5+$0x4160] =	vst v24;
	v24 =	vld.idx.msk [tilespmem:v28+s18+$0x0], $0xffff  }
0x362: {  	v28 =	vadd.s32 s1, v8;
	[tilespmem:s5+$0x40D0] =	vst v25;
	v25 =	vld.idx.msk [tilespmem:v30+s18+$0x0], $0xffff  }
0x363: {  	[tilespmem:s5+$0x4110] =	vst v29;
	v26 =	vld.idx.msk [tilespmem:v26+s18+$0x0], $0xffff;
	v29 =	vadd.s32 s9, v5  }
0x364: {  	v30 =	vld.idx.msk [tilespmem:v31+s18+$0x0], $0xffff;
	[tilespmem:s5+$0x4120] =	vst v21;
	v21 =	vadd.s32 s22, v13  }
0x365: {  	v31 =	vadd.s32 s14, v12;
	v22 =	vld.idx.msk [tilespmem:v22+s18+$0x0], $0xffff  }
0x366: {  	[tilespmem:s5+$0x300] =	vst v27;
	v27 =	vadd.s32 s12, v13;
	v19 =	vld.idx.msk [tilespmem:v19+s18+$0x0], $0xffff  }
0x367: {  	v32 =	vadd.s32 s13, v12;
	v28 =	vld.idx.msk [tilespmem:v28+s18+$0x0], $0xffff;
	[tilespmem:s5+$0x1F0] =	vst v24  }
0x368: {  	v24 =	vadd.s32 s31, v13;
	[tilespmem:s5+$0x41E0] =	vst v25;
	v25 =	vld.idx.msk [tilespmem:v29+s18+$0x0], $0xffff  }
0x369: {  	v29 =	vadd.s32 s1, v9;
	[tilespmem:s5+$0x4150] =	vst v26;
	v21 =	vld.idx.msk [tilespmem:v21+s18+$0x0], $0xffff  }
0x36a: {  	[tilespmem:s5+$0x4190] =	vst v30;
	v26 =	vld.idx.msk [tilespmem:v31+s18+$0x0], $0xffff;
	v30 =	vadd.s32 s9, v6  }
0x36b: {  	v27 =	vld.idx.msk [tilespmem:v27+s18+$0x0], $0xffff;
	[tilespmem:s5+$0x4140] =	vst v23;
	v23 =	vadd.s32 s22, v14  }
0x36c: {  	v31 =	vadd.s32 s14, v13;
	[tilespmem:s5+$0x41A0] =	vst v19;
	v19 =	vld.idx.msk [tilespmem:v32+s18+$0x0], $0xffff  }
0x36d: {  	[tilespmem:s5+$0x380] =	vst v28;
	v24 =	vld.idx.msk [tilespmem:v24+s18+$0x0], $0xffff;
	v28 =	vadd.s32 s0, v9  }
0x36e: {  	v32 =	vadd.s32 s13, v13;
	v29 =	vld.idx.msk [tilespmem:v29+s18+$0x0], $0xffff;
	[tilespmem:s5+$0x270] =	vst v25  }
0x36f: {  	v25 =	vadd.s32 s31, v14;
	[tilespmem:s5+$0x4260] =	vst v21;
	v21 =	vld.idx.msk [tilespmem:v30+s18+$0x0], $0xffff  }
0x370: {  	v30 =	vadd.s32 s1, v10;
	[tilespmem:s5+$0x41D0] =	vst v26;
	v23 =	vld.idx.msk [tilespmem:v23+s18+$0x0], $0xffff  }
0x371: {  	v26 =	vadd.s32 s9, v7;
	[tilespmem:s5+$0x3B0] =	vst v22;
	v22 =	vld.idx.msk [tilespmem:v31+s18+$0x0], $0xffff  }
0x372: {  	v28 =	vld.idx.msk [tilespmem:v28+s18+$0x0], $0xffff;
	[tilespmem:s5+$0x41C0] =	vst v19;
	v19 =	vadd.s32 s22, v15  }
0x373: {  	v31 =	vadd.s32 s14, v14;
	[tilespmem:s5+$0x4220] =	vst v24;
	v24 =	vld.idx.msk [tilespmem:v32+s18+$0x0], $0xffff  }
0x374: {  	[tilespmem:s5+$0x4000] =	vst v29;
	v25 =	vld.idx.msk [tilespmem:v25+s18+$0x0], $0xffff;
	v29 =	vadd.s32 s0, v10  }
0x375: {  	v32 =	vadd.s32 s13, v14;
	v30 =	vld.idx.msk [tilespmem:v30+s18+$0x0], $0xffff;
	[tilespmem:s5+$0x2F0] =	vst v21  }
0x376: {  	v21 =	vadd.s32 s12, v14;
	[tilespmem:s5+$0x42E0] =	vst v23;
	v23 =	vld.idx.msk [tilespmem:v26+s18+$0x0], $0xffff  }
0x377: {  	v26 =	vadd.s32 s1, v11;
	[tilespmem:s5+$0x4250] =	vst v22;
	v19 =	vld.idx.msk [tilespmem:v19+s18+$0x0], $0xffff  }
0x378: {  	[tilespmem:s5+$0x4030] =	vst v28;
	v22 =	vld.idx.msk [tilespmem:v31+s18+$0x0], $0xffff  }
0x379: {  	v28 =	vld.idx.msk [tilespmem:v29+s18+$0x0], $0xffff;
	[tilespmem:s5+$0x4240] =	vst v24;
	v24 =	vadd.s32 s22, v16  }
0x37a: {  	v29 =	vadd.s32 s14, v15;
	[tilespmem:s5+$0x4210] =	vst v27;
	v27 =	vld.idx.msk [tilespmem:v32+s18+$0x0], $0xffff  }
0x37b: {  	[tilespmem:s5+$0x4080] =	vst v30;
	v21 =	vld.idx.msk [tilespmem:v21+s18+$0x0], $0xffff;
	v30 =	vadd.s32 s0, v11  }
0x37c: {  	v31 =	vadd.s32 s13, v15;
	v26 =	vld.idx.msk [tilespmem:v26+s18+$0x0], $0xffff;
	[tilespmem:s5+$0x370] =	vst v23  }
0x37d: {  	v23 =	vadd.s32 s12, v15;
	[tilespmem:s5+$0x4360] =	vst v19;
	v17 =	vld.idx.msk [tilespmem:v17+s18+$0x0], $0xffff  }
0x37e: {  	v19 =	vadd.s32 s1, v12;
	[tilespmem:s5+$0x42D0] =	vst v22;
	v22 =	vld.idx.msk [tilespmem:v24+s18+$0x0], $0xffff  }
0x37f: {  	[tilespmem:s5+$0x40B0] =	vst v28;
	v24 =	vld.idx.msk [tilespmem:v29+s18+$0x0], $0xffff  }
0x380: {  	v28 =	vld.idx.msk [tilespmem:v30+s18+$0x0], $0xffff;
	[tilespmem:s5+$0x42C0] =	vst v27  }
0x381: {  	v27 =	vadd.s32 s14, v16;
	[tilespmem:s5+$0x4290] =	vst v21;
	v21 =	vld.idx.msk [tilespmem:v31+s18+$0x0], $0xffff  }
0x382: {  	[tilespmem:s5+$0x4100] =	vst v26;
	v23 =	vld.idx.msk [tilespmem:v23+s18+$0x0], $0xffff;
	v26 =	vadd.s32 s0, v12  }
0x383: {  	v29 =	vld.idx.msk [tilespmem:v19+s18+$0x0], $0xffff;
	v19 =	vadd.s32 s13, v16;
	[tilespmem:s5+$0x3F0] =	vst v17  }
0x384: {  	v17 =	vadd.s32 s12, v16;
	[tilespmem:s5+$0x43E0] =	vst v22;
	v22 =	vld.idx.msk [tilespmem:v18+s18+$0x0], $0xffff  }
0x385: {  	v30 =	vadd.s32 s1, v13;
	[tilespmem:s5+$0x4350] =	vst v24  }
0x386: {  	[tilespmem:s5+$0x4130] =	vst v28;
	v24 =	vld.idx.msk [tilespmem:v27+s18+$0x0], $0xffff  }
0x387: {  	v27 =	vadd.s32 s31, v15;
	v18 =	vld.idx.msk [tilespmem:v26+s18+$0x0], $0xffff;
	[tilespmem:s5+$0x4340] =	vst v21  }
.Ltmp3:
0x388: {  	[tilespmem:s5+$0x4310] =	vst v23;
	v19 =	vld.idx.msk [tilespmem:v19+s18+$0x0], $0xffff;
	(pc) =	sbr.rel @p0 .LBB2_9-.Ltmp3, $4  }
0x389: {  	[tilespmem:s5+$0x4180] =	vst v29;
	v17 =	vld.idx.msk [tilespmem:v17+s18+$0x0], $0xffff  }
0x38a: {  	v21 =	vld.idx.msk [tilespmem:v30+s18+$0x0], $0xffff;
	[tilespmem:s5+$0x4070] =	vst v22  }
0x38b: {  	[tilespmem:s5+$0x42A0] =	vst v25;
	v23 =	vld.idx.msk [tilespmem:v20+s18+$0x0], $0xffff  }
0x38c: {  	s9 =	sadd.s32 $0x80, s9;
	v22 =	vadd.s32 s1, v14;
	v20 =	vld.idx.msk [tilespmem:v27+s18+$0x0], $0xffff;
	[tilespmem:s5+$0x43D0] =	vst v24  }
0x38d: {  	v24 =	vadd.s32 s26, v11;
	_ =	sdelay $0x3  }
0x38e: {  	[tilespmem:s6+$0x40F0] =	vst v23  }
0x38f: {  	v23 =	vld.idx.msk [tilespmem:v24+s18+$0x0], $0xffff  }
0x390: {  	v52 =	vadd.s32 s26, v12;
	_ =	sdelay $0x3  }
0x391: {  	[tilespmem:s6+$0x4170] =	vst v23  }
0x392: {  	v25 =	vadd.s32 s0, v13;
	v23 =	vld.idx.msk [tilespmem:v52+s18+$0x0], $0xffff  }
0x393: {  	v53 =	vadd.s32 s26, v13;
	_ =	sdelay $0x2  }
0x394: {  	[tilespmem:s6+$0x41B0] =	vst v18  }
0x395: {  	v18 =	vld.idx.msk [tilespmem:v25+s18+$0x0], $0xffff;
	[tilespmem:s6+$0x41F0] =	vst v23  }
0x396: {  	v54 =	vadd.s32 s0, v14;
	v23 =	vld.idx.msk [tilespmem:v53+s18+$0x0], $0xffff  }
0x397: {  	v55 =	vadd.s32 s26, v14;
	_ =	sdelay $0x1  }
0x398: {  	[tilespmem:s6+$0x4200] =	vst v21  }
0x399: {  	v21 =	vld.idx.msk [tilespmem:v22+s18+$0x0], $0xffff;
	[tilespmem:s6+$0x4230] =	vst v18  }
0x39a: {  	v18 =	vadd.s32 s1, v15;
	v56 =	vld.idx.msk [tilespmem:v54+s18+$0x0], $0xffff;
	[tilespmem:s6+$0x4270] =	vst v23  }
0x39b: {  	v57 =	vadd.s32 s0, v15;
	v23 =	vld.idx.msk [tilespmem:v55+s18+$0x0], $0xffff  }
0x39c: {  	v58 =	vadd.s32 s26, v15;
	_ =	sdelay $0x1  }
0x39d: {  	[tilespmem:s6+$0x4280] =	vst v21  }
0x39e: {  	v61 =	vadd.s32 s31, v16;
	v18 =	vld.idx.msk [tilespmem:v18+s18+$0x0], $0xffff;
	[tilespmem:s6+$0x42B0] =	vst v56  }
0x39f: {  	v59 =	vadd.s32 s1, v16;
	v22 =	vld.idx.msk [tilespmem:v57+s18+$0x0], $0xffff;
	[tilespmem:s6+$0x42F0] =	vst v23  }
0x3a0: {  	v60 =	vadd.s32 s0, v16;
	v24 =	vld.idx.msk [tilespmem:v58+s18+$0x0], $0xffff  }
0x3a1: {  	v26 =	vadd.s32 s26, v16  }
0x3a2: {  	[tilespmem:s6+$0x4320] =	vst v20  }
0x3a3: {  	v63 =	vld.idx.msk [tilespmem:v61+s18+$0x0], $0xffff;
	[tilespmem:s6+$0x4300] =	vst v18  }
0x3a4: {  	v18 =	vld.idx.msk [tilespmem:v59+s18+$0x0], $0xffff;
	[tilespmem:s6+$0x4330] =	vst v22  }
0x3a5: {  	v62 =	vld.idx.msk [tilespmem:v60+s18+$0x0], $0xffff;
	[tilespmem:s6+$0x4370] =	vst v24  }
0x3a6: {  	[tilespmem:s6+$0x43C0] =	vst v19;
	s24 =	sadd.s32 $0x1, s24;
	v19 =	vld.idx.msk [tilespmem:v26+s18+$0x0], $0xffff  }
0x3a7: {  	[tilespmem:s6+$0x4390] =	vst v17;
	p0 =	sne.s32 s24, $0x15  }
.Ltmp4:
0x3a8: {  	[tilespmem:s6+$0x43A0] =	vst v63;
	(pc) =	sbr.rel @p0 .LBB2_4-.Ltmp4, $4  }
0x3a9: {  	s31 =	sadd.s32 s11, s28;
	[tilespmem:s6+$0x4380] =	vst v18  }
0x3aa: {  	s0 =	sshll.u32 s31, $0x8;
	[tilespmem:s6+$0x43B0] =	vst v62  }
0x3ab: {  	s26 =	smov.u32 s30;
	s30 =	smov.u32 s29;
	s0 =	sadd.s32 s2, s0;
	[tilespmem:s6+$0x43F0] =	vst v19  }
0x3ac: {  	[hbm4b:s0+s3] =	stream.linear.scatter [tilespmem:s21], [sflag:$0x3], $0x8000, $0x38;
	[tilespmem:$0x1B100] =	vst v63  }
0x3ad: {  	s12 =	sadd.s32 $0xFFFFFFF0, s15  }
0x3ae: {  	s8 =	sadd.s32 $0xFFFFFFD0, s15;
	v17 =	vadd.s32 s12, v1  }
0x3af: {  	s6 =	sadd.s32 $0xFFFFFFA0, s15;
	s23 =	simm.s32 $0x1;
	v18 =	vadd.s32 s8, v1  }
0x3b0: {  	s24 =	sadd.s32 $0xFFFFFFB0, s15;
	_ =	swait.ge [sflag:s23], $0x8000;
	v19 =	vadd.s32 s6, v1  }
0x3b1: {  	v20 =	vadd.s32 s24, v1;
	[sflag:s23] =	ssyncset.done $0x0  }
0x3b2: {  	v21 =	vadd.s32 s15, v1;
	s9 =	sadd.s32 $0xFFFFFFE0, s15;
	[sflag:s23] =	ssyncadd.s32 $0xFFFF8000  }
0x3b3: {  	v22 =	vadd.s32 s9, v1;
	v17 =	vld.idx.msk [tilespmem:v17+s18+$0x0], $0xffff  }
0x3b4: {  	v23 =	vadd.s32 s12, v2;
	v18 =	vld.idx.msk [tilespmem:v18+s18+$0x0], $0xffff  }
0x3b5: {  	v24 =	vadd.s32 s8, v2;
	v19 =	vld.idx.msk [tilespmem:v19+s18+$0x0], $0xffff  }
0x3b6: {  	v25 =	vadd.s32 s6, v2;
	v20 =	vld.idx.msk [tilespmem:v20+s18+$0x0], $0xffff  }
0x3b7: {  	s5 =	simm.s32 $0x3100;
	s1 =	sadd.s32 $0xFFFFFF90, s15;
	v26 =	vadd.s32 s24, v2;
	v21 =	vld.idx.msk [tilespmem:v21+s18+$0x0], $0xffff  }
0x3b8: {  	v27 =	vadd.s32 s1, v1;
	v22 =	vld.idx.msk [tilespmem:v22+s18+$0x0], $0xffff;
	[tilespmem:s5+$0x60] =	vst v17  }
0x3b9: {  	v17 =	vadd.s32 s9, v2;
	[tilespmem:s5+$0x40] =	vst v18;
	v18 =	vld.idx.msk [tilespmem:v23+s18+$0x0], $0xffff  }
0x3ba: {  	[tilespmem:s5+$0x10] =	vst v19;
	v19 =	vadd.s32 s12, v3;
	v23 =	vld.idx.msk [tilespmem:v24+s18+$0x0], $0xffff  }
0x3bb: {  	v37 =	vadd.s32 s8, v3;
	[tilespmem:s5+$0x20] =	vst v20;
	v20 =	vld.idx.msk [tilespmem:v25+s18+$0x0], $0xffff  }
0x3bc: {  	v38 =	vadd.s32 s6, v3;
	[tilespmem:s5+$0x70] =	vst v21;
	v26 =	vld.idx.msk [tilespmem:v26+s18+$0x0], $0xffff  }
0x3bd: {  	s0 =	sadd.s32 $0xFFFFFFC0, s15;
	v28 =	vadd.s32 s24, v3;
	v27 =	vld.idx.msk [tilespmem:v27+s18+$0x0], $0xffff;
	[tilespmem:s5+$0x50] =	vst v22  }
0x3be: {  	v22 =	vadd.s32 s0, v1;
	v17 =	vld.idx.msk [tilespmem:v17+s18+$0x0], $0xffff;
	[tilespmem:s5+$0xE0] =	vst v18  }
0x3bf: {  	v18 =	vadd.s32 s9, v3;
	[tilespmem:s5+$0xC0] =	vst v23;
	v19 =	vld.idx.msk [tilespmem:v19+s18+$0x0], $0xffff  }
0x3c0: {  	[tilespmem:s5+$0x90] =	vst v20;
	v20 =	vadd.s32 s12, v4;
	v23 =	vld.idx.msk [tilespmem:v37+s18+$0x0], $0xffff  }
0x3c1: {  	v40 =	vadd.s32 s8, v4;
	[tilespmem:s5+$0xA0] =	vst v26;
	v39 =	vld.idx.msk [tilespmem:v38+s18+$0x0], $0xffff  }
0x3c2: {  	v21 =	vadd.s32 s6, v4;
	[tilespmem:s5+$0x0] =	vst v27;
	v26 =	vld.idx.msk [tilespmem:v28+s18+$0x0], $0xffff  }
0x3c3: {  	v41 =	vadd.s32 s24, v4;
	v22 =	vld.idx.msk [tilespmem:v22+s18+$0x0], $0xffff;
	[tilespmem:s5+$0xD0] =	vst v17  }
0x3c4: {  	v17 =	vadd.s32 s1, v2;
	v18 =	vld.idx.msk [tilespmem:v18+s18+$0x0], $0xffff;
	[tilespmem:s5+$0x160] =	vst v19  }
0x3c5: {  	v19 =	vadd.s32 s9, v4;
	[tilespmem:s5+$0x140] =	vst v23;
	v20 =	vld.idx.msk [tilespmem:v20+s18+$0x0], $0xffff  }
0x3c6: {  	[tilespmem:s5+$0x110] =	vst v39;
	v23 =	vadd.s32 s12, v5;
	v42 =	vld.idx.msk [tilespmem:v40+s18+$0x0], $0xffff  }
0x3c7: {  	v43 =	vadd.s32 s8, v5;
	[tilespmem:s5+$0x120] =	vst v26;
	v21 =	vld.idx.msk [tilespmem:v21+s18+$0x0], $0xffff  }
0x3c8: {  	v44 =	vadd.s32 s6, v5;
	[tilespmem:s5+$0x30] =	vst v22;
	v45 =	vld.idx.msk [tilespmem:v41+s18+$0x0], $0xffff  }
0x3c9: {  	v46 =	vadd.s32 s24, v5;
	v17 =	vld.idx.msk [tilespmem:v17+s18+$0x0], $0xffff;
	[tilespmem:s5+$0x150] =	vst v18  }
0x3ca: {  	v18 =	vadd.s32 s0, v2;
	v19 =	vld.idx.msk [tilespmem:v19+s18+$0x0], $0xffff;
	[tilespmem:s5+$0x1E0] =	vst v20  }
0x3cb: {  	v52 =	vadd.s32 s1, v3;
	[tilespmem:s5+$0x1C0] =	vst v42;
	v23 =	vld.idx.msk [tilespmem:v23+s18+$0x0], $0xffff  }
0x3cc: {  	v20 =	vadd.s32 s9, v5;
	[tilespmem:s5+$0x190] =	vst v21;
	v21 =	vld.idx.msk [tilespmem:v43+s18+$0x0], $0xffff  }
0x3cd: {  	v47 =	vadd.s32 s12, v6;
	[tilespmem:s5+$0x1A0] =	vst v45;
	v48 =	vld.idx.msk [tilespmem:v44+s18+$0x0], $0xffff  }
0x3ce: {  	v49 =	vadd.s32 s8, v6;
	v22 =	vld.idx.msk [tilespmem:v46+s18+$0x0], $0xffff;
	[tilespmem:s5+$0x80] =	vst v17  }
0x3cf: {  	v50 =	vadd.s32 s6, v6;
	v18 =	vld.idx.msk [tilespmem:v18+s18+$0x0], $0xffff;
	[tilespmem:s5+$0x1D0] =	vst v19  }
0x3d0: {  	v24 =	vld.idx.msk [tilespmem:v52+s18+$0x0], $0xffff;
	v19 =	vadd.s32 s24, v6;
	[tilespmem:s5+$0x260] =	vst v23  }
0x3d1: {  	v51 =	vadd.s32 s0, v3;
	v20 =	vld.idx.msk [tilespmem:v20+s18+$0x0], $0xffff;
	[tilespmem:s5+$0x240] =	vst v21  }
0x3d2: {  	v56 =	vadd.s32 s1, v4;
	[tilespmem:s5+$0x210] =	vst v48;
	v23 =	vld.idx.msk [tilespmem:v47+s18+$0x0], $0xffff  }
0x3d3: {  	v21 =	vadd.s32 s9, v6;
	[tilespmem:s5+$0x220] =	vst v22;
	v53 =	vld.idx.msk [tilespmem:v49+s18+$0x0], $0xffff  }
0x3d4: {  	v22 =	vadd.s32 s12, v7;
	v54 =	vld.idx.msk [tilespmem:v50+s18+$0x0], $0xffff;
	[tilespmem:s5+$0xB0] =	vst v18  }
0x3d5: {  	v18 =	vadd.s32 s8, v7;
	[tilespmem:s5+$0x100] =	vst v24;
	v19 =	vld.idx.msk [tilespmem:v19+s18+$0x0], $0xffff  }
0x3d6: {  	v55 =	vadd.s32 s6, v7;
	v28 =	vld.idx.msk [tilespmem:v51+s18+$0x0], $0xffff;
	[tilespmem:s5+$0x250] =	vst v20  }
0x3d7: {  	v17 =	vadd.s32 s24, v7;
	v25 =	vld.idx.msk [tilespmem:v56+s18+$0x0], $0xffff;
	[tilespmem:s5+$0x2E0] =	vst v23  }
0x3d8: {  	v20 =	vld.idx.msk [tilespmem:v21+s18+$0x0], $0xffff;
	v21 =	vadd.s32 s0, v4;
	[tilespmem:s5+$0x2C0] =	vst v53  }
0x3d9: {  	v23 =	vadd.s32 s9, v7;
	[tilespmem:s5+$0x290] =	vst v54;
	v22 =	vld.idx.msk [tilespmem:v22+s18+$0x0], $0xffff  }
0x3da: {  	v18 =	vld.idx.msk [tilespmem:v18+s18+$0x0], $0xffff;
	[tilespmem:s5+$0x2A0] =	vst v19;
	v19 =	vadd.s32 s12, v8  }
0x3db: {  	v57 =	vadd.s32 s8, v8;
	v26 =	vld.idx.msk [tilespmem:v55+s18+$0x0], $0xffff;
	[tilespmem:s5+$0x130] =	vst v28  }
0x3dc: {  	v58 =	vadd.s32 s6, v8;
	[tilespmem:s5+$0x180] =	vst v25;
	v17 =	vld.idx.msk [tilespmem:v17+s18+$0x0], $0xffff  }
0x3dd: {  	v21 =	vld.idx.msk [tilespmem:v21+s18+$0x0], $0xffff;
	[tilespmem:s5+$0x2D0] =	vst v20;
	v20 =	vadd.s32 s24, v8  }
0x3de: {  	v59 =	vadd.s32 s0, v5;
	v23 =	vld.idx.msk [tilespmem:v23+s18+$0x0], $0xffff;
	[tilespmem:s5+$0x360] =	vst v22  }
0x3df: {  	[tilespmem:s5+$0x340] =	vst v18;
	v18 =	vadd.s32 s9, v8;
	v19 =	vld.idx.msk [tilespmem:v19+s18+$0x0], $0xffff  }
0x3e0: {  	v22 =	vadd.s32 s1, v5;
	[tilespmem:s5+$0x310] =	vst v26;
	v60 =	vld.idx.msk [tilespmem:v57+s18+$0x0], $0xffff  }
0x3e1: {  	v61 =	vld.idx.msk [tilespmem:v58+s18+$0x0], $0xffff;
	[tilespmem:s5+$0x320] =	vst v17;
	v17 =	vadd.s32 s12, v9  }
0x3e2: {  	v62 =	vadd.s32 s6, v9;
	v20 =	vld.idx.msk [tilespmem:v20+s18+$0x0], $0xffff;
	[tilespmem:s5+$0x1B0] =	vst v21  }
0x3e3: {  	v21 =	vadd.s32 s8, v9;
	v24 =	vld.idx.msk [tilespmem:v59+s18+$0x0], $0xffff;
	[tilespmem:s5+$0x350] =	vst v23  }
0x3e4: {  	v23 =	vadd.s32 s24, v9;
	v18 =	vld.idx.msk [tilespmem:v18+s18+$0x0], $0xffff;
	[tilespmem:s5+$0x3E0] =	vst v19  }
0x3e5: {  	v63 =	vadd.s32 s0, v6;
	v22 =	vld.idx.msk [tilespmem:v22+s18+$0x0], $0xffff;
	[tilespmem:s5+$0x3C0] =	vst v60  }
0x3e6: {  	v19 =	vadd.s32 s15, v2;
	[tilespmem:s5+$0x390] =	vst v61;
	v17 =	vld.idx.msk [tilespmem:v17+s18+$0x0], $0xffff  }
0x3e7: {  	v32 =	vadd.s32 s9, v9;
	v27 =	vld.idx.msk [tilespmem:v62+s18+$0x0], $0xffff;
	[tilespmem:s5+$0x3A0] =	vst v20  }
0x3e8: {  	v21 =	vld.idx.msk [tilespmem:v21+s18+$0x0], $0xffff;
	v20 =	vadd.s32 s12, v10;
	[tilespmem:s5+$0x230] =	vst v24  }
0x3e9: {  	v34 =	vadd.s32 s6, v10;
	v23 =	vld.idx.msk [tilespmem:v23+s18+$0x0], $0xffff;
	[tilespmem:s5+$0x3D0] =	vst v18  }
0x3ea: {  	v33 =	vadd.s32 s8, v10;
	v25 =	vld.idx.msk [tilespmem:v63+s18+$0x0], $0xffff;
	[tilespmem:s5+$0x200] =	vst v22  }
0x3eb: {  	v18 =	vadd.s32 s24, v10;
	v19 =	vld.idx.msk [tilespmem:v19+s18+$0x0], $0xffff;
	[tilespmem:s5+$0x4060] =	vst v17  }
0x3ec: {  	v22 =	vadd.s32 s1, v6;
	v26 =	vld.idx.msk [tilespmem:v32+s18+$0x0], $0xffff;
	[tilespmem:s5+$0x4010] =	vst v27  }
0x3ed: {  	v17 =	vadd.s32 s0, v7;
	[tilespmem:s5+$0x4040] =	vst v21;
	v20 =	vld.idx.msk [tilespmem:v20+s18+$0x0], $0xffff  }
0x3ee: {  	v35 =	vadd.s32 s9, v10;
	v27 =	vld.idx.msk [tilespmem:v34+s18+$0x0], $0xffff;
	[tilespmem:s5+$0x4020] =	vst v23  }
0x3ef: {  	v21 =	vadd.s32 s15, v3;
	v24 =	vld.idx.msk [tilespmem:v33+s18+$0x0], $0xffff;
	[tilespmem:s5+$0x2B0] =	vst v25  }
0x3f0: {  	v23 =	vadd.s32 s12, v11;
	v18 =	vld.idx.msk [tilespmem:v18+s18+$0x0], $0xffff;
	[tilespmem:s5+$0xF0] =	vst v19  }
0x3f1: {  	v36 =	vadd.s32 s6, v11;
	v22 =	vld.idx.msk [tilespmem:v22+s18+$0x0], $0xffff;
	[tilespmem:s5+$0x4050] =	vst v26  }
0x3f2: {  	v19 =	vadd.s32 s24, v11;
	v17 =	vld.idx.msk [tilespmem:v17+s18+$0x0], $0xffff;
	[tilespmem:s5+$0x40E0] =	vst v20  }
0x3f3: {  	v37 =	vadd.s32 s1, v7;
	v38 =	vld.idx.msk [tilespmem:v35+s18+$0x0], $0xffff;
	[tilespmem:s5+$0x4090] =	vst v27  }
0x3f4: {  	v20 =	vld.idx.msk [tilespmem:v21+s18+$0x0], $0xffff;
	v21 =	vadd.s32 s8, v11;
	[tilespmem:s5+$0x40C0] =	vst v24  }
0x3f5: {  	v39 =	vadd.s32 s15, v4;
	v23 =	vld.idx.msk [tilespmem:v23+s18+$0x0], $0xffff;
	[tilespmem:s5+$0x40A0] =	vst v18  }
0x3f6: {  	v27 =	vld.idx.msk [tilespmem:v36+s18+$0x0], $0xffff;
	v18 =	vadd.s32 s12, v12;
	[tilespmem:s5+$0x280] =	vst v22  }
0x3f7: {  	v22 =	vadd.s32 s9, v11;
	v19 =	vld.idx.msk [tilespmem:v19+s18+$0x0], $0xffff;
	[tilespmem:s5+$0x330] =	vst v17  }
0x3f8: {  	v40 =	vadd.s32 s6, v12;
	v26 =	vld.idx.msk [tilespmem:v37+s18+$0x0], $0xffff;
	[tilespmem:s5+$0x40D0] =	vst v38  }
0x3f9: {  	v17 =	vadd.s32 s0, v8;
	v21 =	vld.idx.msk [tilespmem:v21+s18+$0x0], $0xffff;
	[tilespmem:s5+$0x170] =	vst v20  }
0x3fa: {  	v20 =	vadd.s32 s24, v12;
	[tilespmem:s5+$0x4160] =	vst v23;
	v23 =	vld.idx.msk [tilespmem:v39+s18+$0x0], $0xffff  }
0x3fb: {  	v41 =	vadd.s32 s1, v8;
	[tilespmem:s5+$0x4110] =	vst v27;
	v18 =	vld.idx.msk [tilespmem:v18+s18+$0x0], $0xffff  }
0x3fc: {  	v42 =	vadd.s32 s15, v5;
	v22 =	vld.idx.msk [tilespmem:v22+s18+$0x0], $0xffff;
	[tilespmem:s5+$0x4120] =	vst v19  }
0x3fd: {  	v27 =	vld.idx.msk [tilespmem:v40+s18+$0x0], $0xffff;
	v19 =	vadd.s32 s12, v13;
	[tilespmem:s5+$0x300] =	vst v26  }
0x3fe: {  	v43 =	vadd.s32 s9, v12;
	v17 =	vld.idx.msk [tilespmem:v17+s18+$0x0], $0xffff;
	[tilespmem:s5+$0x4140] =	vst v21  }
0x3ff: {  	v44 =	vadd.s32 s6, v13;
	v20 =	vld.idx.msk [tilespmem:v20+s18+$0x0], $0xffff;
	[tilespmem:s5+$0x1F0] =	vst v23  }
0x400: {  	v45 =	vadd.s32 s8, v12;
	v23 =	vld.idx.msk [tilespmem:v41+s18+$0x0], $0xffff;
	[tilespmem:s5+$0x41E0] =	vst v18  }
0x401: {  	v18 =	vadd.s32 s24, v13;
	v24 =	vld.idx.msk [tilespmem:v42+s18+$0x0], $0xffff;
	[tilespmem:s5+$0x4150] =	vst v22  }
0x402: {  	v22 =	vadd.s32 s1, v9;
	[tilespmem:s5+$0x4190] =	vst v27;
	v19 =	vld.idx.msk [tilespmem:v19+s18+$0x0], $0xffff  }
0x403: {  	v47 =	vadd.s32 s15, v6;
	v46 =	vld.idx.msk [tilespmem:v43+s18+$0x0], $0xffff;
	[tilespmem:s5+$0x3B0] =	vst v17  }
0x404: {  	v48 =	vadd.s32 s12, v14;
	v21 =	vld.idx.msk [tilespmem:v44+s18+$0x0], $0xffff;
	[tilespmem:s5+$0x41A0] =	vst v20  }
0x405: {  	v49 =	vadd.s32 s9, v13;
	v20 =	vld.idx.msk [tilespmem:v45+s18+$0x0], $0xffff;
	[tilespmem:s5+$0x380] =	vst v23  }
0x406: {  	v23 =	vadd.s32 s0, v9;
	v18 =	vld.idx.msk [tilespmem:v18+s18+$0x0], $0xffff;
	[tilespmem:s5+$0x270] =	vst v24  }
0x407: {  	v50 =	vadd.s32 s8, v13;
	v22 =	vld.idx.msk [tilespmem:v22+s18+$0x0], $0xffff;
	[tilespmem:s5+$0x4260] =	vst v19  }
0x408: {  	v51 =	vadd.s32 s1, v10;
	v28 =	vld.idx.msk [tilespmem:v47+s18+$0x0], $0xffff;
	[tilespmem:s5+$0x41D0] =	vst v46  }
0x409: {  	v19 =	vadd.s32 s24, v14;
	[tilespmem:s5+$0x4210] =	vst v21;
	v26 =	vld.idx.msk [tilespmem:v48+s18+$0x0], $0xffff  }
0x40a: {  	v52 =	vadd.s32 s15, v7;
	v17 =	vld.idx.msk [tilespmem:v49+s18+$0x0], $0xffff;
	[tilespmem:s5+$0x41C0] =	vst v20  }
0x40b: {  	v53 =	vadd.s32 s9, v14;
	v20 =	vld.idx.msk [tilespmem:v23+s18+$0x0], $0xffff;
	[tilespmem:s5+$0x4220] =	vst v18  }
0x40c: {  	v23 =	vadd.s32 s12, v15;
	v18 =	vld.idx.msk [tilespmem:v50+s18+$0x0], $0xffff;
	[tilespmem:s5+$0x4000] =	vst v22  }
0x40d: {  	v55 =	vadd.s32 s6, v14;
	[tilespmem:s5+$0x2F0] =	vst v28;
	v27 =	vld.idx.msk [tilespmem:v51+s18+$0x0], $0xffff  }
0x40e: {  	v22 =	vld.idx.msk [tilespmem:v19+s18+$0x0], $0xffff;
	v19 =	vadd.s32 s0, v10;
	[tilespmem:s5+$0x42E0] =	vst v26  }
0x40f: {  	v54 =	vadd.s32 s8, v14;
	v25 =	vld.idx.msk [tilespmem:v52+s18+$0x0], $0xffff;
	[tilespmem:s5+$0x4250] =	vst v17  }
0x410: {  	v17 =	vadd.s32 s1, v11;
	v24 =	vld.idx.msk [tilespmem:v53+s18+$0x0], $0xffff;
	[tilespmem:s5+$0x4030] =	vst v20  }
0x411: {  	v23 =	vld.idx.msk [tilespmem:v23+s18+$0x0], $0xffff;
	v20 =	vadd.s32 s15, v8;
	[tilespmem:s5+$0x4240] =	vst v18  }
0x412: {  	v56 =	vadd.s32 s9, v15;
	v26 =	vld.idx.msk [tilespmem:v55+s18+$0x0], $0xffff;
	[tilespmem:s5+$0x4080] =	vst v27  }
0x413: {  	v18 =	vld.idx.msk [tilespmem:v19+s18+$0x0], $0xffff;
	v19 =	vadd.s32 s12, v16;
	[tilespmem:s5+$0x42A0] =	vst v22  }
0x414: {  	v57 =	vadd.s32 s0, v11;
	v21 =	vld.idx.msk [tilespmem:v54+s18+$0x0], $0xffff;
	[tilespmem:s5+$0x370] =	vst v25  }
0x415: {  	v58 =	vadd.s32 s8, v15;
	v17 =	vld.idx.msk [tilespmem:v17+s18+$0x0], $0xffff;
	[tilespmem:s5+$0x42D0] =	vst v24  }
0x416: {  	[tilespmem:s5+$0x4360] =	vst v23;
	v23 =	vadd.s32 s6, v15;
	v20 =	vld.idx.msk [tilespmem:v20+s18+$0x0], $0xffff  }
0x417: {  	v59 =	vadd.s32 s1, v12;
	[tilespmem:s5+$0x4290] =	vst v26;
	v28 =	vld.idx.msk [tilespmem:v56+s18+$0x0], $0xffff  }
0x418: {  	v60 =	vadd.s32 s9, v16;
	v19 =	vld.idx.msk [tilespmem:v19+s18+$0x0], $0xffff;
	[tilespmem:s5+$0x40B0] =	vst v18  }
0x419: {  	v18 =	vadd.s32 s15, v9;
	[tilespmem:s5+$0x42C0] =	vst v21;
	v21 =	vld.idx.msk [tilespmem:v57+s18+$0x0], $0xffff  }
0x41a: {  	v25 =	vld.idx.msk [tilespmem:v58+s18+$0x0], $0xffff;
	[tilespmem:s5+$0x4100] =	vst v17;
	v17 =	vadd.s32 s0, v12  }
0x41b: {  	v61 =	vadd.s32 s8, v16;
	v23 =	vld.idx.msk [tilespmem:v23+s18+$0x0], $0xffff;
	[tilespmem:s5+$0x3F0] =	vst v20  }
0x41c: {  	v31 =	vadd.s32 s24, v15;
	v20 =	vld.idx.msk [tilespmem:v59+s18+$0x0], $0xffff;
	[tilespmem:s5+$0x4350] =	vst v28  }
0x41d: {  	v62 =	vadd.s32 s6, v16;
	v26 =	vld.idx.msk [tilespmem:v60+s18+$0x0], $0xffff;
	[tilespmem:s5+$0x43E0] =	vst v19  }
0x41e: {  	v30 =	vadd.s32 s1, v13;
	v29 =	vld.idx.msk [tilespmem:v18+s18+$0x0], $0xffff;
	[tilespmem:s5+$0x4130] =	vst v21  }
0x41f: {  	v63 =	vadd.s32 s15, v10;
	[tilespmem:s5+$0x4340] =	vst v25;
	v18 =	vld.idx.msk [tilespmem:v17+s18+$0x0], $0xffff  }
0x420: {  	v19 =	vld.idx.msk [tilespmem:v61+s18+$0x0], $0xffff;
	[tilespmem:s5+$0x4310] =	vst v23  }
0x421: {  	[tilespmem:s5+$0x4180] =	vst v20;
	v20 =	vld.idx.msk [tilespmem:v31+s18+$0x0], $0xffff  }
0x422: {  	v17 =	vld.idx.msk [tilespmem:v62+s18+$0x0], $0xffff  }
0x423: {  	s26 =	simm.s32 $0x0;
	v21 =	vld.idx.msk [tilespmem:v30+s18+$0x0], $0xffff;
	[tilespmem:s5+$0x4070] =	vst v29  }
0x424: {  	s25 =	smov.u32 s15;
	s8 =	sadd.s32 $0x80, s15;
	v22 =	vadd.s32 s1, v14;
	s6 =	simm.s32 $0x3100;
	[tilespmem:s5+$0x43D0] =	vst v26;
	v23 =	vld.idx.msk [tilespmem:v63+s18+$0x0], $0xffff  }
.LBB2_12:
0x425: {  	s22 =	sadd.s32 $0xFFFFFF90, s8;
	v24 =	vadd.s32 s8, v1;
	s26 =	sadd.s32 $0x8, s26;
	s5 =	sadd.s32 $0x400, s5  }
0x426: {  	s9 =	sadd.s32 $0xFFFFFFA0, s8;
	v25 =	vadd.s32 s22, v1;
	p0 =	slt.u32 s26, $0x78;
	[tilespmem:s6+$0x43C0] =	vst v19  }
0x427: {  	s7 =	sadd.s32 $0xFFFFFFB0, s8;
	v19 =	vadd.s32 s9, v1;
	[tilespmem:s6+$0x4390] =	vst v17  }
0x428: {  	s17 =	sadd.s32 $0xFFFFFFC0, s8;
	v17 =	vadd.s32 s7, v1;
	[tilespmem:s6+$0x4200] =	vst v21  }
0x429: {  	s12 =	sadd.s32 $0xFFFFFFD0, s8;
	v21 =	vadd.s32 s17, v1;
	v22 =	vld.idx.msk [tilespmem:v22+s18+$0x0], $0xffff;
	[tilespmem:s6+$0x40F0] =	vst v23;
	v23 =	vadd.s32 s25, v11  }
0x42a: {  	s13 =	sadd.s32 $0xFFFFFFE0, s8;
	v26 =	vadd.s32 s12, v1;
	v24 =	vld.idx.msk [tilespmem:v24+s18+$0x0], $0xffff;
	[tilespmem:s6+$0x4320] =	vst v20  }
0x42b: {  	s14 =	sadd.s32 $0xFFFFFFF0, s8;
	v27 =	vadd.s32 s1, v15;
	v20 =	vld.idx.msk [tilespmem:v25+s18+$0x0], $0xffff;
	v25 =	vadd.s32 s13, v1  }
0x42c: {  	v28 =	vadd.s32 s14, v1;
	v19 =	vld.idx.msk [tilespmem:v19+s18+$0x0], $0xffff  }
0x42d: {  	v29 =	vadd.s32 s22, v2;
	v17 =	vld.idx.msk [tilespmem:v17+s18+$0x0], $0xffff  }
0x42e: {  	v30 =	vadd.s32 s9, v2;
	v23 =	vld.idx.msk [tilespmem:v23+s18+$0x0], $0xffff  }
0x42f: {  	v31 =	vadd.s32 s7, v2;
	v32 =	vld.idx.msk [tilespmem:v21+s18+$0x0], $0xffff;
	[tilespmem:s6+$0x4280] =	vst v22  }
0x430: {  	v21 =	vadd.s32 s17, v2;
	[tilespmem:s5+$0x70] =	vst v24;
	v22 =	vld.idx.msk [tilespmem:v27+s18+$0x0], $0xffff;
	v24 =	vadd.s32 s0, v13  }
0x431: {  	[tilespmem:s5+$0x0] =	vst v20;
	v20 =	vld.idx.msk [tilespmem:v26+s18+$0x0], $0xffff;
	v26 =	vadd.s32 s12, v2  }
0x432: {  	[tilespmem:s5+$0x10] =	vst v19;
	v19 =	vld.idx.msk [tilespmem:v25+s18+$0x0], $0xffff;
	v25 =	vadd.s32 s13, v2  }
0x433: {  	v33 =	vadd.s32 s1, v16;
	s1 =	smov.u32 s22;
	[tilespmem:s5+$0x20] =	vst v17;
	v27 =	vld.idx.msk [tilespmem:v28+s18+$0x0], $0xffff;
	v28 =	vadd.s32 s14, v2  }
0x434: {  	v17 =	vadd.s32 s1, v3;
	v29 =	vld.idx.msk [tilespmem:v29+s18+$0x0], $0xffff;
	[tilespmem:s6+$0x41B0] =	vst v18;
	v18 =	vadd.s32 s25, v12  }
0x435: {  	v34 =	vadd.s32 s9, v3;
	[tilespmem:s5+$0x30] =	vst v32;
	v24 =	vld.idx.msk [tilespmem:v24+s18+$0x0], $0xffff  }
0x436: {  	v32 =	vadd.s32 s7, v3;
	v30 =	vld.idx.msk [tilespmem:v30+s18+$0x0], $0xffff;
	[tilespmem:s6+$0x4300] =	vst v22  }
0x437: {  	v22 =	vadd.s32 s17, v3;
	v31 =	vld.idx.msk [tilespmem:v31+s18+$0x0], $0xffff;
	[tilespmem:s5+$0x40] =	vst v20;
	v20 =	vadd.s32 s0, v14  }
0x438: {  	v35 =	vadd.s32 s12, v3;
	v33 =	vld.idx.msk [tilespmem:v33+s18+$0x0], $0xffff;
	[tilespmem:s6+$0x4170] =	vst v23  }
0x439: {  	v36 =	vadd.s32 s13, v3;
	[tilespmem:s5+$0x60] =	vst v27;
	v27 =	vld.idx.msk [tilespmem:v18+s18+$0x0], $0xffff  }
0x43a: {  	v37 =	vadd.s32 s25, v13;
	[tilespmem:s5+$0x80] =	vst v29;
	v28 =	vld.idx.msk [tilespmem:v28+s18+$0x0], $0xffff;
	v29 =	vadd.s32 s14, v3  }
0x43b: {  	v18 =	vadd.s32 s1, v4;
	v26 =	vld.idx.msk [tilespmem:v26+s18+$0x0], $0xffff;
	[tilespmem:s6+$0x4230] =	vst v24  }
0x43c: {  	v24 =	vadd.s32 s9, v4;
	[tilespmem:s5+$0x90] =	vst v30;
	v30 =	vld.idx.msk [tilespmem:v20+s18+$0x0], $0xffff  }
0x43d: {  	v34 =	vld.idx.msk [tilespmem:v34+s18+$0x0], $0xffff;
	[tilespmem:s5+$0xA0] =	vst v31;
	v31 =	vadd.s32 s7, v4  }
0x43e: {  	v23 =	vadd.s32 s17, v4;
	v32 =	vld.idx.msk [tilespmem:v32+s18+$0x0], $0xffff;
	[tilespmem:s5+$0x50] =	vst v19;
	v19 =	vadd.s32 s0, v15  }
0x43f: {  	v39 =	vadd.s32 s24, v16;
	v38 =	vadd.s32 s12, v4;
	s24 =	smov.u32 s7;
	v25 =	vld.idx.msk [tilespmem:v25+s18+$0x0], $0xffff;
	[tilespmem:s6+$0x41F0] =	vst v27  }
0x440: {  	v27 =	vadd.s32 s13, v4;
	[tilespmem:s5+$0xE0] =	vst v28;
	v28 =	vld.idx.msk [tilespmem:v37+s18+$0x0], $0xffff  }
0x441: {  	v37 =	vadd.s32 s25, v14;
	[tilespmem:s5+$0xC0] =	vst v26;
	v26 =	vld.idx.msk [tilespmem:v29+s18+$0x0], $0xffff;
	v29 =	vadd.s32 s14, v4  }
0x442: {  	v20 =	vadd.s32 s1, v5;
	v35 =	vld.idx.msk [tilespmem:v35+s18+$0x0], $0xffff;
	[tilespmem:s6+$0x42B0] =	vst v30  }
0x443: {  	v30 =	vadd.s32 s9, v5;
	[tilespmem:s6+$0x4380] =	vst v33;
	v33 =	vld.idx.msk [tilespmem:v19+s18+$0x0], $0xffff  }
0x444: {  	v19 =	vadd.s32 s8, v3;
	[tilespmem:s5+$0x110] =	vst v34;
	v34 =	vadd.s32 s24, v5;
	v39 =	vld.idx.msk [tilespmem:v39+s18+$0x0], $0xffff  }
0x445: {  	v40 =	vld.idx.msk [tilespmem:v24+s18+$0x0], $0xffff;
	v24 =	vadd.s32 s17, v5;
	[tilespmem:s5+$0xD0] =	vst v25;
	v25 =	vadd.s32 s0, v16;
	s0 =	smov.u32 s17  }
0x446: {  	v41 =	vadd.s32 s12, v5;
	v36 =	vld.idx.msk [tilespmem:v36+s18+$0x0], $0xffff;
	[tilespmem:s6+$0x4270] =	vst v28  }
0x447: {  	v28 =	vadd.s32 s13, v5;
	[tilespmem:s5+$0x160] =	vst v26;
	v26 =	vld.idx.msk [tilespmem:v37+s18+$0x0], $0xffff  }
0x448: {  	v37 =	vadd.s32 s25, v15;
	[tilespmem:s5+$0x140] =	vst v35;
	v29 =	vld.idx.msk [tilespmem:v29+s18+$0x0], $0xffff;
	v35 =	vadd.s32 s14, v5  }
0x449: {  	v38 =	vld.idx.msk [tilespmem:v38+s18+$0x0], $0xffff;
	[tilespmem:s6+$0x4330] =	vst v33  }
0x44a: {  	[tilespmem:s5+$0x120] =	vst v32;
	v25 =	vld.idx.msk [tilespmem:v25+s18+$0x0], $0xffff  }
0x44b: {  	[tilespmem:s5+$0x190] =	vst v40;
	v31 =	vld.idx.msk [tilespmem:v31+s18+$0x0], $0xffff  }
0x44c: {  	v30 =	vld.idx.msk [tilespmem:v30+s18+$0x0], $0xffff;
	[tilespmem:s5+$0x150] =	vst v36  }
0x44d: {  	v27 =	vld.idx.msk [tilespmem:v27+s18+$0x0], $0xffff;
	[tilespmem:s6+$0x42F0] =	vst v26  }
0x44e: {  	[tilespmem:s5+$0x1E0] =	vst v29;
	v26 =	vld.idx.msk [tilespmem:v37+s18+$0x0], $0xffff  }
0x44f: {  	v32 =	vadd.s32 s25, v16;
	s25 =	smov.u32 s8;
	[tilespmem:s5+$0x1C0] =	vst v38;
	v29 =	vld.idx.msk [tilespmem:v35+s18+$0x0], $0xffff  }
0x450: {  	v33 =	vld.idx.msk [tilespmem:v41+s18+$0x0], $0xffff;
	[tilespmem:s6+$0x43B0] =	vst v25  }
0x451: {  	v25 =	vadd.s32 s14, v6;
	[tilespmem:s5+$0x1A0] =	vst v31  }
0x452: {  	v31 =	vadd.s32 s12, v6;
	[tilespmem:s5+$0x210] =	vst v30;
	v30 =	vld.idx.msk [tilespmem:v34+s18+$0x0], $0xffff  }
0x453: {  	v34 =	vadd.s32 s9, v6;
	v21 =	vld.idx.msk [tilespmem:v21+s18+$0x0], $0xffff;
	[tilespmem:s5+$0x1D0] =	vst v27  }
0x454: {  	v27 =	vadd.s32 s24, v6;
	v28 =	vld.idx.msk [tilespmem:v28+s18+$0x0], $0xffff;
	[tilespmem:s6+$0x4370] =	vst v26  }
0x455: {  	[tilespmem:s5+$0x260] =	vst v29;
	v26 =	vld.idx.msk [tilespmem:v32+s18+$0x0], $0xffff  }
0x456: {  	v29 =	vadd.s32 s13, v6;
	[tilespmem:s5+$0x240] =	vst v33;
	v25 =	vld.idx.msk [tilespmem:v25+s18+$0x0], $0xffff  }
0x457: {  	v31 =	vld.idx.msk [tilespmem:v31+s18+$0x0], $0xffff;
	[tilespmem:s6+$0x43A0] =	vst v39  }
0x458: {  	v32 =	vld.idx.msk [tilespmem:v34+s18+$0x0], $0xffff;
	[tilespmem:s5+$0x220] =	vst v30;
	v30 =	vadd.s32 s14, v7  }
0x459: {  	v27 =	vld.idx.msk [tilespmem:v27+s18+$0x0], $0xffff;
	[tilespmem:s5+$0xB0] =	vst v21;
	v21 =	vadd.s32 s12, v7  }
0x45a: {  	v33 =	vadd.s32 s9, v7;
	v22 =	vld.idx.msk [tilespmem:v22+s18+$0x0], $0xffff;
	[tilespmem:s5+$0x250] =	vst v28  }
0x45b: {  	v28 =	vadd.s32 s24, v7;
	v29 =	vld.idx.msk [tilespmem:v29+s18+$0x0], $0xffff;
	[tilespmem:s6+$0x43F0] =	vst v26;
	s6 =	smov.u32 s5  }
0x45c: {  	v17 =	vld.idx.msk [tilespmem:v17+s18+$0x0], $0xffff;
	[tilespmem:s5+$0x2E0] =	vst v25  }
0x45d: {  	v25 =	vadd.s32 s13, v7;
	[tilespmem:s5+$0x2C0] =	vst v31;
	v26 =	vld.idx.msk [tilespmem:v30+s18+$0x0], $0xffff  }
0x45e: {  	[tilespmem:s5+$0x290] =	vst v32;
	v21 =	vld.idx.msk [tilespmem:v21+s18+$0x0], $0xffff  }
0x45f: {  	v30 =	vld.idx.msk [tilespmem:v33+s18+$0x0], $0xffff;
	[tilespmem:s5+$0x2A0] =	vst v27;
	v27 =	vadd.s32 s14, v8  }
0x460: {  	v28 =	vld.idx.msk [tilespmem:v28+s18+$0x0], $0xffff;
	[tilespmem:s5+$0x130] =	vst v22;
	v22 =	vadd.s32 s12, v8  }
0x461: {  	v31 =	vadd.s32 s9, v8;
	v23 =	vld.idx.msk [tilespmem:v23+s18+$0x0], $0xffff;
	[tilespmem:s5+$0x2D0] =	vst v29  }
0x462: {  	[tilespmem:s5+$0x100] =	vst v17;
	v17 =	vadd.s32 s24, v8;
	v25 =	vld.idx.msk [tilespmem:v25+s18+$0x0], $0xffff  }
0x463: {  	v18 =	vld.idx.msk [tilespmem:v18+s18+$0x0], $0xffff;
	[tilespmem:s5+$0x360] =	vst v26  }
0x464: {  	[tilespmem:s5+$0x340] =	vst v21;
	v21 =	vadd.s32 s13, v8;
	v26 =	vld.idx.msk [tilespmem:v27+s18+$0x0], $0xffff  }
0x465: {  	[tilespmem:s5+$0x310] =	vst v30;
	v22 =	vld.idx.msk [tilespmem:v22+s18+$0x0], $0xffff  }
0x466: {  	v27 =	vld.idx.msk [tilespmem:v31+s18+$0x0], $0xffff;
	[tilespmem:s5+$0x320] =	vst v28;
	v28 =	vadd.s32 s14, v9  }
0x467: {  	v29 =	vld.idx.msk [tilespmem:v17+s18+$0x0], $0xffff;
	[tilespmem:s5+$0x1B0] =	vst v23;
	v23 =	vadd.s32 s12, v9  }
0x468: {  	v30 =	vadd.s32 s9, v9;
	v17 =	vadd.s32 s8, v8;
	v24 =	vld.idx.msk [tilespmem:v24+s18+$0x0], $0xffff;
	[tilespmem:s5+$0x350] =	vst v25  }
0x469: {  	[tilespmem:s5+$0x180] =	vst v18;
	v18 =	vadd.s32 s24, v9;
	v21 =	vld.idx.msk [tilespmem:v21+s18+$0x0], $0xffff  }
0x46a: {  	v25 =	vadd.s32 s0, v6;
	v20 =	vld.idx.msk [tilespmem:v20+s18+$0x0], $0xffff;
	[tilespmem:s5+$0x3E0] =	vst v26  }
0x46b: {  	v26 =	vadd.s32 s8, v2;
	[tilespmem:s5+$0x3C0] =	vst v22;
	v22 =	vld.idx.msk [tilespmem:v28+s18+$0x0], $0xffff  }
0x46c: {  	[tilespmem:s5+$0x390] =	vst v27;
	v23 =	vld.idx.msk [tilespmem:v23+s18+$0x0], $0xffff;
	v27 =	vadd.s32 s13, v9  }
0x46d: {  	v28 =	vld.idx.msk [tilespmem:v30+s18+$0x0], $0xffff;
	[tilespmem:s5+$0x3A0] =	vst v29;
	v29 =	vadd.s32 s14, v10  }
0x46e: {  	v30 =	vld.idx.msk [tilespmem:v18+s18+$0x0], $0xffff;
	[tilespmem:s5+$0x230] =	vst v24;
	v24 =	vadd.s32 s12, v10  }
0x46f: {  	v31 =	vadd.s32 s9, v10;
	v18 =	vadd.s32 s8, v9;
	v25 =	vld.idx.msk [tilespmem:v25+s18+$0x0], $0xffff;
	[tilespmem:s5+$0x3D0] =	vst v21  }
0x470: {  	[tilespmem:s5+$0x200] =	vst v20;
	v20 =	vadd.s32 s24, v10;
	v21 =	vld.idx.msk [tilespmem:v26+s18+$0x0], $0xffff  }
0x471: {  	v26 =	vadd.s32 s1, v6;
	v27 =	vld.idx.msk [tilespmem:v27+s18+$0x0], $0xffff;
	[tilespmem:s5+$0x4060] =	vst v22  }
0x472: {  	v22 =	vadd.s32 s0, v7;
	[tilespmem:s5+$0x4040] =	vst v23;
	v23 =	vld.idx.msk [tilespmem:v29+s18+$0x0], $0xffff  }
0x473: {  	[tilespmem:s5+$0x4010] =	vst v28;
	v24 =	vld.idx.msk [tilespmem:v24+s18+$0x0], $0xffff  }
0x474: {  	v29 =	vadd.s32 s14, v11;
	v28 =	vld.idx.msk [tilespmem:v31+s18+$0x0], $0xffff;
	[tilespmem:s5+$0x4020] =	vst v30  }
0x475: {  	v30 =	vld.idx.msk [tilespmem:v20+s18+$0x0], $0xffff;
	[tilespmem:s5+$0x2B0] =	vst v25;
	v25 =	vadd.s32 s13, v10  }
0x476: {  	v31 =	vadd.s32 s9, v11;
	v20 =	vadd.s32 s8, v10;
	v26 =	vld.idx.msk [tilespmem:v26+s18+$0x0], $0xffff;
	[tilespmem:s5+$0xF0] =	vst v21  }
0x477: {  	v21 =	vadd.s32 s24, v11;
	v22 =	vld.idx.msk [tilespmem:v22+s18+$0x0], $0xffff;
	[tilespmem:s5+$0x4050] =	vst v27  }
0x478: {  	v27 =	vadd.s32 s1, v7;
	[tilespmem:s5+$0x40E0] =	vst v23;
	v19 =	vld.idx.msk [tilespmem:v19+s18+$0x0], $0xffff  }
0x479: {  	v23 =	vadd.s32 s12, v11;
	[tilespmem:s5+$0x40C0] =	vst v24;
	v24 =	vld.idx.msk [tilespmem:v29+s18+$0x0], $0xffff  }
0x47a: {  	[tilespmem:s5+$0x4090] =	vst v28;
	v25 =	vld.idx.msk [tilespmem:v25+s18+$0x0], $0xffff;
	v28 =	vadd.s32 s8, v4  }
0x47b: {  	v29 =	vld.idx.msk [tilespmem:v31+s18+$0x0], $0xffff;
	[tilespmem:s5+$0x40A0] =	vst v30;
	v30 =	vadd.s32 s14, v12  }
0x47c: {  	[tilespmem:s5+$0x280] =	vst v26;
	v21 =	vld.idx.msk [tilespmem:v21+s18+$0x0], $0xffff;
	v26 =	vadd.s32 s13, v11  }
0x47d: {  	v31 =	vadd.s32 s9, v12;
	v27 =	vld.idx.msk [tilespmem:v27+s18+$0x0], $0xffff;
	[tilespmem:s5+$0x330] =	vst v22  }
0x47e: {  	v22 =	vadd.s32 s0, v8;
	v23 =	vld.idx.msk [tilespmem:v23+s18+$0x0], $0xffff;
	[tilespmem:s5+$0x170] =	vst v19  }
0x47f: {  	v19 =	vadd.s32 s24, v12;
	[tilespmem:s5+$0x4160] =	vst v24;
	v24 =	vld.idx.msk [tilespmem:v28+s18+$0x0], $0xffff  }
0x480: {  	v28 =	vadd.s32 s1, v8;
	[tilespmem:s5+$0x40D0] =	vst v25;
	v25 =	vld.idx.msk [tilespmem:v30+s18+$0x0], $0xffff  }
0x481: {  	[tilespmem:s5+$0x4110] =	vst v29;
	v26 =	vld.idx.msk [tilespmem:v26+s18+$0x0], $0xffff;
	v29 =	vadd.s32 s8, v5  }
0x482: {  	v30 =	vld.idx.msk [tilespmem:v31+s18+$0x0], $0xffff;
	[tilespmem:s5+$0x4120] =	vst v21;
	v21 =	vadd.s32 s14, v13  }
0x483: {  	v31 =	vadd.s32 s13, v12;
	v22 =	vld.idx.msk [tilespmem:v22+s18+$0x0], $0xffff  }
0x484: {  	[tilespmem:s5+$0x300] =	vst v27;
	v27 =	vadd.s32 s9, v13;
	v19 =	vld.idx.msk [tilespmem:v19+s18+$0x0], $0xffff  }
0x485: {  	v32 =	vadd.s32 s12, v12;
	v28 =	vld.idx.msk [tilespmem:v28+s18+$0x0], $0xffff;
	[tilespmem:s5+$0x1F0] =	vst v24  }
0x486: {  	v24 =	vadd.s32 s24, v13;
	[tilespmem:s5+$0x41E0] =	vst v25;
	v25 =	vld.idx.msk [tilespmem:v29+s18+$0x0], $0xffff  }
0x487: {  	v29 =	vadd.s32 s1, v9;
	[tilespmem:s5+$0x4150] =	vst v26;
	v21 =	vld.idx.msk [tilespmem:v21+s18+$0x0], $0xffff  }
0x488: {  	[tilespmem:s5+$0x4190] =	vst v30;
	v26 =	vld.idx.msk [tilespmem:v31+s18+$0x0], $0xffff;
	v30 =	vadd.s32 s8, v6  }
0x489: {  	v27 =	vld.idx.msk [tilespmem:v27+s18+$0x0], $0xffff;
	[tilespmem:s5+$0x4140] =	vst v23;
	v23 =	vadd.s32 s14, v14  }
0x48a: {  	v31 =	vadd.s32 s13, v13;
	[tilespmem:s5+$0x41A0] =	vst v19;
	v19 =	vld.idx.msk [tilespmem:v32+s18+$0x0], $0xffff  }
0x48b: {  	[tilespmem:s5+$0x380] =	vst v28;
	v24 =	vld.idx.msk [tilespmem:v24+s18+$0x0], $0xffff;
	v28 =	vadd.s32 s0, v9  }
0x48c: {  	v32 =	vadd.s32 s12, v13;
	v29 =	vld.idx.msk [tilespmem:v29+s18+$0x0], $0xffff;
	[tilespmem:s5+$0x270] =	vst v25  }
0x48d: {  	v25 =	vadd.s32 s24, v14;
	[tilespmem:s5+$0x4260] =	vst v21;
	v21 =	vld.idx.msk [tilespmem:v30+s18+$0x0], $0xffff  }
0x48e: {  	v30 =	vadd.s32 s1, v10;
	[tilespmem:s5+$0x41D0] =	vst v26;
	v23 =	vld.idx.msk [tilespmem:v23+s18+$0x0], $0xffff  }
0x48f: {  	v26 =	vadd.s32 s8, v7;
	[tilespmem:s5+$0x3B0] =	vst v22;
	v22 =	vld.idx.msk [tilespmem:v31+s18+$0x0], $0xffff  }
0x490: {  	v28 =	vld.idx.msk [tilespmem:v28+s18+$0x0], $0xffff;
	[tilespmem:s5+$0x41C0] =	vst v19;
	v19 =	vadd.s32 s14, v15  }
0x491: {  	v31 =	vadd.s32 s13, v14;
	[tilespmem:s5+$0x4220] =	vst v24;
	v24 =	vld.idx.msk [tilespmem:v32+s18+$0x0], $0xffff  }
0x492: {  	[tilespmem:s5+$0x4000] =	vst v29;
	v25 =	vld.idx.msk [tilespmem:v25+s18+$0x0], $0xffff;
	v29 =	vadd.s32 s0, v10  }
0x493: {  	v32 =	vadd.s32 s12, v14;
	v30 =	vld.idx.msk [tilespmem:v30+s18+$0x0], $0xffff;
	[tilespmem:s5+$0x2F0] =	vst v21  }
0x494: {  	v21 =	vadd.s32 s9, v14;
	[tilespmem:s5+$0x42E0] =	vst v23;
	v23 =	vld.idx.msk [tilespmem:v26+s18+$0x0], $0xffff  }
0x495: {  	v26 =	vadd.s32 s1, v11;
	[tilespmem:s5+$0x4250] =	vst v22;
	v19 =	vld.idx.msk [tilespmem:v19+s18+$0x0], $0xffff  }
0x496: {  	[tilespmem:s5+$0x4030] =	vst v28;
	v22 =	vld.idx.msk [tilespmem:v31+s18+$0x0], $0xffff  }
0x497: {  	v28 =	vld.idx.msk [tilespmem:v29+s18+$0x0], $0xffff;
	[tilespmem:s5+$0x4240] =	vst v24;
	v24 =	vadd.s32 s14, v16  }
0x498: {  	v29 =	vadd.s32 s13, v15;
	[tilespmem:s5+$0x4210] =	vst v27;
	v27 =	vld.idx.msk [tilespmem:v32+s18+$0x0], $0xffff  }
0x499: {  	[tilespmem:s5+$0x4080] =	vst v30;
	v21 =	vld.idx.msk [tilespmem:v21+s18+$0x0], $0xffff;
	v30 =	vadd.s32 s0, v11  }
0x49a: {  	v31 =	vadd.s32 s12, v15;
	v26 =	vld.idx.msk [tilespmem:v26+s18+$0x0], $0xffff;
	[tilespmem:s5+$0x370] =	vst v23  }
0x49b: {  	v23 =	vadd.s32 s9, v15;
	[tilespmem:s5+$0x4360] =	vst v19;
	v17 =	vld.idx.msk [tilespmem:v17+s18+$0x0], $0xffff  }
0x49c: {  	v19 =	vadd.s32 s1, v12;
	[tilespmem:s5+$0x42D0] =	vst v22;
	v22 =	vld.idx.msk [tilespmem:v24+s18+$0x0], $0xffff  }
0x49d: {  	[tilespmem:s5+$0x40B0] =	vst v28;
	v24 =	vld.idx.msk [tilespmem:v29+s18+$0x0], $0xffff  }
0x49e: {  	v28 =	vld.idx.msk [tilespmem:v30+s18+$0x0], $0xffff;
	[tilespmem:s5+$0x42C0] =	vst v27  }
0x49f: {  	v27 =	vadd.s32 s13, v16;
	[tilespmem:s5+$0x4290] =	vst v21;
	v21 =	vld.idx.msk [tilespmem:v31+s18+$0x0], $0xffff  }
0x4a0: {  	[tilespmem:s5+$0x4100] =	vst v26;
	v23 =	vld.idx.msk [tilespmem:v23+s18+$0x0], $0xffff;
	v26 =	vadd.s32 s0, v12  }
0x4a1: {  	v29 =	vld.idx.msk [tilespmem:v19+s18+$0x0], $0xffff;
	v19 =	vadd.s32 s12, v16;
	[tilespmem:s5+$0x3F0] =	vst v17  }
0x4a2: {  	v17 =	vadd.s32 s9, v16;
	[tilespmem:s5+$0x43E0] =	vst v22;
	v22 =	vld.idx.msk [tilespmem:v18+s18+$0x0], $0xffff  }
0x4a3: {  	v30 =	vadd.s32 s1, v13;
	[tilespmem:s5+$0x4350] =	vst v24  }
0x4a4: {  	[tilespmem:s5+$0x4130] =	vst v28;
	v24 =	vld.idx.msk [tilespmem:v27+s18+$0x0], $0xffff  }
0x4a5: {  	v27 =	vadd.s32 s24, v15;
	v18 =	vld.idx.msk [tilespmem:v26+s18+$0x0], $0xffff;
	[tilespmem:s5+$0x4340] =	vst v21  }
.Ltmp5:
0x4a6: {  	[tilespmem:s5+$0x4310] =	vst v23;
	v19 =	vld.idx.msk [tilespmem:v19+s18+$0x0], $0xffff;
	(pc) =	sbr.rel @p0 .LBB2_12-.Ltmp5, $4  }
0x4a7: {  	[tilespmem:s5+$0x4180] =	vst v29;
	v17 =	vld.idx.msk [tilespmem:v17+s18+$0x0], $0xffff  }
0x4a8: {  	v21 =	vld.idx.msk [tilespmem:v30+s18+$0x0], $0xffff;
	[tilespmem:s5+$0x4070] =	vst v22  }
0x4a9: {  	[tilespmem:s5+$0x42A0] =	vst v25;
	v23 =	vld.idx.msk [tilespmem:v20+s18+$0x0], $0xffff  }
0x4aa: {  	s8 =	sadd.s32 $0x80, s8;
	v22 =	vadd.s32 s1, v14;
	v20 =	vld.idx.msk [tilespmem:v27+s18+$0x0], $0xffff;
	[tilespmem:s5+$0x43D0] =	vst v24  }
0x4ab: {  	v24 =	vadd.s32 s25, v11;
	_ =	sdelay $0x3  }
0x4ac: {  	[tilespmem:s6+$0x40F0] =	vst v23  }
0x4ad: {  	v23 =	vld.idx.msk [tilespmem:v24+s18+$0x0], $0xffff  }
0x4ae: {  	v52 =	vadd.s32 s25, v12;
	_ =	sdelay $0x3  }
0x4af: {  	[tilespmem:s6+$0x4170] =	vst v23  }
0x4b0: {  	v25 =	vadd.s32 s0, v13;
	v23 =	vld.idx.msk [tilespmem:v52+s18+$0x0], $0xffff  }
0x4b1: {  	v53 =	vadd.s32 s25, v13;
	_ =	sdelay $0x2  }
0x4b2: {  	[tilespmem:s6+$0x41B0] =	vst v18  }
0x4b3: {  	v18 =	vld.idx.msk [tilespmem:v25+s18+$0x0], $0xffff;
	[tilespmem:s6+$0x41F0] =	vst v23  }
0x4b4: {  	v54 =	vadd.s32 s0, v14;
	v23 =	vld.idx.msk [tilespmem:v53+s18+$0x0], $0xffff  }
0x4b5: {  	v55 =	vadd.s32 s25, v14;
	_ =	sdelay $0x1  }
0x4b6: {  	[tilespmem:s6+$0x4200] =	vst v21  }
0x4b7: {  	v21 =	vld.idx.msk [tilespmem:v22+s18+$0x0], $0xffff;
	[tilespmem:s6+$0x4230] =	vst v18  }
0x4b8: {  	v18 =	vadd.s32 s1, v15;
	v56 =	vld.idx.msk [tilespmem:v54+s18+$0x0], $0xffff;
	[tilespmem:s6+$0x4270] =	vst v23  }
0x4b9: {  	v57 =	vadd.s32 s0, v15;
	v23 =	vld.idx.msk [tilespmem:v55+s18+$0x0], $0xffff  }
0x4ba: {  	v58 =	vadd.s32 s25, v15;
	_ =	sdelay $0x1  }
0x4bb: {  	[tilespmem:s6+$0x4280] =	vst v21  }
0x4bc: {  	v61 =	vadd.s32 s24, v16;
	v18 =	vld.idx.msk [tilespmem:v18+s18+$0x0], $0xffff;
	[tilespmem:s6+$0x42B0] =	vst v56  }
0x4bd: {  	v59 =	vadd.s32 s1, v16;
	v22 =	vld.idx.msk [tilespmem:v57+s18+$0x0], $0xffff;
	[tilespmem:s6+$0x42F0] =	vst v23  }
0x4be: {  	v60 =	vadd.s32 s0, v16;
	v24 =	vld.idx.msk [tilespmem:v58+s18+$0x0], $0xffff  }
0x4bf: {  	v26 =	vadd.s32 s25, v16  }
0x4c0: {  	[tilespmem:s6+$0x4320] =	vst v20  }
0x4c1: {  	v63 =	vld.idx.msk [tilespmem:v61+s18+$0x0], $0xffff;
	[tilespmem:s6+$0x4300] =	vst v18  }
0x4c2: {  	v18 =	vld.idx.msk [tilespmem:v59+s18+$0x0], $0xffff;
	[tilespmem:s6+$0x4330] =	vst v22  }
0x4c3: {  	v62 =	vld.idx.msk [tilespmem:v60+s18+$0x0], $0xffff;
	[tilespmem:s6+$0x4370] =	vst v24  }
0x4c4: {  	[tilespmem:s6+$0x43C0] =	vst v19;
	v19 =	vld.idx.msk [tilespmem:v26+s18+$0x0], $0xffff  }
0x4c5: {  	[tilespmem:s6+$0x4390] =	vst v17  }
0x4c6: {  	[tilespmem:s6+$0x43A0] =	vst v63  }
0x4c7: {  	[tilespmem:s6+$0x4380] =	vst v18  }
0x4c8: {  	[tilespmem:s6+$0x43B0] =	vst v62  }
0x4c9: {  	[tilespmem:s6+$0x43F0] =	vst v19  }
0x4ca: {  	s29 =	rddreg [dreg:$0x5]  }
0x4cb: {  	[hbm4b:s29+s3] =	stream.linear.scatter [tilespmem:s19], [sflag:$0x1], $0x8000, $0x38;
	[tilespmem:$0x1B100] =	vst v63  }
0x4cc: {  	_ =	swait.ge [sflag:s23], $0x8000  }
0x4cd: {  	[sflag:s23] =	ssyncset.done $0x0  }
0x4ce: {  	s1 =	simm.s32 $0x2;
	[sflag:s23] =	ssyncadd.s32 $0xFFFF8000  }
0x4cf: {  	_ =	swait.ge [sflag:s1], $0x8000  }
0x4d0: {  	[sflag:s1] =	ssyncset.done $0x0  }
0x4d1: {  	s5 =	simm.s32 $0x3;
	[sflag:s1] =	ssyncadd.s32 $0xFFFF8000  }
0x4d2: {  	_ =	swait.ge [sflag:s5], $0x8000  }
0x4d3: {  	s30 =	rddreg [dreg:$0xa]  }
0x4d4: {  	s31 =	rddreg [dreg:$0x6];
	s6 =	sadd.s32 $0x1, s30  }
0x4d5: {  	p0 =	sne.s32 s6, s31  }
.Ltmp6:
0x4d6: {  	_ = 	snop;
	(pc) =	sbr.rel @p0 .LBB2_1-.Ltmp6, $3  }
0x4d7: {  	_ =	sdelay $0x1  }
0x4d8: {  	[sflag:s5] =	ssyncset.done $0x0  }
0x4d9: {  	[sflag:s5] =	ssyncadd.s32 $0xFFFF8000  }
0x4da: {  	_ =	sfence.sel $0x180000  }
0x4db: {  	[bflag:$0x0] =	sbarrier.arrive $0xFFFF  }
0x4dc: {  	_ =	strace $0x90000047  }
0x4dd: {  	s0 =	stileid.u32;
	[bflag:$0x2] =	sbarrier.arrive $0xFFFF  }
0x4de: {  	p0 =	sne.s32 s0, $0x0;
	s0 =	rddreg [dreg:$0x2]  }
0x4df: {  	s0 =	sadd.s32 @!p0 $0x100000, s0  }
0x4e0: {  	[sflag:s0] =	ssyncadd.tile.s32 @!p0 $0x1;
	_ =	shalt  }
.Lfunc_end2:
_tile_overlayer_lowered:
.L_overlay_start_2:
0x4e1: {  	(tag) =	ssettag $0x2  }
0x4e2: {  	s0 =	rddreg [dreg:$0x0];
	s2 =	stileid.u32  }
0x4e3: {  	s1 =	rddreg [dreg:$0x1];
	p0 =	sne.s32 s2, $0x0  }
0x4e4: {  	s3 =	rddreg [dreg:$0x2];
	[bflag:$0x3] =	sbarrier.arrive $0xFFFF;
	s2 =	simm.s32 @!p0 $0x1C04  }
0x4e5: {  	[timem:s3], [sflag:s2] =	dma.local @!p0 [hbm:s0], s1  }
0x4e6: {  	s0 =	simm.s32 @!p0 $0x4  }
0x4e7: {  	_ =	swait.ge @!p0 [sflag:s0], s1  }
0x4e8: {  	s1 =	ssub.s32 @!p0 $0x0, s1;
	[sflag:s0] =	ssyncset.done @!p0 $0x0  }
0x4e9: {  	[sflag:s0] =	ssyncadd.s32 @!p0 s1  }
0x4ea: {  	[bflag:$0x3] =	sbarrier.arrive $0xFFFF  }
0x4eb: {  	_ =	shalt  }

</sc_bundles>
